<compile_context>
chip_gen: v7x
topology: tpu7x:2x2x1
jax: 0.10.2.dev20260603
libtpu: 0.0.44.dev20260713+nightly
codegen_flags: <defaults>
</compile_context>

<pallas_src>
import functools

import jax
import jax.numpy as jnp
from jax import lax
from jax.experimental import pallas as pl
from jax.experimental.pallas import tpu as pltpu
from jax.experimental.pallas import tpu_sc as plsc

MAX_LEN = 200
D = 64
DPAD = 128
BATCH = 4096
SEQ = 200

NC = 2
NS = 16
NW = NC * NS
BPW = BATCH // NW
NSLOT = 4


def _make_kernel():
    mesh = plsc.VectorSubcoreMesh(core_axis_name="c", subcore_axis_name="s")

    @functools.partial(
        pl.kernel,
        mesh=mesh,
        out_type=jax.ShapeDtypeStruct((BATCH, SEQ, DPAD), jnp.float32),
        scratch_types=[
            pltpu.VMEM((NSLOT, BPW), jnp.int32),
            pltpu.VMEM((NSLOT, BPW), jnp.int32),
            pltpu.VMEM((NSLOT, BPW, D), jnp.float32),
            pltpu.VMEM((MAX_LEN, D), jnp.float32),
        ] + [pltpu.SemaphoreType.DMA] * (3 * NSLOT),
        compiler_params=pltpu.CompilerParams(use_tc_tiling_on_sc=False),
    )
    def emb_kernel(xt_hbm, tok_hbm, pos_hbm, out_hbm, idx_v, idx2_v, rows_v,
                   pos_v, *sems):
        wid = lax.axis_index("s") * NC + lax.axis_index("c")
        b0 = wid * BPW
        isems = sems[0:NSLOT]
        gsems = sems[NSLOT:2 * NSLOT]
        osems = sems[2 * NSLOT:3 * NSLOT]

        pltpu.sync_copy(pos_hbm, pos_v)

        def idx_copy(l, slot):
            return pltpu.make_async_copy(
                xt_hbm.at[l, pl.ds(b0, BPW)], idx_v.at[slot], isems[slot]
            )

        def gather_copy(slot):
            return pltpu.make_async_copy(
                tok_hbm.at[idx2_v.at[slot]], rows_v.at[slot], gsems[slot]
            )

        def double_idx(slot):
            for j in range(BPW // 16):
                sl = pl.ds(j * 16, 16)
                idx2_v[slot, sl] = idx_v[slot, sl] * 2

        def out_copy(l, slot):
            return pltpu.make_async_copy(
                rows_v.at[slot],
                out_hbm.at[pl.ds(b0, BPW), l, pl.ds(0, D)],
                osems[slot],
            )

        def add_pos(l, slot):
            pvs = [pos_v[l, pl.ds(j * 16, 16)] for j in range(D // 16)]

            @plsc.parallel_loop(0, BPW, unroll=8)
            def _(t):
                for j in range(D // 16):
                    plsc.addupdate(rows_v.at[slot, t, pl.ds(j * 16, 16)], pvs[j])

        for s in range(NSLOT):
            idx_copy(s, s).start()
        idx_copy(0, 0).wait()
        double_idx(0)
        gather_copy(0).start()

        def step(l, slot):
            nxt = (slot + 1) % NSLOT
            gather_copy(slot).wait()

            @pl.when(l + NSLOT < SEQ)
            def _():
                idx_copy(l + NSLOT, slot).start()

            @pl.when(l + 1 < SEQ)
            def _():
                idx_copy(l + 1, nxt).wait()
                double_idx(nxt)
                @pl.when(l - (NSLOT - 1) >= 0)
                def _():
                    out_copy(l - (NSLOT - 1), nxt).wait()
                gather_copy(nxt).start()
            add_pos(l, slot)
            out_copy(l, slot).start()

        def body(g, carry):
            for u in range(NSLOT):
                step(g * NSLOT + u, u)
            return carry

        lax.fori_loop(0, SEQ // NSLOT, body, 0)

        for s in range(NSLOT):
            out_copy(SEQ - NSLOT + s, s).wait()

    return emb_kernel


_emb = _make_kernel()


@jax.jit
def kernel(x, token_table, pos_table):
    xt = x.astype(jnp.int32).T
    tpad = jnp.pad(token_table, ((0, 0), (0, DPAD - D))).reshape(-1, D)
    out = _emb(xt, tpad, pos_table)
    return out[:, :, :D]

# --- scband reference (transcript-rebuilt; emitter-appended) ---
"""Pipeline reference for scband-positional-embedding-51496657879198 (READ-ONLY COPY).

The authoritative reference and input builder live on the scoring server;
editing this copy changes nothing except your own understanding.
"""

import jax, jax.numpy as jnp
import numpy as np

VOCAB = 1000000
MAX_LEN = 200
EMBED_DIM = 64
BATCH = 4096
SEQ = 200

def setup_inputs(seed: int = 0) -> dict:
    key = jax.random.key(seed)
    k1, k2, k3 = jax.random.split(key, 3)
    x = jax.random.randint(k1, (BATCH, SEQ), 0, VOCAB, dtype=jnp.int64 if jax.config.jax_enable_x64 else jnp.int32)
    token_table = jax.random.normal(k2, (VOCAB, EMBED_DIM), dtype=jnp.float32) * 0.02
    pos_table = jax.random.normal(k3, (MAX_LEN, EMBED_DIM), dtype=jnp.float32) * 0.02
    return {"x": x, "token_table": token_table, "pos_table": pos_table}

def reference(x, token_table, pos_table):
    length = x.shape[1]
    positions = jnp.arange(0, length)
    pos = jnp.take(pos_table, positions, axis=0)            # [L, D]
    pos = jnp.expand_dims(pos, 0)                           # [1, L, D]
    tok = jnp.take(token_table, x, axis=0)                  # [B, L, D]
    return tok + pos

if __name__ == "__main__":
    import jax
    _d = setup_inputs()
    print(jax.jit(kernel)(*tuple(_d.values())))

</pallas_src>

<mosaic_0001>
#map = affine_map<(d0, d1) -> (0, 0)>
#map1 = affine_map<(d0, d1) -> (0, 0, 0)>
module attributes {stable_mosaic.version = 14 : i64} {
  func.func @emb_kernel(%arg0: i32, %arg1: i32, %arg2: memref<200x4096xi32, #tpu.memory_space<hbm>>, %arg3: memref<2000000x64xf32, #tpu.memory_space<hbm>>, %arg4: memref<200x64xf32, #tpu.memory_space<hbm>>, %arg5: memref<4096x200x128xf32, #tpu.memory_space<hbm>>, %arg6: memref<4x128xi32, #tpu.memory_space<vmem>>, %arg7: memref<4x128xi32, #tpu.memory_space<vmem>>, %arg8: memref<4x128x64xf32, #tpu.memory_space<vmem>>, %arg9: memref<200x64xf32, #tpu.memory_space<vmem>>, %arg10: memref<!tpu.dma_semaphore, #tpu.memory_space<semaphore_mem>>, %arg11: memref<!tpu.dma_semaphore, #tpu.memory_space<semaphore_mem>>, %arg12: memref<!tpu.dma_semaphore, #tpu.memory_space<semaphore_mem>>, %arg13: memref<!tpu.dma_semaphore, #tpu.memory_space<semaphore_mem>>, %arg14: memref<!tpu.dma_semaphore, #tpu.memory_space<semaphore_mem>>, %arg15: memref<!tpu.dma_semaphore, #tpu.memory_space<semaphore_mem>>, %arg16: memref<!tpu.dma_semaphore, #tpu.memory_space<semaphore_mem>>, %arg17: memref<!tpu.dma_semaphore, #tpu.memory_space<semaphore_mem>>, %arg18: memref<!tpu.dma_semaphore, #tpu.memory_space<semaphore_mem>>, %arg19: memref<!tpu.dma_semaphore, #tpu.memory_space<semaphore_mem>>, %arg20: memref<!tpu.dma_semaphore, #tpu.memory_space<semaphore_mem>>, %arg21: memref<!tpu.dma_semaphore, #tpu.memory_space<semaphore_mem>>) attributes {dimension_semantics = [#tpu.dimension_semantics<core_parallel>, #tpu.dimension_semantics<subcore_parallel>], iteration_bounds = array<i64: 2, 16>, scalar_prefetch = 0 : i64, scratch_operands = 16 : i64, tpu.core_type = #tpu.core_type<sc_vector_subcore>, window_params = [{transform_indices = #map}, {transform_indices = #map}, {transform_indices = #map}, {transform_indices = #map1}]} {
    %mul3A = arith.constant 2 : i32
    %mul3A_0 = arith.muli %arg1, %mul3A : i32
    %add3A = arith.addi %mul3A_0, %arg0 : i32
    %mul3A_1 = arith.constant 128 : i32
    %mul3A_2 = arith.muli %add3A, %mul3A_1 : i32
    "tpu.region"() ({
      %run_scoped3A = tpu.sem_alloc : memref<!tpu.dma_semaphore, #tpu.memory_space<semaphore_mem>>
      tpu.enqueue_dma source(%arg4 : memref<200x64xf32, #tpu.memory_space<hbm>>) target(%arg9 : memref<200x64xf32, #tpu.memory_space<vmem>>) target_semaphore(%run_scoped3A : memref<!tpu.dma_semaphore, #tpu.memory_space<semaphore_mem>>)
      tpu.wait_dma2 semaphore(%run_scoped3A : memref<!tpu.dma_semaphore, #tpu.memory_space<semaphore_mem>>) src(%arg4 : memref<200x64xf32, #tpu.memory_space<hbm>>) dst(%arg9 : memref<200x64xf32, #tpu.memory_space<vmem>>)
      tpu.yield
    }) : () -> ()
    %dma_start3A = arith.constant 0 : i32
    %dma_start3A_3 = arith.constant 0 : i32
    %dma_start3A_4 = arith.constant 0 : i32
    %dma_start3A_5 = tpu.memref_slice %arg6[%dma_start3A_3, %dma_start3A_4] : memref<4x128xi32, #tpu.memory_space<vmem>> -> memref<1x128xi32, #tpu.memory_space<vmem>>
    %dma_start3A_6 = tpu.memref_squeeze %dma_start3A_5 : memref<1x128xi32, #tpu.memory_space<vmem>> -> memref<128xi32, #tpu.memory_space<vmem>>
    %dma_start3A_7 = tpu.memref_slice %arg2[%dma_start3A, %mul3A_2] : memref<200x4096xi32, #tpu.memory_space<hbm>> -> memref<1x128xi32, #tpu.memory_space<hbm>>
    %dma_start3A_8 = tpu.memref_squeeze %dma_start3A_7 : memref<1x128xi32, #tpu.memory_space<hbm>> -> memref<128xi32, #tpu.memory_space<hbm>>
    %dma_start3A_9 = arith.constant 0 : i32
    %dma_start3A_10 = tpu.memref_slice %arg6[%dma_start3A_3, %dma_start3A_9] : memref<4x128xi32, #tpu.memory_space<vmem>> -> memref<1x128xi32, #tpu.memory_space<vmem>>
    %dma_start3A_11 = tpu.memref_squeeze %dma_start3A_10 : memref<1x128xi32, #tpu.memory_space<vmem>> -> memref<128xi32, #tpu.memory_space<vmem>>
    %dma_start3A_12 = tpu.memref_slice %arg2[%dma_start3A, %mul3A_2] : memref<200x4096xi32, #tpu.memory_space<hbm>> -> memref<1x128xi32, #tpu.memory_space<hbm>>
    %dma_start3A_13 = tpu.memref_squeeze %dma_start3A_12 : memref<1x128xi32, #tpu.memory_space<hbm>> -> memref<128xi32, #tpu.memory_space<hbm>>
    tpu.enqueue_dma source(%dma_start3A_13 : memref<128xi32, #tpu.memory_space<hbm>>) target(%dma_start3A_11 : memref<128xi32, #tpu.memory_space<vmem>>) target_semaphore(%arg10 : memref<!tpu.dma_semaphore, #tpu.memory_space<semaphore_mem>>)
    %dma_start3A_14 = arith.constant 1 : i32
    %dma_start3A_15 = arith.constant 1 : i32
    %dma_start3A_16 = arith.constant 0 : i32
    %dma_start3A_17 = tpu.memref_slice %arg6[%dma_start3A_15, %dma_start3A_16] : memref<4x128xi32, #tpu.memory_space<vmem>> -> memref<1x128xi32, #tpu.memory_space<vmem>>
    %dma_start3A_18 = tpu.memref_squeeze %dma_start3A_17 : memref<1x128xi32, #tpu.memory_space<vmem>> -> memref<128xi32, #tpu.memory_space<vmem>>
    %dma_start3A_19 = tpu.memref_slice %arg2[%dma_start3A_14, %mul3A_2] : memref<200x4096xi32, #tpu.memory_space<hbm>> -> memref<1x128xi32, #tpu.memory_space<hbm>>
    %dma_start3A_20 = tpu.memref_squeeze %dma_start3A_19 : memref<1x128xi32, #tpu.memory_space<hbm>> -> memref<128xi32, #tpu.memory_space<hbm>>
    %dma_start3A_21 = arith.constant 0 : i32
    %dma_start3A_22 = tpu.memref_slice %arg6[%dma_start3A_15, %dma_start3A_21] : memref<4x128xi32, #tpu.memory_space<vmem>> -> memref<1x128xi32, #tpu.memory_space<vmem>>
    %dma_start3A_23 = tpu.memref_squeeze %dma_start3A_22 : memref<1x128xi32, #tpu.memory_space<vmem>> -> memref<128xi32, #tpu.memory_space<vmem>>
    %dma_start3A_24 = tpu.memref_slice %arg2[%dma_start3A_14, %mul3A_2] : memref<200x4096xi32, #tpu.memory_space<hbm>> -> memref<1x128xi32, #tpu.memory_space<hbm>>
    %dma_start3A_25 = tpu.memref_squeeze %dma_start3A_24 : memref<1x128xi32, #tpu.memory_space<hbm>> -> memref<128xi32, #tpu.memory_space<hbm>>
    tpu.enqueue_dma source(%dma_start3A_25 : memref<128xi32, #tpu.memory_space<hbm>>) target(%dma_start3A_23 : memref<128xi32, #tpu.memory_space<vmem>>) target_semaphore(%arg11 : memref<!tpu.dma_semaphore, #tpu.memory_space<semaphore_mem>>)
    %dma_start3A_26 = arith.constant 2 : i32
    %dma_start3A_27 = arith.constant 2 : i32
    %dma_start3A_28 = arith.constant 0 : i32
    %dma_start3A_29 = tpu.memref_slice %arg6[%dma_start3A_27, %dma_start3A_28] : memref<4x128xi32, #tpu.memory_space<vmem>> -> memref<1x128xi32, #tpu.memory_space<vmem>>
    %dma_start3A_30 = tpu.memref_squeeze %dma_start3A_29 : memref<1x128xi32, #tpu.memory_space<vmem>> -> memref<128xi32, #tpu.memory_space<vmem>>
    %dma_start3A_31 = tpu.memref_slice %arg2[%dma_start3A_26, %mul3A_2] : memref<200x4096xi32, #tpu.memory_space<hbm>> -> memref<1x128xi32, #tpu.memory_space<hbm>>
    %dma_start3A_32 = tpu.memref_squeeze %dma_start3A_31 : memref<1x128xi32, #tpu.memory_space<hbm>> -> memref<128xi32, #tpu.memory_space<hbm>>
    %dma_start3A_33 = arith.constant 0 : i32
    %dma_start3A_34 = tpu.memref_slice %arg6[%dma_start3A_27, %dma_start3A_33] : memref<4x128xi32, #tpu.memory_space<vmem>> -> memref<1x128xi32, #tpu.memory_space<vmem>>
    %dma_start3A_35 = tpu.memref_squeeze %dma_start3A_34 : memref<1x128xi32, #tpu.memory_space<vmem>> -> memref<128xi32, #tpu.memory_space<vmem>>
    %dma_start3A_36 = tpu.memref_slice %arg2[%dma_start3A_26, %mul3A_2] : memref<200x4096xi32, #tpu.memory_space<hbm>> -> memref<1x128xi32, #tpu.memory_space<hbm>>
    %dma_start3A_37 = tpu.memref_squeeze %dma_start3A_36 : memref<1x128xi32, #tpu.memory_space<hbm>> -> memref<128xi32, #tpu.memory_space<hbm>>
    tpu.enqueue_dma source(%dma_start3A_37 : memref<128xi32, #tpu.memory_space<hbm>>) target(%dma_start3A_35 : memref<128xi32, #tpu.memory_space<vmem>>) target_semaphore(%arg12 : memref<!tpu.dma_semaphore, #tpu.memory_space<semaphore_mem>>)
    %dma_start3A_38 = arith.constant 3 : i32
    %dma_start3A_39 = arith.constant 3 : i32
    %dma_start3A_40 = arith.constant 0 : i32
    %dma_start3A_41 = tpu.memref_slice %arg6[%dma_start3A_39, %dma_start3A_40] : memref<4x128xi32, #tpu.memory_space<vmem>> -> memref<1x128xi32, #tpu.memory_space<vmem>>
    %dma_start3A_42 = tpu.memref_squeeze %dma_start3A_41 : memref<1x128xi32, #tpu.memory_space<vmem>> -> memref<128xi32, #tpu.memory_space<vmem>>
    %dma_start3A_43 = tpu.memref_slice %arg2[%dma_start3A_38, %mul3A_2] : memref<200x4096xi32, #tpu.memory_space<hbm>> -> memref<1x128xi32, #tpu.memory_space<hbm>>
    %dma_start3A_44 = tpu.memref_squeeze %dma_start3A_43 : memref<1x128xi32, #tpu.memory_space<hbm>> -> memref<128xi32, #tpu.memory_space<hbm>>
    %dma_start3A_45 = arith.constant 0 : i32
    %dma_start3A_46 = tpu.memref_slice %arg6[%dma_start3A_39, %dma_start3A_45] : memref<4x128xi32, #tpu.memory_space<vmem>> -> memref<1x128xi32, #tpu.memory_space<vmem>>
    %dma_start3A_47 = tpu.memref_squeeze %dma_start3A_46 : memref<1x128xi32, #tpu.memory_space<vmem>> -> memref<128xi32, #tpu.memory_space<vmem>>
    %dma_start3A_48 = tpu.memref_slice %arg2[%dma_start3A_38, %mul3A_2] : memref<200x4096xi32, #tpu.memory_space<hbm>> -> memref<1x128xi32, #tpu.memory_space<hbm>>
    %dma_start3A_49 = tpu.memref_squeeze %dma_start3A_48 : memref<1x128xi32, #tpu.memory_space<hbm>> -> memref<128xi32, #tpu.memory_space<hbm>>
    tpu.enqueue_dma source(%dma_start3A_49 : memref<128xi32, #tpu.memory_space<hbm>>) target(%dma_start3A_47 : memref<128xi32, #tpu.memory_space<vmem>>) target_semaphore(%arg13 : memref<!tpu.dma_semaphore, #tpu.memory_space<semaphore_mem>>)
    %dma_wait3A = arith.constant 0 : i32
    %dma_wait3A_50 = arith.constant 0 : i32
    %dma_wait3A_51 = arith.constant 0 : i32
    %dma_wait3A_52 = tpu.memref_slice %arg6[%dma_wait3A_50, %dma_wait3A_51] : memref<4x128xi32, #tpu.memory_space<vmem>> -> memref<1x128xi32, #tpu.memory_space<vmem>>
    %dma_wait3A_53 = tpu.memref_squeeze %dma_wait3A_52 : memref<1x128xi32, #tpu.memory_space<vmem>> -> memref<128xi32, #tpu.memory_space<vmem>>
    %dma_wait3A_54 = tpu.memref_slice %arg2[%dma_wait3A, %mul3A_2] : memref<200x4096xi32, #tpu.memory_space<hbm>> -> memref<1x128xi32, #tpu.memory_space<hbm>>
    %dma_wait3A_55 = tpu.memref_squeeze %dma_wait3A_54 : memref<1x128xi32, #tpu.memory_space<hbm>> -> memref<128xi32, #tpu.memory_space<hbm>>
    %dma_wait3A_56 = arith.constant 0 : i32
    %dma_wait3A_57 = tpu.memref_slice %arg6[%dma_wait3A_50, %dma_wait3A_56] : memref<4x128xi32, #tpu.memory_space<vmem>> -> memref<1x128xi32, #tpu.memory_space<vmem>>
    %dma_wait3A_58 = tpu.memref_squeeze %dma_wait3A_57 : memref<1x128xi32, #tpu.memory_space<vmem>> -> memref<128xi32, #tpu.memory_space<vmem>>
    %dma_wait3A_59 = tpu.memref_slice %arg2[%dma_wait3A, %mul3A_2] : memref<200x4096xi32, #tpu.memory_space<hbm>> -> memref<1x128xi32, #tpu.memory_space<hbm>>
    %dma_wait3A_60 = tpu.memref_squeeze %dma_wait3A_59 : memref<1x128xi32, #tpu.memory_space<hbm>> -> memref<128xi32, #tpu.memory_space<hbm>>
    tpu.wait_dma2 semaphore(%arg10 : memref<!tpu.dma_semaphore, #tpu.memory_space<semaphore_mem>>) src(%dma_wait3A_60 : memref<128xi32, #tpu.memory_space<hbm>>) dst(%dma_wait3A_58 : memref<128xi32, #tpu.memory_space<vmem>>)
    %get3A = arith.constant 0 : i32
    %get3A_61 = arith.index_cast %get3A : i32 to index
    %get3A_62 = arith.constant 0 : index
    %get3A_63 = tpu.vector_load %arg6[%get3A_61, %get3A_62] {strides = array<i32>} : memref<4x128xi32, #tpu.memory_space<vmem>>, vector<1x16xi32>,
    %get3A_64 = vector.shape_cast %get3A_63 : vector<1x16xi32> to vector<16xi32>
    %mul3A_65 = arith.constant 2 : i32
    %mul3A_66 = vector.broadcast %mul3A_65 : i32 to vector<16xi32>
    %mul3A_67 = arith.muli %get3A_64, %mul3A_66 : vector<16xi32>
    %swap3A = arith.constant 0 : i32
    %swap3A_68 = arith.index_cast %swap3A : i32 to index
    %swap3A_69 = arith.constant 0 : index
    %swap3A_70 = tpu.vector_load %arg7[%swap3A_68, %swap3A_69] {strides = array<i32>} : memref<4x128xi32, #tpu.memory_space<vmem>>, vector<1x16xi32>,
    %swap3A_71 = vector.shape_cast %swap3A_70 : vector<1x16xi32> to vector<16xi32>
    %swap3A_72 = vector.shape_cast %mul3A_67 : vector<16xi32> to vector<1x16xi32>
    tpu.vector_store %arg7[%swap3A_68, %swap3A_69], %swap3A_72 {strides = array<i32>} : memref<4x128xi32, #tpu.memory_space<vmem>>, vector<1x16xi32>,
    %get3A_73 = arith.constant 0 : i32
    %get3A_74 = arith.index_cast %get3A_73 : i32 to index
    %get3A_75 = arith.constant 16 : index
    %get3A_76 = tpu.vector_load %arg6[%get3A_74, %get3A_75] {strides = array<i32>} : memref<4x128xi32, #tpu.memory_space<vmem>>, vector<1x16xi32>,
    %get3A_77 = vector.shape_cast %get3A_76 : vector<1x16xi32> to vector<16xi32>
    %mul3A_78 = arith.constant 2 : i32
    %mul3A_79 = vector.broadcast %mul3A_78 : i32 to vector<16xi32>
    %mul3A_80 = arith.muli %get3A_77, %mul3A_79 : vector<16xi32>
    %swap3A_81 = arith.constant 0 : i32
    %swap3A_82 = arith.index_cast %swap3A_81 : i32 to index
    %swap3A_83 = arith.constant 16 : index
    %swap3A_84 = tpu.vector_load %arg7[%swap3A_82, %swap3A_83] {strides = array<i32>} : memref<4x128xi32, #tpu.memory_space<vmem>>, vector<1x16xi32>,
    %swap3A_85 = vector.shape_cast %swap3A_84 : vector<1x16xi32> to vector<16xi32>
    %swap3A_86 = vector.shape_cast %mul3A_80 : vector<16xi32> to vector<1x16xi32>
    tpu.vector_store %arg7[%swap3A_82, %swap3A_83], %swap3A_86 {strides = array<i32>} : memref<4x128xi32, #tpu.memory_space<vmem>>, vector<1x16xi32>,
    %get3A_87 = arith.constant 0 : i32
    %get3A_88 = arith.index_cast %get3A_87 : i32 to index
    %get3A_89 = arith.constant 32 : index
    %get3A_90 = tpu.vector_load %arg6[%get3A_88, %get3A_89] {strides = array<i32>} : memref<4x128xi32, #tpu.memory_space<vmem>>, vector<1x16xi32>,
    %get3A_91 = vector.shape_cast %get3A_90 : vector<1x16xi32> to vector<16xi32>
    %mul3A_92 = arith.constant 2 : i32
    %mul3A_93 = vector.broadcast %mul3A_92 : i32 to vector<16xi32>
    %mul3A_94 = arith.muli %get3A_91, %mul3A_93 : vector<16xi32>
    %swap3A_95 = arith.constant 0 : i32
    %swap3A_96 = arith.index_cast %swap3A_95 : i32 to index
    %swap3A_97 = arith.constant 32 : index
    %swap3A_98 = tpu.vector_load %arg7[%swap3A_96, %swap3A_97] {strides = array<i32>} : memref<4x128xi32, #tpu.memory_space<vmem>>, vector<1x16xi32>,
    %swap3A_99 = vector.shape_cast %swap3A_98 : vector<1x16xi32> to vector<16xi32>
    %swap3A_100 = vector.shape_cast %mul3A_94 : vector<16xi32> to vector<1x16xi32>
    tpu.vector_store %arg7[%swap3A_96, %swap3A_97], %swap3A_100 {strides = array<i32>} : memref<4x128xi32, #tpu.memory_space<vmem>>, vector<1x16xi32>,
    %get3A_101 = arith.constant 0 : i32
    %get3A_102 = arith.index_cast %get3A_101 : i32 to index
    %get3A_103 = arith.constant 48 : index
    %get3A_104 = tpu.vector_load %arg6[%get3A_102, %get3A_103] {strides = array<i32>} : memref<4x128xi32, #tpu.memory_space<vmem>>, vector<1x16xi32>,
    %get3A_105 = vector.shape_cast %get3A_104 : vector<1x16xi32> to vector<16xi32>
    %mul3A_106 = arith.constant 2 : i32
    %mul3A_107 = vector.broadcast %mul3A_106 : i32 to vector<16xi32>
    %mul3A_108 = arith.muli %get3A_105, %mul3A_107 : vector<16xi32>
    %swap3A_109 = arith.constant 0 : i32
    %swap3A_110 = arith.index_cast %swap3A_109 : i32 to index
    %swap3A_111 = arith.constant 48 : index
    %swap3A_112 = tpu.vector_load %arg7[%swap3A_110, %swap3A_111] {strides = array<i32>} : memref<4x128xi32, #tpu.memory_space<vmem>>, vector<1x16xi32>,
    %swap3A_113 = vector.shape_cast %swap3A_112 : vector<1x16xi32> to vector<16xi32>
    %swap3A_114 = vector.shape_cast %mul3A_108 : vector<16xi32> to vector<1x16xi32>
    tpu.vector_store %arg7[%swap3A_110, %swap3A_111], %swap3A_114 {strides = array<i32>} : memref<4x128xi32, #tpu.memory_space<vmem>>, vector<1x16xi32>,
    %get3A_115 = arith.constant 0 : i32
    %get3A_116 = arith.index_cast %get3A_115 : i32 to index
    %get3A_117 = arith.constant 64 : index
    %get3A_118 = tpu.vector_load %arg6[%get3A_116, %get3A_117] {strides = array<i32>} : memref<4x128xi32, #tpu.memory_space<vmem>>, vector<1x16xi32>,
    %get3A_119 = vector.shape_cast %get3A_118 : vector<1x16xi32> to vector<16xi32>
    %mul3A_120 = arith.constant 2 : i32
    %mul3A_121 = vector.broadcast %mul3A_120 : i32 to vector<16xi32>
    %mul3A_122 = arith.muli %get3A_119, %mul3A_121 : vector<16xi32>
    %swap3A_123 = arith.constant 0 : i32
    %swap3A_124 = arith.index_cast %swap3A_123 : i32 to index
    %swap3A_125 = arith.constant 64 : index
    %swap3A_126 = tpu.vector_load %arg7[%swap3A_124, %swap3A_125] {strides = array<i32>} : memref<4x128xi32, #tpu.memory_space<vmem>>, vector<1x16xi32>,
    %swap3A_127 = vector.shape_cast %swap3A_126 : vector<1x16xi32> to vector<16xi32>
    %swap3A_128 = vector.shape_cast %mul3A_122 : vector<16xi32> to vector<1x16xi32>
    tpu.vector_store %arg7[%swap3A_124, %swap3A_125], %swap3A_128 {strides = array<i32>} : memref<4x128xi32, #tpu.memory_space<vmem>>, vector<1x16xi32>,
    %get3A_129 = arith.constant 0 : i32
    %get3A_130 = arith.index_cast %get3A_129 : i32 to index
    %get3A_131 = arith.constant 80 : index
    %get3A_132 = tpu.vector_load %arg6[%get3A_130, %get3A_131] {strides = array<i32>} : memref<4x128xi32, #tpu.memory_space<vmem>>, vector<1x16xi32>,
    %get3A_133 = vector.shape_cast %get3A_132 : vector<1x16xi32> to vector<16xi32>
    %mul3A_134 = arith.constant 2 : i32
    %mul3A_135 = vector.broadcast %mul3A_134 : i32 to vector<16xi32>
    %mul3A_136 = arith.muli %get3A_133, %mul3A_135 : vector<16xi32>
    %swap3A_137 = arith.constant 0 : i32
    %swap3A_138 = arith.index_cast %swap3A_137 : i32 to index
    %swap3A_139 = arith.constant 80 : index
    %swap3A_140 = tpu.vector_load %arg7[%swap3A_138, %swap3A_139] {strides = array<i32>} : memref<4x128xi32, #tpu.memory_space<vmem>>, vector<1x16xi32>,
    %swap3A_141 = vector.shape_cast %swap3A_140 : vector<1x16xi32> to vector<16xi32>
    %swap3A_142 = vector.shape_cast %mul3A_136 : vector<16xi32> to vector<1x16xi32>
    tpu.vector_store %arg7[%swap3A_138, %swap3A_139], %swap3A_142 {strides = array<i32>} : memref<4x128xi32, #tpu.memory_space<vmem>>, vector<1x16xi32>,
    %get3A_143 = arith.constant 0 : i32
    %get3A_144 = arith.index_cast %get3A_143 : i32 to index
    %get3A_145 = arith.constant 96 : index
    %get3A_146 = tpu.vector_load %arg6[%get3A_144, %get3A_145] {strides = array<i32>} : memref<4x128xi32, #tpu.memory_space<vmem>>, vector<1x16xi32>,
    %get3A_147 = vector.shape_cast %get3A_146 : vector<1x16xi32> to vector<16xi32>
    %mul3A_148 = arith.constant 2 : i32
    %mul3A_149 = vector.broadcast %mul3A_148 : i32 to vector<16xi32>
    %mul3A_150 = arith.muli %get3A_147, %mul3A_149 : vector<16xi32>
    %swap3A_151 = arith.constant 0 : i32
    %swap3A_152 = arith.index_cast %swap3A_151 : i32 to index
    %swap3A_153 = arith.constant 96 : index
    %swap3A_154 = tpu.vector_load %arg7[%swap3A_152, %swap3A_153] {strides = array<i32>} : memref<4x128xi32, #tpu.memory_space<vmem>>, vector<1x16xi32>,
    %swap3A_155 = vector.shape_cast %swap3A_154 : vector<1x16xi32> to vector<16xi32>
    %swap3A_156 = vector.shape_cast %mul3A_150 : vector<16xi32> to vector<1x16xi32>
    tpu.vector_store %arg7[%swap3A_152, %swap3A_153], %swap3A_156 {strides = array<i32>} : memref<4x128xi32, #tpu.memory_space<vmem>>, vector<1x16xi32>,
    %get3A_157 = arith.constant 0 : i32
    %get3A_158 = arith.index_cast %get3A_157 : i32 to index
    %get3A_159 = arith.constant 112 : index
    %get3A_160 = tpu.vector_load %arg6[%get3A_158, %get3A_159] {strides = array<i32>} : memref<4x128xi32, #tpu.memory_space<vmem>>, vector<1x16xi32>,
    %get3A_161 = vector.shape_cast %get3A_160 : vector<1x16xi32> to vector<16xi32>
    %mul3A_162 = arith.constant 2 : i32
    %mul3A_163 = vector.broadcast %mul3A_162 : i32 to vector<16xi32>
    %mul3A_164 = arith.muli %get3A_161, %mul3A_163 : vector<16xi32>
    %swap3A_165 = arith.constant 0 : i32
    %swap3A_166 = arith.index_cast %swap3A_165 : i32 to index
    %swap3A_167 = arith.constant 112 : index
    %swap3A_168 = tpu.vector_load %arg7[%swap3A_166, %swap3A_167] {strides = array<i32>} : memref<4x128xi32, #tpu.memory_space<vmem>>, vector<1x16xi32>,
    %swap3A_169 = vector.shape_cast %swap3A_168 : vector<1x16xi32> to vector<16xi32>
    %swap3A_170 = vector.shape_cast %mul3A_164 : vector<16xi32> to vector<1x16xi32>
    tpu.vector_store %arg7[%swap3A_166, %swap3A_167], %swap3A_170 {strides = array<i32>} : memref<4x128xi32, #tpu.memory_space<vmem>>, vector<1x16xi32>,
    %dma_start3A_171 = arith.constant 0 : i32
    %dma_start3A_172 = arith.constant 0 : i32
    %dma_start3A_173 = arith.constant 0 : i32
    %dma_start3A_174 = arith.constant 0 : i32
    %dma_start3A_175 = tpu.memref_slice %arg8[%dma_start3A_172, %dma_start3A_173, %dma_start3A_174] : memref<4x128x64xf32, #tpu.memory_space<vmem>> -> memref<1x128x64xf32, #tpu.memory_space<vmem>>
    %dma_start3A_176 = tpu.memref_squeeze %dma_start3A_175 : memref<1x128x64xf32, #tpu.memory_space<vmem>> -> memref<128x64xf32, #tpu.memory_space<vmem>>
    %dma_start3A_177 = arith.constant 0 : i32
    %dma_start3A_178 = tpu.memref_slice %arg7[%dma_start3A_171, %dma_start3A_177] : memref<4x128xi32, #tpu.memory_space<vmem>> -> memref<1x128xi32, #tpu.memory_space<vmem>>
    %dma_start3A_179 = tpu.memref_squeeze %dma_start3A_178 : memref<1x128xi32, #tpu.memory_space<vmem>> -> memref<128xi32, #tpu.memory_space<vmem>>
    %dma_start3A_180 = arith.constant 0 : i32
    %dma_start3A_181 = arith.constant 0 : i32
    %dma_start3A_182 = tpu.memref_slice %arg3[%dma_start3A_180, %dma_start3A_181] : memref<2000000x64xf32, #tpu.memory_space<hbm>> -> memref<2000000x64xf32, #tpu.memory_space<hbm>>
    tpu.enqueue_indirect_dma source(%dma_start3A_182 : memref<2000000x64xf32, #tpu.memory_space<hbm>>) target(%dma_start3A_176 : memref<128x64xf32, #tpu.memory_space<vmem>>) offsets(%dma_start3A_179 : memref<128xi32, #tpu.memory_space<vmem>>) semaphore(%arg14 : memref<!tpu.dma_semaphore, #tpu.memory_space<semaphore_mem>>)
    %scan3A = arith.constant 0 : i32
    %scan3A_183 = arith.constant 0 : i32
    %scan3A_184 = arith.constant 50 : i32
    %scan3A_185 = arith.addi %scan3A_183, %scan3A_184 : i32
    %scan3A_186 = arith.constant 1 : i32
    scf.for %scan3A_252 = %scan3A_183 to %scan3A_185 step %scan3A_186  : i32 {
      %mul3A_253 = arith.constant 4 : i32
      %mul3A_254 = arith.muli %scan3A_252, %mul3A_253 : i32
      %add3A_255 = arith.constant 0 : i32
      %add3A_256 = arith.addi %mul3A_254, %add3A_255 : i32
      %dma_wait3A_257 = arith.constant 0 : i32
      %dma_wait3A_258 = arith.constant 0 : i32
      %dma_wait3A_259 = arith.constant 0 : i32
      %dma_wait3A_260 = arith.constant 0 : i32
      %dma_wait3A_261 = tpu.memref_slice %arg8[%dma_wait3A_258, %dma_wait3A_259, %dma_wait3A_260] : memref<4x128x64xf32, #tpu.memory_space<vmem>> -> memref<1x128x64xf32, #tpu.memory_space<vmem>>
      %dma_wait3A_262 = tpu.memref_squeeze %dma_wait3A_261 : memref<1x128x64xf32, #tpu.memory_space<vmem>> -> memref<128x64xf32, #tpu.memory_space<vmem>>
      %dma_wait3A_263 = arith.constant 0 : i32
      %dma_wait3A_264 = tpu.memref_slice %arg7[%dma_wait3A_257, %dma_wait3A_263] : memref<4x128xi32, #tpu.memory_space<vmem>> -> memref<1x128xi32, #tpu.memory_space<vmem>>
      %dma_wait3A_265 = tpu.memref_squeeze %dma_wait3A_264 : memref<1x128xi32, #tpu.memory_space<vmem>> -> memref<128xi32, #tpu.memory_space<vmem>>
      %dma_wait3A_266 = arith.constant 0 : i32
      %dma_wait3A_267 = arith.constant 0 : i32
      %dma_wait3A_268 = tpu.memref_slice %arg3[%dma_wait3A_266, %dma_wait3A_267] : memref<2000000x64xf32, #tpu.memory_space<hbm>> -> memref<2000000x64xf32, #tpu.memory_space<hbm>>
      tpu.wait_indirect_dma semaphore(%arg14 : memref<!tpu.dma_semaphore, #tpu.memory_space<semaphore_mem>>) src(%dma_wait3A_268 : memref<2000000x64xf32, #tpu.memory_space<hbm>>) dst(%dma_wait3A_262 : memref<128x64xf32, #tpu.memory_space<vmem>>)
      %add3A_269 = arith.constant 4 : i32
      %add3A_270 = arith.addi %add3A_256, %add3A_269 : i32
      %lt3A = arith.constant 200 : i32
      %lt3A_271 = arith.cmpi slt, %add3A_270, %lt3A : i32
      %convert_element_type3A = arith.extui %lt3A_271 : i1 to i32
      %cond3A = arith.constant 0 : i32
      %cond3A_272 = arith.cmpi ne, %convert_element_type3A, %cond3A : i32
      scf.if %cond3A_272 {
        %add3A_505 = arith.constant 4 : i32
        %add3A_506 = arith.addi %add3A_256, %add3A_505 : i32
        %dma_start3A_507 = arith.constant 0 : i32
        %dma_start3A_508 = arith.constant 0 : i32
        %dma_start3A_509 = tpu.memref_slice %arg6[%dma_start3A_507, %dma_start3A_508] : memref<4x128xi32, #tpu.memory_space<vmem>> -> memref<1x128xi32, #tpu.memory_space<vmem>>
        %dma_start3A_510 = tpu.memref_squeeze %dma_start3A_509 : memref<1x128xi32, #tpu.memory_space<vmem>> -> memref<128xi32, #tpu.memory_space<vmem>>
        %dma_start3A_511 = tpu.memref_slice %arg2[%add3A_506, %mul3A_2] : memref<200x4096xi32, #tpu.memory_space<hbm>> -> memref<1x128xi32, #tpu.memory_space<hbm>>
        %dma_start3A_512 = tpu.memref_squeeze %dma_start3A_511 : memref<1x128xi32, #tpu.memory_space<hbm>> -> memref<128xi32, #tpu.memory_space<hbm>>
        %dma_start3A_513 = arith.constant 0 : i32
        %dma_start3A_514 = tpu.memref_slice %arg6[%dma_start3A_507, %dma_start3A_513] : memref<4x128xi32, #tpu.memory_space<vmem>> -> memref<1x128xi32, #tpu.memory_space<vmem>>
        %dma_start3A_515 = tpu.memref_squeeze %dma_start3A_514 : memref<1x128xi32, #tpu.memory_space<vmem>> -> memref<128xi32, #tpu.memory_space<vmem>>
        %dma_start3A_516 = tpu.memref_slice %arg2[%add3A_506, %mul3A_2] : memref<200x4096xi32, #tpu.memory_space<hbm>> -> memref<1x128xi32, #tpu.memory_space<hbm>>
        %dma_start3A_517 = tpu.memref_squeeze %dma_start3A_516 : memref<1x128xi32, #tpu.memory_space<hbm>> -> memref<128xi32, #tpu.memory_space<hbm>>
        tpu.enqueue_dma source(%dma_start3A_517 : memref<128xi32, #tpu.memory_space<hbm>>) target(%dma_start3A_515 : memref<128xi32, #tpu.memory_space<vmem>>) target_semaphore(%arg10 : memref<!tpu.dma_semaphore, #tpu.memory_space<semaphore_mem>>)
      } else {
      }
      %add3A_273 = arith.constant 1 : i32
      %add3A_274 = arith.addi %add3A_256, %add3A_273 : i32
      %lt3A_275 = arith.constant 200 : i32
      %lt3A_276 = arith.cmpi slt, %add3A_274, %lt3A_275 : i32
      %convert_element_type3A_277 = arith.extui %lt3A_276 : i1 to i32
      %cond3A_278 = arith.constant 0 : i32
      %cond3A_279 = arith.cmpi ne, %convert_element_type3A_277, %cond3A_278 : i32
      scf.if %cond3A_279 {
        %add3A_505 = arith.constant 1 : i32
        %add3A_506 = arith.addi %add3A_256, %add3A_505 : i32
        %dma_wait3A_507 = arith.constant 1 : i32
        %dma_wait3A_508 = arith.constant 0 : i32
        %dma_wait3A_509 = tpu.memref_slice %arg6[%dma_wait3A_507, %dma_wait3A_508] : memref<4x128xi32, #tpu.memory_space<vmem>> -> memref<1x128xi32, #tpu.memory_space<vmem>>
        %dma_wait3A_510 = tpu.memref_squeeze %dma_wait3A_509 : memref<1x128xi32, #tpu.memory_space<vmem>> -> memref<128xi32, #tpu.memory_space<vmem>>
        %dma_wait3A_511 = tpu.memref_slice %arg2[%add3A_506, %mul3A_2] : memref<200x4096xi32, #tpu.memory_space<hbm>> -> memref<1x128xi32, #tpu.memory_space<hbm>>
        %dma_wait3A_512 = tpu.memref_squeeze %dma_wait3A_511 : memref<1x128xi32, #tpu.memory_space<hbm>> -> memref<128xi32, #tpu.memory_space<hbm>>
        %dma_wait3A_513 = arith.constant 0 : i32
        %dma_wait3A_514 = tpu.memref_slice %arg6[%dma_wait3A_507, %dma_wait3A_513] : memref<4x128xi32, #tpu.memory_space<vmem>> -> memref<1x128xi32, #tpu.memory_space<vmem>>
        %dma_wait3A_515 = tpu.memref_squeeze %dma_wait3A_514 : memref<1x128xi32, #tpu.memory_space<vmem>> -> memref<128xi32, #tpu.memory_space<vmem>>
        %dma_wait3A_516 = tpu.memref_slice %arg2[%add3A_506, %mul3A_2] : memref<200x4096xi32, #tpu.memory_space<hbm>> -> memref<1x128xi32, #tpu.memory_space<hbm>>
        %dma_wait3A_517 = tpu.memref_squeeze %dma_wait3A_516 : memref<1x128xi32, #tpu.memory_space<hbm>> -> memref<128xi32, #tpu.memory_space<hbm>>
        tpu.wait_dma2 semaphore(%arg11 : memref<!tpu.dma_semaphore, #tpu.memory_space<semaphore_mem>>) src(%dma_wait3A_517 : memref<128xi32, #tpu.memory_space<hbm>>) dst(%dma_wait3A_515 : memref<128xi32, #tpu.memory_space<vmem>>)
        %get3A_518 = arith.constant 1 : i32
        %get3A_519 = arith.index_cast %get3A_518 : i32 to index
        %get3A_520 = arith.constant 0 : index
        %get3A_521 = tpu.vector_load %arg6[%get3A_519, %get3A_520] {strides = array<i32>} : memref<4x128xi32, #tpu.memory_space<vmem>>, vector<1x16xi32>,
        %get3A_522 = vector.shape_cast %get3A_521 : vector<1x16xi32> to vector<16xi32>
        %mul3A_523 = arith.constant 2 : i32
        %mul3A_524 = vector.broadcast %mul3A_523 : i32 to vector<16xi32>
        %mul3A_525 = arith.muli %get3A_522, %mul3A_524 : vector<16xi32>
        %swap3A_526 = arith.constant 1 : i32
        %swap3A_527 = arith.index_cast %swap3A_526 : i32 to index
        %swap3A_528 = arith.constant 0 : index
        %swap3A_529 = tpu.vector_load %arg7[%swap3A_527, %swap3A_528] {strides = array<i32>} : memref<4x128xi32, #tpu.memory_space<vmem>>, vector<1x16xi32>,
        %swap3A_530 = vector.shape_cast %swap3A_529 : vector<1x16xi32> to vector<16xi32>
        %swap3A_531 = vector.shape_cast %mul3A_525 : vector<16xi32> to vector<1x16xi32>
        tpu.vector_store %arg7[%swap3A_527, %swap3A_528], %swap3A_531 {strides = array<i32>} : memref<4x128xi32, #tpu.memory_space<vmem>>, vector<1x16xi32>,
        %get3A_532 = arith.constant 1 : i32
        %get3A_533 = arith.index_cast %get3A_532 : i32 to index
        %get3A_534 = arith.constant 16 : index
        %get3A_535 = tpu.vector_load %arg6[%get3A_533, %get3A_534] {strides = array<i32>} : memref<4x128xi32, #tpu.memory_space<vmem>>, vector<1x16xi32>,
        %get3A_536 = vector.shape_cast %get3A_535 : vector<1x16xi32> to vector<16xi32>
        %mul3A_537 = arith.constant 2 : i32
        %mul3A_538 = vector.broadcast %mul3A_537 : i32 to vector<16xi32>
        %mul3A_539 = arith.muli %get3A_536, %mul3A_538 : vector<16xi32>
        %swap3A_540 = arith.constant 1 : i32
        %swap3A_541 = arith.index_cast %swap3A_540 : i32 to index
        %swap3A_542 = arith.constant 16 : index
        %swap3A_543 = tpu.vector_load %arg7[%swap3A_541, %swap3A_542] {strides = array<i32>} : memref<4x128xi32, #tpu.memory_space<vmem>>, vector<1x16xi32>,
        %swap3A_544 = vector.shape_cast %swap3A_543 : vector<1x16xi32> to vector<16xi32>
        %swap3A_545 = vector.shape_cast %mul3A_539 : vector<16xi32> to vector<1x16xi32>
        tpu.vector_store %arg7[%swap3A_541, %swap3A_542], %swap3A_545 {strides = array<i32>} : memref<4x128xi32, #tpu.memory_space<vmem>>, vector<1x16xi32>,
        %get3A_546 = arith.constant 1 : i32
        %get3A_547 = arith.index_cast %get3A_546 : i32 to index
        %get3A_548 = arith.constant 32 : index
        %get3A_549 = tpu.vector_load %arg6[%get3A_547, %get3A_548] {strides = array<i32>} : memref<4x128xi32, #tpu.memory_space<vmem>>, vector<1x16xi32>,
        %get3A_550 = vector.shape_cast %get3A_549 : vector<1x16xi32> to vector<16xi32>
        %mul3A_551 = arith.constant 2 : i32
        %mul3A_552 = vector.broadcast %mul3A_551 : i32 to vector<16xi32>
        %mul3A_553 = arith.muli %get3A_550, %mul3A_552 : vector<16xi32>
        %swap3A_554 = arith.constant 1 : i32
        %swap3A_555 = arith.index_cast %swap3A_554 : i32 to index
        %swap3A_556 = arith.constant 32 : index
        %swap3A_557 = tpu.vector_load %arg7[%swap3A_555, %swap3A_556] {strides = array<i32>} : memref<4x128xi32, #tpu.memory_space<vmem>>, vector<1x16xi32>,
        %swap3A_558 = vector.shape_cast %swap3A_557 : vector<1x16xi32> to vector<16xi32>
        %swap3A_559 = vector.shape_cast %mul3A_553 : vector<16xi32> to vector<1x16xi32>
        tpu.vector_store %arg7[%swap3A_555, %swap3A_556], %swap3A_559 {strides = array<i32>} : memref<4x128xi32, #tpu.memory_space<vmem>>, vector<1x16xi32>,
        %get3A_560 = arith.constant 1 : i32
        %get3A_561 = arith.index_cast %get3A_560 : i32 to index
        %get3A_562 = arith.constant 48 : index
        %get3A_563 = tpu.vector_load %arg6[%get3A_561, %get3A_562] {strides = array<i32>} : memref<4x128xi32, #tpu.memory_space<vmem>>, vector<1x16xi32>,
        %get3A_564 = vector.shape_cast %get3A_563 : vector<1x16xi32> to vector<16xi32>
        %mul3A_565 = arith.constant 2 : i32
        %mul3A_566 = vector.broadcast %mul3A_565 : i32 to vector<16xi32>
        %mul3A_567 = arith.muli %get3A_564, %mul3A_566 : vector<16xi32>
        %swap3A_568 = arith.constant 1 : i32
        %swap3A_569 = arith.index_cast %swap3A_568 : i32 to index
        %swap3A_570 = arith.constant 48 : index
        %swap3A_571 = tpu.vector_load %arg7[%swap3A_569, %swap3A_570] {strides = array<i32>} : memref<4x128xi32, #tpu.memory_space<vmem>>, vector<1x16xi32>,
        %swap3A_572 = vector.shape_cast %swap3A_571 : vector<1x16xi32> to vector<16xi32>
        %swap3A_573 = vector.shape_cast %mul3A_567 : vector<16xi32> to vector<1x16xi32>
        tpu.vector_store %arg7[%swap3A_569, %swap3A_570], %swap3A_573 {strides = array<i32>} : memref<4x128xi32, #tpu.memory_space<vmem>>, vector<1x16xi32>,
        %get3A_574 = arith.constant 1 : i32
        %get3A_575 = arith.index_cast %get3A_574 : i32 to index
        %get3A_576 = arith.constant 64 : index
        %get3A_577 = tpu.vector_load %arg6[%get3A_575, %get3A_576] {strides = array<i32>} : memref<4x128xi32, #tpu.memory_space<vmem>>, vector<1x16xi32>,
        %get3A_578 = vector.shape_cast %get3A_577 : vector<1x16xi32> to vector<16xi32>
        %mul3A_579 = arith.constant 2 : i32
        %mul3A_580 = vector.broadcast %mul3A_579 : i32 to vector<16xi32>
        %mul3A_581 = arith.muli %get3A_578, %mul3A_580 : vector<16xi32>
        %swap3A_582 = arith.constant 1 : i32
        %swap3A_583 = arith.index_cast %swap3A_582 : i32 to index
        %swap3A_584 = arith.constant 64 : index
        %swap3A_585 = tpu.vector_load %arg7[%swap3A_583, %swap3A_584] {strides = array<i32>} : memref<4x128xi32, #tpu.memory_space<vmem>>, vector<1x16xi32>,
        %swap3A_586 = vector.shape_cast %swap3A_585 : vector<1x16xi32> to vector<16xi32>
        %swap3A_587 = vector.shape_cast %mul3A_581 : vector<16xi32> to vector<1x16xi32>
        tpu.vector_store %arg7[%swap3A_583, %swap3A_584], %swap3A_587 {strides = array<i32>} : memref<4x128xi32, #tpu.memory_space<vmem>>, vector<1x16xi32>,
        %get3A_588 = arith.constant 1 : i32
        %get3A_589 = arith.index_cast %get3A_588 : i32 to index
        %get3A_590 = arith.constant 80 : index
        %get3A_591 = tpu.vector_load %arg6[%get3A_589, %get3A_590] {strides = array<i32>} : memref<4x128xi32, #tpu.memory_space<vmem>>, vector<1x16xi32>,
        %get3A_592 = vector.shape_cast %get3A_591 : vector<1x16xi32> to vector<16xi32>
        %mul3A_593 = arith.constant 2 : i32
        %mul3A_594 = vector.broadcast %mul3A_593 : i32 to vector<16xi32>
        %mul3A_595 = arith.muli %get3A_592, %mul3A_594 : vector<16xi32>
        %swap3A_596 = arith.constant 1 : i32
        %swap3A_597 = arith.index_cast %swap3A_596 : i32 to index
        %swap3A_598 = arith.constant 80 : index
        %swap3A_599 = tpu.vector_load %arg7[%swap3A_597, %swap3A_598] {strides = array<i32>} : memref<4x128xi32, #tpu.memory_space<vmem>>, vector<1x16xi32>,
        %swap3A_600 = vector.shape_cast %swap3A_599 : vector<1x16xi32> to vector<16xi32>
        %swap3A_601 = vector.shape_cast %mul3A_595 : vector<16xi32> to vector<1x16xi32>
        tpu.vector_store %arg7[%swap3A_597, %swap3A_598], %swap3A_601 {strides = array<i32>} : memref<4x128xi32, #tpu.memory_space<vmem>>, vector<1x16xi32>,
        %get3A_602 = arith.constant 1 : i32
        %get3A_603 = arith.index_cast %get3A_602 : i32 to index
        %get3A_604 = arith.constant 96 : index
        %get3A_605 = tpu.vector_load %arg6[%get3A_603, %get3A_604] {strides = array<i32>} : memref<4x128xi32, #tpu.memory_space<vmem>>, vector<1x16xi32>,
        %get3A_606 = vector.shape_cast %get3A_605 : vector<1x16xi32> to vector<16xi32>
        %mul3A_607 = arith.constant 2 : i32
        %mul3A_608 = vector.broadcast %mul3A_607 : i32 to vector<16xi32>
        %mul3A_609 = arith.muli %get3A_606, %mul3A_608 : vector<16xi32>
        %swap3A_610 = arith.constant 1 : i32
        %swap3A_611 = arith.index_cast %swap3A_610 : i32 to index
        %swap3A_612 = arith.constant 96 : index
        %swap3A_613 = tpu.vector_load %arg7[%swap3A_611, %swap3A_612] {strides = array<i32>} : memref<4x128xi32, #tpu.memory_space<vmem>>, vector<1x16xi32>,
        %swap3A_614 = vector.shape_cast %swap3A_613 : vector<1x16xi32> to vector<16xi32>
        %swap3A_615 = vector.shape_cast %mul3A_609 : vector<16xi32> to vector<1x16xi32>
        tpu.vector_store %arg7[%swap3A_611, %swap3A_612], %swap3A_615 {strides = array<i32>} : memref<4x128xi32, #tpu.memory_space<vmem>>, vector<1x16xi32>,
        %get3A_616 = arith.constant 1 : i32
        %get3A_617 = arith.index_cast %get3A_616 : i32 to index
        %get3A_618 = arith.constant 112 : index
        %get3A_619 = tpu.vector_load %arg6[%get3A_617, %get3A_618] {strides = array<i32>} : memref<4x128xi32, #tpu.memory_space<vmem>>, vector<1x16xi32>,
        %get3A_620 = vector.shape_cast %get3A_619 : vector<1x16xi32> to vector<16xi32>
        %mul3A_621 = arith.constant 2 : i32
        %mul3A_622 = vector.broadcast %mul3A_621 : i32 to vector<16xi32>
        %mul3A_623 = arith.muli %get3A_620, %mul3A_622 : vector<16xi32>
        %swap3A_624 = arith.constant 1 : i32
        %swap3A_625 = arith.index_cast %swap3A_624 : i32 to index
        %swap3A_626 = arith.constant 112 : index
        %swap3A_627 = tpu.vector_load %arg7[%swap3A_625, %swap3A_626] {strides = array<i32>} : memref<4x128xi32, #tpu.memory_space<vmem>>, vector<1x16xi32>,
        %swap3A_628 = vector.shape_cast %swap3A_627 : vector<1x16xi32> to vector<16xi32>
        %swap3A_629 = vector.shape_cast %mul3A_623 : vector<16xi32> to vector<1x16xi32>
        tpu.vector_store %arg7[%swap3A_625, %swap3A_626], %swap3A_629 {strides = array<i32>} : memref<4x128xi32, #tpu.memory_space<vmem>>, vector<1x16xi32>,
        %sub3A = arith.constant 3 : i32
        %sub3A_630 = arith.subi %add3A_256, %sub3A : i32
        %ge3A = arith.constant 0 : i32
        %ge3A_631 = arith.cmpi sge, %sub3A_630, %ge3A : i32
        %convert_element_type3A_632 = arith.extui %ge3A_631 : i1 to i32
        %cond3A_633 = arith.constant 0 : i32
        %cond3A_634 = arith.cmpi ne, %convert_element_type3A_632, %cond3A_633 : i32
        scf.if %cond3A_634 {
          %sub3A_647 = arith.constant 3 : i32
          %sub3A_648 = arith.subi %add3A_256, %sub3A_647 : i32
          %dma_wait3A_649 = arith.constant 1 : i32
          %dma_wait3A_650 = arith.constant 0 : i32
          %dma_wait3A_651 = arith.constant 0 : i32
          %dma_wait3A_652 = tpu.memref_slice %arg8[%dma_wait3A_649, %dma_wait3A_650, %dma_wait3A_651] : memref<4x128x64xf32, #tpu.memory_space<vmem>> -> memref<1x128x64xf32, #tpu.memory_space<vmem>>
          %dma_wait3A_653 = tpu.memref_squeeze %dma_wait3A_652 : memref<1x128x64xf32, #tpu.memory_space<vmem>> -> memref<128x64xf32, #tpu.memory_space<vmem>>
          %dma_wait3A_654 = arith.constant 0 : i32
          %dma_wait3A_655 = tpu.memref_slice %arg5[%mul3A_2, %sub3A_648, %dma_wait3A_654] : memref<4096x200x128xf32, #tpu.memory_space<hbm>> -> memref<128x1x64xf32, #tpu.memory_space<hbm>>
          %dma_wait3A_656 = tpu.memref_squeeze %dma_wait3A_655 : memref<128x1x64xf32, #tpu.memory_space<hbm>> -> memref<128x64xf32, #tpu.memory_space<hbm>>
          %dma_wait3A_657 = arith.constant 0 : i32
          %dma_wait3A_658 = tpu.memref_slice %arg5[%mul3A_2, %sub3A_648, %dma_wait3A_657] : memref<4096x200x128xf32, #tpu.memory_space<hbm>> -> memref<128x1x64xf32, #tpu.memory_space<hbm>>
          %dma_wait3A_659 = tpu.memref_squeeze %dma_wait3A_658 : memref<128x1x64xf32, #tpu.memory_space<hbm>> -> memref<128x64xf32, #tpu.memory_space<hbm>>
          %dma_wait3A_660 = arith.constant 0 : i32
          %dma_wait3A_661 = arith.constant 0 : i32
          %dma_wait3A_662 = tpu.memref_slice %arg8[%dma_wait3A_649, %dma_wait3A_660, %dma_wait3A_661] : memref<4x128x64xf32, #tpu.memory_space<vmem>> -> memref<1x128x64xf32, #tpu.memory_space<vmem>>
          %dma_wait3A_663 = tpu.memref_squeeze %dma_wait3A_662 : memref<1x128x64xf32, #tpu.memory_space<vmem>> -> memref<128x64xf32, #tpu.memory_space<vmem>>
          tpu.wait_dma2 semaphore(%arg19 : memref<!tpu.dma_semaphore, #tpu.memory_space<semaphore_mem>>) src(%dma_wait3A_663 : memref<128x64xf32, #tpu.memory_space<vmem>>) dst(%dma_wait3A_659 : memref<128x64xf32, #tpu.memory_space<hbm>>)
        } else {
        }
        %dma_start3A_635 = arith.constant 1 : i32
        %dma_start3A_636 = arith.constant 1 : i32
        %dma_start3A_637 = arith.constant 0 : i32
        %dma_start3A_638 = arith.constant 0 : i32
        %dma_start3A_639 = tpu.memref_slice %arg8[%dma_start3A_636, %dma_start3A_637, %dma_start3A_638] : memref<4x128x64xf32, #tpu.memory_space<vmem>> -> memref<1x128x64xf32, #tpu.memory_space<vmem>>
        %dma_start3A_640 = tpu.memref_squeeze %dma_start3A_639 : memref<1x128x64xf32, #tpu.memory_space<vmem>> -> memref<128x64xf32, #tpu.memory_space<vmem>>
        %dma_start3A_641 = arith.constant 0 : i32
        %dma_start3A_642 = tpu.memref_slice %arg7[%dma_start3A_635, %dma_start3A_641] : memref<4x128xi32, #tpu.memory_space<vmem>> -> memref<1x128xi32, #tpu.memory_space<vmem>>
        %dma_start3A_643 = tpu.memref_squeeze %dma_start3A_642 : memref<1x128xi32, #tpu.memory_space<vmem>> -> memref<128xi32, #tpu.memory_space<vmem>>
        %dma_start3A_644 = arith.constant 0 : i32
        %dma_start3A_645 = arith.constant 0 : i32
        %dma_start3A_646 = tpu.memref_slice %arg3[%dma_start3A_644, %dma_start3A_645] : memref<2000000x64xf32, #tpu.memory_space<hbm>> -> memref<2000000x64xf32, #tpu.memory_space<hbm>>
        tpu.enqueue_indirect_dma source(%dma_start3A_646 : memref<2000000x64xf32, #tpu.memory_space<hbm>>) target(%dma_start3A_640 : memref<128x64xf32, #tpu.memory_space<vmem>>) offsets(%dma_start3A_643 : memref<128xi32, #tpu.memory_space<vmem>>) semaphore(%arg15 : memref<!tpu.dma_semaphore, #tpu.memory_space<semaphore_mem>>)
      } else {
      }
      %get3A_280 = arith.index_cast %add3A_256 : i32 to index
      %get3A_281 = arith.constant 0 : index
      %get3A_282 = tpu.vector_load %arg9[%get3A_280, %get3A_281] {strides = array<i32>} : memref<200x64xf32, #tpu.memory_space<vmem>>, vector<1x16xf32>,
      %get3A_283 = vector.shape_cast %get3A_282 : vector<1x16xf32> to vector<16xf32>
      %get3A_284 = arith.index_cast %add3A_256 : i32 to index
      %get3A_285 = arith.constant 16 : index
      %get3A_286 = tpu.vector_load %arg9[%get3A_284, %get3A_285] {strides = array<i32>} : memref<200x64xf32, #tpu.memory_space<vmem>>, vector<1x16xf32>,
      %get3A_287 = vector.shape_cast %get3A_286 : vector<1x16xf32> to vector<16xf32>
      %get3A_288 = arith.index_cast %add3A_256 : i32 to index
      %get3A_289 = arith.constant 32 : index
      %get3A_290 = tpu.vector_load %arg9[%get3A_288, %get3A_289] {strides = array<i32>} : memref<200x64xf32, #tpu.memory_space<vmem>>, vector<1x16xf32>,
      %get3A_291 = vector.shape_cast %get3A_290 : vector<1x16xf32> to vector<16xf32>
      %get3A_292 = arith.index_cast %add3A_256 : i32 to index
      %get3A_293 = arith.constant 48 : index
      %get3A_294 = tpu.vector_load %arg9[%get3A_292, %get3A_293] {strides = array<i32>} : memref<200x64xf32, #tpu.memory_space<vmem>>, vector<1x16xf32>,
      %get3A_295 = vector.shape_cast %get3A_294 : vector<1x16xf32> to vector<16xf32>
      %parallel_loop3A = arith.constant 0 : i32
      %parallel_loop3A_296 = arith.constant 128 : i32
      %parallel_loop3A_297 = arith.constant 1 : i32
      scf.for %parallel_loop3A_505 = %parallel_loop3A to %parallel_loop3A_296 step %parallel_loop3A_297  : i32 {
        %parallel_loop3A_506 = arith.constant 0 : i32
        %parallel_loop3A_507 = arith.index_cast %parallel_loop3A_506 : i32 to index
        %parallel_loop3A_508 = arith.index_cast %parallel_loop3A_505 : i32 to index
        %parallel_loop3A_509 = arith.constant 0 : index
        %parallel_loop3A_510 = tpu.vector_load %arg8[%parallel_loop3A_507, %parallel_loop3A_508, %parallel_loop3A_509] {strides = array<i32>} : memref<4x128x64xf32, #tpu.memory_space<vmem>>, vector<1x1x16xf32>,
        %parallel_loop3A_511 = vector.shape_cast %parallel_loop3A_510 : vector<1x1x16xf32> to vector<16xf32>
        %parallel_loop3A_512 = vector.shape_cast %get3A_283 : vector<16xf32> to vector<1x1x16xf32>
        tpu.vector_store %arg8[%parallel_loop3A_507, %parallel_loop3A_508, %parallel_loop3A_509], %parallel_loop3A_512 {add = true, strides = array<i32>} : memref<4x128x64xf32, #tpu.memory_space<vmem>>, vector<1x1x16xf32>,
        %parallel_loop3A_513 = arith.constant 0 : i32
        %parallel_loop3A_514 = arith.index_cast %parallel_loop3A_513 : i32 to index
        %parallel_loop3A_515 = arith.index_cast %parallel_loop3A_505 : i32 to index
        %parallel_loop3A_516 = arith.constant 16 : index
        %parallel_loop3A_517 = tpu.vector_load %arg8[%parallel_loop3A_514, %parallel_loop3A_515, %parallel_loop3A_516] {strides = array<i32>} : memref<4x128x64xf32, #tpu.memory_space<vmem>>, vector<1x1x16xf32>,
        %parallel_loop3A_518 = vector.shape_cast %parallel_loop3A_517 : vector<1x1x16xf32> to vector<16xf32>
        %parallel_loop3A_519 = vector.shape_cast %get3A_287 : vector<16xf32> to vector<1x1x16xf32>
        tpu.vector_store %arg8[%parallel_loop3A_514, %parallel_loop3A_515, %parallel_loop3A_516], %parallel_loop3A_519 {add = true, strides = array<i32>} : memref<4x128x64xf32, #tpu.memory_space<vmem>>, vector<1x1x16xf32>,
        %parallel_loop3A_520 = arith.constant 0 : i32
        %parallel_loop3A_521 = arith.index_cast %parallel_loop3A_520 : i32 to index
        %parallel_loop3A_522 = arith.index_cast %parallel_loop3A_505 : i32 to index
        %parallel_loop3A_523 = arith.constant 32 : index
        %parallel_loop3A_524 = tpu.vector_load %arg8[%parallel_loop3A_521, %parallel_loop3A_522, %parallel_loop3A_523] {strides = array<i32>} : memref<4x128x64xf32, #tpu.memory_space<vmem>>, vector<1x1x16xf32>,
        %parallel_loop3A_525 = vector.shape_cast %parallel_loop3A_524 : vector<1x1x16xf32> to vector<16xf32>
        %parallel_loop3A_526 = vector.shape_cast %get3A_291 : vector<16xf32> to vector<1x1x16xf32>
        tpu.vector_store %arg8[%parallel_loop3A_521, %parallel_loop3A_522, %parallel_loop3A_523], %parallel_loop3A_526 {add = true, strides = array<i32>} : memref<4x128x64xf32, #tpu.memory_space<vmem>>, vector<1x1x16xf32>,
        %parallel_loop3A_527 = arith.constant 0 : i32
        %parallel_loop3A_528 = arith.index_cast %parallel_loop3A_527 : i32 to index
        %parallel_loop3A_529 = arith.index_cast %parallel_loop3A_505 : i32 to index
        %parallel_loop3A_530 = arith.constant 48 : index
        %parallel_loop3A_531 = tpu.vector_load %arg8[%parallel_loop3A_528, %parallel_loop3A_529, %parallel_loop3A_530] {strides = array<i32>} : memref<4x128x64xf32, #tpu.memory_space<vmem>>, vector<1x1x16xf32>,
        %parallel_loop3A_532 = vector.shape_cast %parallel_loop3A_531 : vector<1x1x16xf32> to vector<16xf32>
        %parallel_loop3A_533 = vector.shape_cast %get3A_295 : vector<16xf32> to vector<1x1x16xf32>
        tpu.vector_store %arg8[%parallel_loop3A_528, %parallel_loop3A_529, %parallel_loop3A_530], %parallel_loop3A_533 {add = true, strides = array<i32>} : memref<4x128x64xf32, #tpu.memory_space<vmem>>, vector<1x1x16xf32>,
      } {sc.loop_unroll_factor = 8 : i64, sc.parallel_access}
      %dma_start3A_298 = arith.constant 0 : i32
      %dma_start3A_299 = arith.constant 0 : i32
      %dma_start3A_300 = arith.constant 0 : i32
      %dma_start3A_301 = tpu.memref_slice %arg8[%dma_start3A_298, %dma_start3A_299, %dma_start3A_300] : memref<4x128x64xf32, #tpu.memory_space<vmem>> -> memref<1x128x64xf32, #tpu.memory_space<vmem>>
      %dma_start3A_302 = tpu.memref_squeeze %dma_start3A_301 : memref<1x128x64xf32, #tpu.memory_space<vmem>> -> memref<128x64xf32, #tpu.memory_space<vmem>>
      %dma_start3A_303 = arith.constant 0 : i32
      %dma_start3A_304 = tpu.memref_slice %arg5[%mul3A_2, %add3A_256, %dma_start3A_303] : memref<4096x200x128xf32, #tpu.memory_space<hbm>> -> memref<128x1x64xf32, #tpu.memory_space<hbm>>
      %dma_start3A_305 = tpu.memref_squeeze %dma_start3A_304 : memref<128x1x64xf32, #tpu.memory_space<hbm>> -> memref<128x64xf32, #tpu.memory_space<hbm>>
      %dma_start3A_306 = arith.constant 0 : i32
      %dma_start3A_307 = tpu.memref_slice %arg5[%mul3A_2, %add3A_256, %dma_start3A_306] : memref<4096x200x128xf32, #tpu.memory_space<hbm>> -> memref<128x1x64xf32, #tpu.memory_space<hbm>>
      %dma_start3A_308 = tpu.memref_squeeze %dma_start3A_307 : memref<128x1x64xf32, #tpu.memory_space<hbm>> -> memref<128x64xf32, #tpu.memory_space<hbm>>
      %dma_start3A_309 = arith.constant 0 : i32
      %dma_start3A_310 = arith.constant 0 : i32
      %dma_start3A_311 = tpu.memref_slice %arg8[%dma_start3A_298, %dma_start3A_309, %dma_start3A_310] : memref<4x128x64xf32, #tpu.memory_space<vmem>> -> memref<1x128x64xf32, #tpu.memory_space<vmem>>
      %dma_start3A_312 = tpu.memref_squeeze %dma_start3A_311 : memref<1x128x64xf32, #tpu.memory_space<vmem>> -> memref<128x64xf32, #tpu.memory_space<vmem>>
      tpu.enqueue_dma source(%dma_start3A_312 : memref<128x64xf32, #tpu.memory_space<vmem>>) target(%dma_start3A_308 : memref<128x64xf32, #tpu.memory_space<hbm>>) target_semaphore(%arg18 : memref<!tpu.dma_semaphore, #tpu.memory_space<semaphore_mem>>)
      %mul3A_313 = arith.constant 4 : i32
      %mul3A_314 = arith.muli %scan3A_252, %mul3A_313 : i32
      %add3A_315 = arith.constant 1 : i32
      %add3A_316 = arith.addi %mul3A_314, %add3A_315 : i32
      %dma_wait3A_317 = arith.constant 1 : i32
      %dma_wait3A_318 = arith.constant 1 : i32
      %dma_wait3A_319 = arith.constant 0 : i32
      %dma_wait3A_320 = arith.constant 0 : i32
      %dma_wait3A_321 = tpu.memref_slice %arg8[%dma_wait3A_318, %dma_wait3A_319, %dma_wait3A_320] : memref<4x128x64xf32, #tpu.memory_space<vmem>> -> memref<1x128x64xf32, #tpu.memory_space<vmem>>
      %dma_wait3A_322 = tpu.memref_squeeze %dma_wait3A_321 : memref<1x128x64xf32, #tpu.memory_space<vmem>> -> memref<128x64xf32, #tpu.memory_space<vmem>>
      %dma_wait3A_323 = arith.constant 0 : i32
      %dma_wait3A_324 = tpu.memref_slice %arg7[%dma_wait3A_317, %dma_wait3A_323] : memref<4x128xi32, #tpu.memory_space<vmem>> -> memref<1x128xi32, #tpu.memory_space<vmem>>
      %dma_wait3A_325 = tpu.memref_squeeze %dma_wait3A_324 : memref<1x128xi32, #tpu.memory_space<vmem>> -> memref<128xi32, #tpu.memory_space<vmem>>
      %dma_wait3A_326 = arith.constant 0 : i32
      %dma_wait3A_327 = arith.constant 0 : i32
      %dma_wait3A_328 = tpu.memref_slice %arg3[%dma_wait3A_326, %dma_wait3A_327] : memref<2000000x64xf32, #tpu.memory_space<hbm>> -> memref<2000000x64xf32, #tpu.memory_space<hbm>>
      tpu.wait_indirect_dma semaphore(%arg15 : memref<!tpu.dma_semaphore, #tpu.memory_space<semaphore_mem>>) src(%dma_wait3A_328 : memref<2000000x64xf32, #tpu.memory_space<hbm>>) dst(%dma_wait3A_322 : memref<128x64xf32, #tpu.memory_space<vmem>>)
      %add3A_329 = arith.constant 4 : i32
      %add3A_330 = arith.addi %add3A_316, %add3A_329 : i32
      %lt3A_331 = arith.constant 200 : i32
      %lt3A_332 = arith.cmpi slt, %add3A_330, %lt3A_331 : i32
      %convert_element_type3A_333 = arith.extui %lt3A_332 : i1 to i32
      %cond3A_334 = arith.constant 0 : i32
      %cond3A_335 = arith.cmpi ne, %convert_element_type3A_333, %cond3A_334 : i32
      scf.if %cond3A_335 {
        %add3A_505 = arith.constant 4 : i32
        %add3A_506 = arith.addi %add3A_316, %add3A_505 : i32
        %dma_start3A_507 = arith.constant 1 : i32
        %dma_start3A_508 = arith.constant 0 : i32
        %dma_start3A_509 = tpu.memref_slice %arg6[%dma_start3A_507, %dma_start3A_508] : memref<4x128xi32, #tpu.memory_space<vmem>> -> memref<1x128xi32, #tpu.memory_space<vmem>>
        %dma_start3A_510 = tpu.memref_squeeze %dma_start3A_509 : memref<1x128xi32, #tpu.memory_space<vmem>> -> memref<128xi32, #tpu.memory_space<vmem>>
        %dma_start3A_511 = tpu.memref_slice %arg2[%add3A_506, %mul3A_2] : memref<200x4096xi32, #tpu.memory_space<hbm>> -> memref<1x128xi32, #tpu.memory_space<hbm>>
        %dma_start3A_512 = tpu.memref_squeeze %dma_start3A_511 : memref<1x128xi32, #tpu.memory_space<hbm>> -> memref<128xi32, #tpu.memory_space<hbm>>
        %dma_start3A_513 = arith.constant 0 : i32
        %dma_start3A_514 = tpu.memref_slice %arg6[%dma_start3A_507, %dma_start3A_513] : memref<4x128xi32, #tpu.memory_space<vmem>> -> memref<1x128xi32, #tpu.memory_space<vmem>>
        %dma_start3A_515 = tpu.memref_squeeze %dma_start3A_514 : memref<1x128xi32, #tpu.memory_space<vmem>> -> memref<128xi32, #tpu.memory_space<vmem>>
        %dma_start3A_516 = tpu.memref_slice %arg2[%add3A_506, %mul3A_2] : memref<200x4096xi32, #tpu.memory_space<hbm>> -> memref<1x128xi32, #tpu.memory_space<hbm>>
        %dma_start3A_517 = tpu.memref_squeeze %dma_start3A_516 : memref<1x128xi32, #tpu.memory_space<hbm>> -> memref<128xi32, #tpu.memory_space<hbm>>
        tpu.enqueue_dma source(%dma_start3A_517 : memref<128xi32, #tpu.memory_space<hbm>>) target(%dma_start3A_515 : memref<128xi32, #tpu.memory_space<vmem>>) target_semaphore(%arg11 : memref<!tpu.dma_semaphore, #tpu.memory_space<semaphore_mem>>)
      } else {
      }
      %add3A_336 = arith.constant 1 : i32
      %add3A_337 = arith.addi %add3A_316, %add3A_336 : i32
      %lt3A_338 = arith.constant 200 : i32
      %lt3A_339 = arith.cmpi slt, %add3A_337, %lt3A_338 : i32
      %convert_element_type3A_340 = arith.extui %lt3A_339 : i1 to i32
      %cond3A_341 = arith.constant 0 : i32
      %cond3A_342 = arith.cmpi ne, %convert_element_type3A_340, %cond3A_341 : i32
      scf.if %cond3A_342 {
        %add3A_505 = arith.constant 1 : i32
        %add3A_506 = arith.addi %add3A_316, %add3A_505 : i32
        %dma_wait3A_507 = arith.constant 2 : i32
        %dma_wait3A_508 = arith.constant 0 : i32
        %dma_wait3A_509 = tpu.memref_slice %arg6[%dma_wait3A_507, %dma_wait3A_508] : memref<4x128xi32, #tpu.memory_space<vmem>> -> memref<1x128xi32, #tpu.memory_space<vmem>>
        %dma_wait3A_510 = tpu.memref_squeeze %dma_wait3A_509 : memref<1x128xi32, #tpu.memory_space<vmem>> -> memref<128xi32, #tpu.memory_space<vmem>>
        %dma_wait3A_511 = tpu.memref_slice %arg2[%add3A_506, %mul3A_2] : memref<200x4096xi32, #tpu.memory_space<hbm>> -> memref<1x128xi32, #tpu.memory_space<hbm>>
        %dma_wait3A_512 = tpu.memref_squeeze %dma_wait3A_511 : memref<1x128xi32, #tpu.memory_space<hbm>> -> memref<128xi32, #tpu.memory_space<hbm>>
        %dma_wait3A_513 = arith.constant 0 : i32
        %dma_wait3A_514 = tpu.memref_slice %arg6[%dma_wait3A_507, %dma_wait3A_513] : memref<4x128xi32, #tpu.memory_space<vmem>> -> memref<1x128xi32, #tpu.memory_space<vmem>>
        %dma_wait3A_515 = tpu.memref_squeeze %dma_wait3A_514 : memref<1x128xi32, #tpu.memory_space<vmem>> -> memref<128xi32, #tpu.memory_space<vmem>>
        %dma_wait3A_516 = tpu.memref_slice %arg2[%add3A_506, %mul3A_2] : memref<200x4096xi32, #tpu.memory_space<hbm>> -> memref<1x128xi32, #tpu.memory_space<hbm>>
        %dma_wait3A_517 = tpu.memref_squeeze %dma_wait3A_516 : memref<1x128xi32, #tpu.memory_space<hbm>> -> memref<128xi32, #tpu.memory_space<hbm>>
        tpu.wait_dma2 semaphore(%arg12 : memref<!tpu.dma_semaphore, #tpu.memory_space<semaphore_mem>>) src(%dma_wait3A_517 : memref<128xi32, #tpu.memory_space<hbm>>) dst(%dma_wait3A_515 : memref<128xi32, #tpu.memory_space<vmem>>)
        %get3A_518 = arith.constant 2 : i32
        %get3A_519 = arith.index_cast %get3A_518 : i32 to index
        %get3A_520 = arith.constant 0 : index
        %get3A_521 = tpu.vector_load %arg6[%get3A_519, %get3A_520] {strides = array<i32>} : memref<4x128xi32, #tpu.memory_space<vmem>>, vector<1x16xi32>,
        %get3A_522 = vector.shape_cast %get3A_521 : vector<1x16xi32> to vector<16xi32>
        %mul3A_523 = arith.constant 2 : i32
        %mul3A_524 = vector.broadcast %mul3A_523 : i32 to vector<16xi32>
        %mul3A_525 = arith.muli %get3A_522, %mul3A_524 : vector<16xi32>
        %swap3A_526 = arith.constant 2 : i32
        %swap3A_527 = arith.index_cast %swap3A_526 : i32 to index
        %swap3A_528 = arith.constant 0 : index
        %swap3A_529 = tpu.vector_load %arg7[%swap3A_527, %swap3A_528] {strides = array<i32>} : memref<4x128xi32, #tpu.memory_space<vmem>>, vector<1x16xi32>,
        %swap3A_530 = vector.shape_cast %swap3A_529 : vector<1x16xi32> to vector<16xi32>
        %swap3A_531 = vector.shape_cast %mul3A_525 : vector<16xi32> to vector<1x16xi32>
        tpu.vector_store %arg7[%swap3A_527, %swap3A_528], %swap3A_531 {strides = array<i32>} : memref<4x128xi32, #tpu.memory_space<vmem>>, vector<1x16xi32>,
        %get3A_532 = arith.constant 2 : i32
        %get3A_533 = arith.index_cast %get3A_532 : i32 to index
        %get3A_534 = arith.constant 16 : index
        %get3A_535 = tpu.vector_load %arg6[%get3A_533, %get3A_534] {strides = array<i32>} : memref<4x128xi32, #tpu.memory_space<vmem>>, vector<1x16xi32>,
        %get3A_536 = vector.shape_cast %get3A_535 : vector<1x16xi32> to vector<16xi32>
        %mul3A_537 = arith.constant 2 : i32
        %mul3A_538 = vector.broadcast %mul3A_537 : i32 to vector<16xi32>
        %mul3A_539 = arith.muli %get3A_536, %mul3A_538 : vector<16xi32>
        %swap3A_540 = arith.constant 2 : i32
        %swap3A_541 = arith.index_cast %swap3A_540 : i32 to index
        %swap3A_542 = arith.constant 16 : index
        %swap3A_543 = tpu.vector_load %arg7[%swap3A_541, %swap3A_542] {strides = array<i32>} : memref<4x128xi32, #tpu.memory_space<vmem>>, vector<1x16xi32>,
        %swap3A_544 = vector.shape_cast %swap3A_543 : vector<1x16xi32> to vector<16xi32>
        %swap3A_545 = vector.shape_cast %mul3A_539 : vector<16xi32> to vector<1x16xi32>
        tpu.vector_store %arg7[%swap3A_541, %swap3A_542], %swap3A_545 {strides = array<i32>} : memref<4x128xi32, #tpu.memory_space<vmem>>, vector<1x16xi32>,
        %get3A_546 = arith.constant 2 : i32
        %get3A_547 = arith.index_cast %get3A_546 : i32 to index
        %get3A_548 = arith.constant 32 : index
        %get3A_549 = tpu.vector_load %arg6[%get3A_547, %get3A_548] {strides = array<i32>} : memref<4x128xi32, #tpu.memory_space<vmem>>, vector<1x16xi32>,
        %get3A_550 = vector.shape_cast %get3A_549 : vector<1x16xi32> to vector<16xi32>
        %mul3A_551 = arith.constant 2 : i32
        %mul3A_552 = vector.broadcast %mul3A_551 : i32 to vector<16xi32>
        %mul3A_553 = arith.muli %get3A_550, %mul3A_552 : vector<16xi32>
        %swap3A_554 = arith.constant 2 : i32
        %swap3A_555 = arith.index_cast %swap3A_554 : i32 to index
        %swap3A_556 = arith.constant 32 : index
        %swap3A_557 = tpu.vector_load %arg7[%swap3A_555, %swap3A_556] {strides = array<i32>} : memref<4x128xi32, #tpu.memory_space<vmem>>, vector<1x16xi32>,
        %swap3A_558 = vector.shape_cast %swap3A_557 : vector<1x16xi32> to vector<16xi32>
        %swap3A_559 = vector.shape_cast %mul3A_553 : vector<16xi32> to vector<1x16xi32>
        tpu.vector_store %arg7[%swap3A_555, %swap3A_556], %swap3A_559 {strides = array<i32>} : memref<4x128xi32, #tpu.memory_space<vmem>>, vector<1x16xi32>,
        %get3A_560 = arith.constant 2 : i32
        %get3A_561 = arith.index_cast %get3A_560 : i32 to index
        %get3A_562 = arith.constant 48 : index
        %get3A_563 = tpu.vector_load %arg6[%get3A_561, %get3A_562] {strides = array<i32>} : memref<4x128xi32, #tpu.memory_space<vmem>>, vector<1x16xi32>,
        %get3A_564 = vector.shape_cast %get3A_563 : vector<1x16xi32> to vector<16xi32>
        %mul3A_565 = arith.constant 2 : i32
        %mul3A_566 = vector.broadcast %mul3A_565 : i32 to vector<16xi32>
        %mul3A_567 = arith.muli %get3A_564, %mul3A_566 : vector<16xi32>
        %swap3A_568 = arith.constant 2 : i32
        %swap3A_569 = arith.index_cast %swap3A_568 : i32 to index
        %swap3A_570 = arith.constant 48 : index
        %swap3A_571 = tpu.vector_load %arg7[%swap3A_569, %swap3A_570] {strides = array<i32>} : memref<4x128xi32, #tpu.memory_space<vmem>>, vector<1x16xi32>,
        %swap3A_572 = vector.shape_cast %swap3A_571 : vector<1x16xi32> to vector<16xi32>
        %swap3A_573 = vector.shape_cast %mul3A_567 : vector<16xi32> to vector<1x16xi32>
        tpu.vector_store %arg7[%swap3A_569, %swap3A_570], %swap3A_573 {strides = array<i32>} : memref<4x128xi32, #tpu.memory_space<vmem>>, vector<1x16xi32>,
        %get3A_574 = arith.constant 2 : i32
        %get3A_575 = arith.index_cast %get3A_574 : i32 to index
        %get3A_576 = arith.constant 64 : index
        %get3A_577 = tpu.vector_load %arg6[%get3A_575, %get3A_576] {strides = array<i32>} : memref<4x128xi32, #tpu.memory_space<vmem>>, vector<1x16xi32>,
        %get3A_578 = vector.shape_cast %get3A_577 : vector<1x16xi32> to vector<16xi32>
        %mul3A_579 = arith.constant 2 : i32
        %mul3A_580 = vector.broadcast %mul3A_579 : i32 to vector<16xi32>
        %mul3A_581 = arith.muli %get3A_578, %mul3A_580 : vector<16xi32>
        %swap3A_582 = arith.constant 2 : i32
        %swap3A_583 = arith.index_cast %swap3A_582 : i32 to index
        %swap3A_584 = arith.constant 64 : index
        %swap3A_585 = tpu.vector_load %arg7[%swap3A_583, %swap3A_584] {strides = array<i32>} : memref<4x128xi32, #tpu.memory_space<vmem>>, vector<1x16xi32>,
        %swap3A_586 = vector.shape_cast %swap3A_585 : vector<1x16xi32> to vector<16xi32>
        %swap3A_587 = vector.shape_cast %mul3A_581 : vector<16xi32> to vector<1x16xi32>
        tpu.vector_store %arg7[%swap3A_583, %swap3A_584], %swap3A_587 {strides = array<i32>} : memref<4x128xi32, #tpu.memory_space<vmem>>, vector<1x16xi32>,
        %get3A_588 = arith.constant 2 : i32
        %get3A_589 = arith.index_cast %get3A_588 : i32 to index
        %get3A_590 = arith.constant 80 : index
        %get3A_591 = tpu.vector_load %arg6[%get3A_589, %get3A_590] {strides = array<i32>} : memref<4x128xi32, #tpu.memory_space<vmem>>, vector<1x16xi32>,
        %get3A_592 = vector.shape_cast %get3A_591 : vector<1x16xi32> to vector<16xi32>
        %mul3A_593 = arith.constant 2 : i32
        %mul3A_594 = vector.broadcast %mul3A_593 : i32 to vector<16xi32>
        %mul3A_595 = arith.muli %get3A_592, %mul3A_594 : vector<16xi32>
        %swap3A_596 = arith.constant 2 : i32
        %swap3A_597 = arith.index_cast %swap3A_596 : i32 to index
        %swap3A_598 = arith.constant 80 : index
        %swap3A_599 = tpu.vector_load %arg7[%swap3A_597, %swap3A_598] {strides = array<i32>} : memref<4x128xi32, #tpu.memory_space<vmem>>, vector<1x16xi32>,
        %swap3A_600 = vector.shape_cast %swap3A_599 : vector<1x16xi32> to vector<16xi32>
        %swap3A_601 = vector.shape_cast %mul3A_595 : vector<16xi32> to vector<1x16xi32>
        tpu.vector_store %arg7[%swap3A_597, %swap3A_598], %swap3A_601 {strides = array<i32>} : memref<4x128xi32, #tpu.memory_space<vmem>>, vector<1x16xi32>,
        %get3A_602 = arith.constant 2 : i32
        %get3A_603 = arith.index_cast %get3A_602 : i32 to index
        %get3A_604 = arith.constant 96 : index
        %get3A_605 = tpu.vector_load %arg6[%get3A_603, %get3A_604] {strides = array<i32>} : memref<4x128xi32, #tpu.memory_space<vmem>>, vector<1x16xi32>,
        %get3A_606 = vector.shape_cast %get3A_605 : vector<1x16xi32> to vector<16xi32>
        %mul3A_607 = arith.constant 2 : i32
        %mul3A_608 = vector.broadcast %mul3A_607 : i32 to vector<16xi32>
        %mul3A_609 = arith.muli %get3A_606, %mul3A_608 : vector<16xi32>
        %swap3A_610 = arith.constant 2 : i32
        %swap3A_611 = arith.index_cast %swap3A_610 : i32 to index
        %swap3A_612 = arith.constant 96 : index
        %swap3A_613 = tpu.vector_load %arg7[%swap3A_611, %swap3A_612] {strides = array<i32>} : memref<4x128xi32, #tpu.memory_space<vmem>>, vector<1x16xi32>,
        %swap3A_614 = vector.shape_cast %swap3A_613 : vector<1x16xi32> to vector<16xi32>
        %swap3A_615 = vector.shape_cast %mul3A_609 : vector<16xi32> to vector<1x16xi32>
        tpu.vector_store %arg7[%swap3A_611, %swap3A_612], %swap3A_615 {strides = array<i32>} : memref<4x128xi32, #tpu.memory_space<vmem>>, vector<1x16xi32>,
        %get3A_616 = arith.constant 2 : i32
        %get3A_617 = arith.index_cast %get3A_616 : i32 to index
        %get3A_618 = arith.constant 112 : index
        %get3A_619 = tpu.vector_load %arg6[%get3A_617, %get3A_618] {strides = array<i32>} : memref<4x128xi32, #tpu.memory_space<vmem>>, vector<1x16xi32>,
        %get3A_620 = vector.shape_cast %get3A_619 : vector<1x16xi32> to vector<16xi32>
        %mul3A_621 = arith.constant 2 : i32
        %mul3A_622 = vector.broadcast %mul3A_621 : i32 to vector<16xi32>
        %mul3A_623 = arith.muli %get3A_620, %mul3A_622 : vector<16xi32>
        %swap3A_624 = arith.constant 2 : i32
        %swap3A_625 = arith.index_cast %swap3A_624 : i32 to index
        %swap3A_626 = arith.constant 112 : index
        %swap3A_627 = tpu.vector_load %arg7[%swap3A_625, %swap3A_626] {strides = array<i32>} : memref<4x128xi32, #tpu.memory_space<vmem>>, vector<1x16xi32>,
        %swap3A_628 = vector.shape_cast %swap3A_627 : vector<1x16xi32> to vector<16xi32>
        %swap3A_629 = vector.shape_cast %mul3A_623 : vector<16xi32> to vector<1x16xi32>
        tpu.vector_store %arg7[%swap3A_625, %swap3A_626], %swap3A_629 {strides = array<i32>} : memref<4x128xi32, #tpu.memory_space<vmem>>, vector<1x16xi32>,
        %sub3A = arith.constant 3 : i32
        %sub3A_630 = arith.subi %add3A_316, %sub3A : i32
        %ge3A = arith.constant 0 : i32
        %ge3A_631 = arith.cmpi sge, %sub3A_630, %ge3A : i32
        %convert_element_type3A_632 = arith.extui %ge3A_631 : i1 to i32
        %cond3A_633 = arith.constant 0 : i32
        %cond3A_634 = arith.cmpi ne, %convert_element_type3A_632, %cond3A_633 : i32
        scf.if %cond3A_634 {
          %sub3A_647 = arith.constant 3 : i32
          %sub3A_648 = arith.subi %add3A_316, %sub3A_647 : i32
          %dma_wait3A_649 = arith.constant 2 : i32
          %dma_wait3A_650 = arith.constant 0 : i32
          %dma_wait3A_651 = arith.constant 0 : i32
          %dma_wait3A_652 = tpu.memref_slice %arg8[%dma_wait3A_649, %dma_wait3A_650, %dma_wait3A_651] : memref<4x128x64xf32, #tpu.memory_space<vmem>> -> memref<1x128x64xf32, #tpu.memory_space<vmem>>
          %dma_wait3A_653 = tpu.memref_squeeze %dma_wait3A_652 : memref<1x128x64xf32, #tpu.memory_space<vmem>> -> memref<128x64xf32, #tpu.memory_space<vmem>>
          %dma_wait3A_654 = arith.constant 0 : i32
          %dma_wait3A_655 = tpu.memref_slice %arg5[%mul3A_2, %sub3A_648, %dma_wait3A_654] : memref<4096x200x128xf32, #tpu.memory_space<hbm>> -> memref<128x1x64xf32, #tpu.memory_space<hbm>>
          %dma_wait3A_656 = tpu.memref_squeeze %dma_wait3A_655 : memref<128x1x64xf32, #tpu.memory_space<hbm>> -> memref<128x64xf32, #tpu.memory_space<hbm>>
          %dma_wait3A_657 = arith.constant 0 : i32
          %dma_wait3A_658 = tpu.memref_slice %arg5[%mul3A_2, %sub3A_648, %dma_wait3A_657] : memref<4096x200x128xf32, #tpu.memory_space<hbm>> -> memref<128x1x64xf32, #tpu.memory_space<hbm>>
          %dma_wait3A_659 = tpu.memref_squeeze %dma_wait3A_658 : memref<128x1x64xf32, #tpu.memory_space<hbm>> -> memref<128x64xf32, #tpu.memory_space<hbm>>
          %dma_wait3A_660 = arith.constant 0 : i32
          %dma_wait3A_661 = arith.constant 0 : i32
          %dma_wait3A_662 = tpu.memref_slice %arg8[%dma_wait3A_649, %dma_wait3A_660, %dma_wait3A_661] : memref<4x128x64xf32, #tpu.memory_space<vmem>> -> memref<1x128x64xf32, #tpu.memory_space<vmem>>
          %dma_wait3A_663 = tpu.memref_squeeze %dma_wait3A_662 : memref<1x128x64xf32, #tpu.memory_space<vmem>> -> memref<128x64xf32, #tpu.memory_space<vmem>>
          tpu.wait_dma2 semaphore(%arg20 : memref<!tpu.dma_semaphore, #tpu.memory_space<semaphore_mem>>) src(%dma_wait3A_663 : memref<128x64xf32, #tpu.memory_space<vmem>>) dst(%dma_wait3A_659 : memref<128x64xf32, #tpu.memory_space<hbm>>)
        } else {
        }
        %dma_start3A_635 = arith.constant 2 : i32
        %dma_start3A_636 = arith.constant 2 : i32
        %dma_start3A_637 = arith.constant 0 : i32
        %dma_start3A_638 = arith.constant 0 : i32
        %dma_start3A_639 = tpu.memref_slice %arg8[%dma_start3A_636, %dma_start3A_637, %dma_start3A_638] : memref<4x128x64xf32, #tpu.memory_space<vmem>> -> memref<1x128x64xf32, #tpu.memory_space<vmem>>
        %dma_start3A_640 = tpu.memref_squeeze %dma_start3A_639 : memref<1x128x64xf32, #tpu.memory_space<vmem>> -> memref<128x64xf32, #tpu.memory_space<vmem>>
        %dma_start3A_641 = arith.constant 0 : i32
        %dma_start3A_642 = tpu.memref_slice %arg7[%dma_start3A_635, %dma_start3A_641] : memref<4x128xi32, #tpu.memory_space<vmem>> -> memref<1x128xi32, #tpu.memory_space<vmem>>
        %dma_start3A_643 = tpu.memref_squeeze %dma_start3A_642 : memref<1x128xi32, #tpu.memory_space<vmem>> -> memref<128xi32, #tpu.memory_space<vmem>>
        %dma_start3A_644 = arith.constant 0 : i32
        %dma_start3A_645 = arith.constant 0 : i32
        %dma_start3A_646 = tpu.memref_slice %arg3[%dma_start3A_644, %dma_start3A_645] : memref<2000000x64xf32, #tpu.memory_space<hbm>> -> memref<2000000x64xf32, #tpu.memory_space<hbm>>
        tpu.enqueue_indirect_dma source(%dma_start3A_646 : memref<2000000x64xf32, #tpu.memory_space<hbm>>) target(%dma_start3A_640 : memref<128x64xf32, #tpu.memory_space<vmem>>) offsets(%dma_start3A_643 : memref<128xi32, #tpu.memory_space<vmem>>) semaphore(%arg16 : memref<!tpu.dma_semaphore, #tpu.memory_space<semaphore_mem>>)
      } else {
      }
      %get3A_343 = arith.index_cast %add3A_316 : i32 to index
      %get3A_344 = arith.constant 0 : index
      %get3A_345 = tpu.vector_load %arg9[%get3A_343, %get3A_344] {strides = array<i32>} : memref<200x64xf32, #tpu.memory_space<vmem>>, vector<1x16xf32>,
      %get3A_346 = vector.shape_cast %get3A_345 : vector<1x16xf32> to vector<16xf32>
      %get3A_347 = arith.index_cast %add3A_316 : i32 to index
      %get3A_348 = arith.constant 16 : index
      %get3A_349 = tpu.vector_load %arg9[%get3A_347, %get3A_348] {strides = array<i32>} : memref<200x64xf32, #tpu.memory_space<vmem>>, vector<1x16xf32>,
      %get3A_350 = vector.shape_cast %get3A_349 : vector<1x16xf32> to vector<16xf32>
      %get3A_351 = arith.index_cast %add3A_316 : i32 to index
      %get3A_352 = arith.constant 32 : index
      %get3A_353 = tpu.vector_load %arg9[%get3A_351, %get3A_352] {strides = array<i32>} : memref<200x64xf32, #tpu.memory_space<vmem>>, vector<1x16xf32>,
      %get3A_354 = vector.shape_cast %get3A_353 : vector<1x16xf32> to vector<16xf32>
      %get3A_355 = arith.index_cast %add3A_316 : i32 to index
      %get3A_356 = arith.constant 48 : index
      %get3A_357 = tpu.vector_load %arg9[%get3A_355, %get3A_356] {strides = array<i32>} : memref<200x64xf32, #tpu.memory_space<vmem>>, vector<1x16xf32>,
      %get3A_358 = vector.shape_cast %get3A_357 : vector<1x16xf32> to vector<16xf32>
      %parallel_loop3A_359 = arith.constant 0 : i32
      %parallel_loop3A_360 = arith.constant 128 : i32
      %parallel_loop3A_361 = arith.constant 1 : i32
      scf.for %parallel_loop3A_505 = %parallel_loop3A_359 to %parallel_loop3A_360 step %parallel_loop3A_361  : i32 {
        %parallel_loop3A_506 = arith.constant 1 : i32
        %parallel_loop3A_507 = arith.index_cast %parallel_loop3A_506 : i32 to index
        %parallel_loop3A_508 = arith.index_cast %parallel_loop3A_505 : i32 to index
        %parallel_loop3A_509 = arith.constant 0 : index
        %parallel_loop3A_510 = tpu.vector_load %arg8[%parallel_loop3A_507, %parallel_loop3A_508, %parallel_loop3A_509] {strides = array<i32>} : memref<4x128x64xf32, #tpu.memory_space<vmem>>, vector<1x1x16xf32>,
        %parallel_loop3A_511 = vector.shape_cast %parallel_loop3A_510 : vector<1x1x16xf32> to vector<16xf32>
        %parallel_loop3A_512 = vector.shape_cast %get3A_346 : vector<16xf32> to vector<1x1x16xf32>
        tpu.vector_store %arg8[%parallel_loop3A_507, %parallel_loop3A_508, %parallel_loop3A_509], %parallel_loop3A_512 {add = true, strides = array<i32>} : memref<4x128x64xf32, #tpu.memory_space<vmem>>, vector<1x1x16xf32>,
        %parallel_loop3A_513 = arith.constant 1 : i32
        %parallel_loop3A_514 = arith.index_cast %parallel_loop3A_513 : i32 to index
        %parallel_loop3A_515 = arith.index_cast %parallel_loop3A_505 : i32 to index
        %parallel_loop3A_516 = arith.constant 16 : index
        %parallel_loop3A_517 = tpu.vector_load %arg8[%parallel_loop3A_514, %parallel_loop3A_515, %parallel_loop3A_516] {strides = array<i32>} : memref<4x128x64xf32, #tpu.memory_space<vmem>>, vector<1x1x16xf32>,
        %parallel_loop3A_518 = vector.shape_cast %parallel_loop3A_517 : vector<1x1x16xf32> to vector<16xf32>
        %parallel_loop3A_519 = vector.shape_cast %get3A_350 : vector<16xf32> to vector<1x1x16xf32>
        tpu.vector_store %arg8[%parallel_loop3A_514, %parallel_loop3A_515, %parallel_loop3A_516], %parallel_loop3A_519 {add = true, strides = array<i32>} : memref<4x128x64xf32, #tpu.memory_space<vmem>>, vector<1x1x16xf32>,
        %parallel_loop3A_520 = arith.constant 1 : i32
        %parallel_loop3A_521 = arith.index_cast %parallel_loop3A_520 : i32 to index
        %parallel_loop3A_522 = arith.index_cast %parallel_loop3A_505 : i32 to index
        %parallel_loop3A_523 = arith.constant 32 : index
        %parallel_loop3A_524 = tpu.vector_load %arg8[%parallel_loop3A_521, %parallel_loop3A_522, %parallel_loop3A_523] {strides = array<i32>} : memref<4x128x64xf32, #tpu.memory_space<vmem>>, vector<1x1x16xf32>,
        %parallel_loop3A_525 = vector.shape_cast %parallel_loop3A_524 : vector<1x1x16xf32> to vector<16xf32>
        %parallel_loop3A_526 = vector.shape_cast %get3A_354 : vector<16xf32> to vector<1x1x16xf32>
        tpu.vector_store %arg8[%parallel_loop3A_521, %parallel_loop3A_522, %parallel_loop3A_523], %parallel_loop3A_526 {add = true, strides = array<i32>} : memref<4x128x64xf32, #tpu.memory_space<vmem>>, vector<1x1x16xf32>,
        %parallel_loop3A_527 = arith.constant 1 : i32
        %parallel_loop3A_528 = arith.index_cast %parallel_loop3A_527 : i32 to index
        %parallel_loop3A_529 = arith.index_cast %parallel_loop3A_505 : i32 to index
        %parallel_loop3A_530 = arith.constant 48 : index
        %parallel_loop3A_531 = tpu.vector_load %arg8[%parallel_loop3A_528, %parallel_loop3A_529, %parallel_loop3A_530] {strides = array<i32>} : memref<4x128x64xf32, #tpu.memory_space<vmem>>, vector<1x1x16xf32>,
        %parallel_loop3A_532 = vector.shape_cast %parallel_loop3A_531 : vector<1x1x16xf32> to vector<16xf32>
        %parallel_loop3A_533 = vector.shape_cast %get3A_358 : vector<16xf32> to vector<1x1x16xf32>
        tpu.vector_store %arg8[%parallel_loop3A_528, %parallel_loop3A_529, %parallel_loop3A_530], %parallel_loop3A_533 {add = true, strides = array<i32>} : memref<4x128x64xf32, #tpu.memory_space<vmem>>, vector<1x1x16xf32>,
      } {sc.loop_unroll_factor = 8 : i64, sc.parallel_access}
      %dma_start3A_362 = arith.constant 1 : i32
      %dma_start3A_363 = arith.constant 0 : i32
      %dma_start3A_364 = arith.constant 0 : i32
      %dma_start3A_365 = tpu.memref_slice %arg8[%dma_start3A_362, %dma_start3A_363, %dma_start3A_364] : memref<4x128x64xf32, #tpu.memory_space<vmem>> -> memref<1x128x64xf32, #tpu.memory_space<vmem>>
      %dma_start3A_366 = tpu.memref_squeeze %dma_start3A_365 : memref<1x128x64xf32, #tpu.memory_space<vmem>> -> memref<128x64xf32, #tpu.memory_space<vmem>>
      %dma_start3A_367 = arith.constant 0 : i32
      %dma_start3A_368 = tpu.memref_slice %arg5[%mul3A_2, %add3A_316, %dma_start3A_367] : memref<4096x200x128xf32, #tpu.memory_space<hbm>> -> memref<128x1x64xf32, #tpu.memory_space<hbm>>
      %dma_start3A_369 = tpu.memref_squeeze %dma_start3A_368 : memref<128x1x64xf32, #tpu.memory_space<hbm>> -> memref<128x64xf32, #tpu.memory_space<hbm>>
      %dma_start3A_370 = arith.constant 0 : i32
      %dma_start3A_371 = tpu.memref_slice %arg5[%mul3A_2, %add3A_316, %dma_start3A_370] : memref<4096x200x128xf32, #tpu.memory_space<hbm>> -> memref<128x1x64xf32, #tpu.memory_space<hbm>>
      %dma_start3A_372 = tpu.memref_squeeze %dma_start3A_371 : memref<128x1x64xf32, #tpu.memory_space<hbm>> -> memref<128x64xf32, #tpu.memory_space<hbm>>
      %dma_start3A_373 = arith.constant 0 : i32
      %dma_start3A_374 = arith.constant 0 : i32
      %dma_start3A_375 = tpu.memref_slice %arg8[%dma_start3A_362, %dma_start3A_373, %dma_start3A_374] : memref<4x128x64xf32, #tpu.memory_space<vmem>> -> memref<1x128x64xf32, #tpu.memory_space<vmem>>
      %dma_start3A_376 = tpu.memref_squeeze %dma_start3A_375 : memref<1x128x64xf32, #tpu.memory_space<vmem>> -> memref<128x64xf32, #tpu.memory_space<vmem>>
      tpu.enqueue_dma source(%dma_start3A_376 : memref<128x64xf32, #tpu.memory_space<vmem>>) target(%dma_start3A_372 : memref<128x64xf32, #tpu.memory_space<hbm>>) target_semaphore(%arg19 : memref<!tpu.dma_semaphore, #tpu.memory_space<semaphore_mem>>)
      %mul3A_377 = arith.constant 4 : i32
      %mul3A_378 = arith.muli %scan3A_252, %mul3A_377 : i32
      %add3A_379 = arith.constant 2 : i32
      %add3A_380 = arith.addi %mul3A_378, %add3A_379 : i32
      %dma_wait3A_381 = arith.constant 2 : i32
      %dma_wait3A_382 = arith.constant 2 : i32
      %dma_wait3A_383 = arith.constant 0 : i32
      %dma_wait3A_384 = arith.constant 0 : i32
      %dma_wait3A_385 = tpu.memref_slice %arg8[%dma_wait3A_382, %dma_wait3A_383, %dma_wait3A_384] : memref<4x128x64xf32, #tpu.memory_space<vmem>> -> memref<1x128x64xf32, #tpu.memory_space<vmem>>
      %dma_wait3A_386 = tpu.memref_squeeze %dma_wait3A_385 : memref<1x128x64xf32, #tpu.memory_space<vmem>> -> memref<128x64xf32, #tpu.memory_space<vmem>>
      %dma_wait3A_387 = arith.constant 0 : i32
      %dma_wait3A_388 = tpu.memref_slice %arg7[%dma_wait3A_381, %dma_wait3A_387] : memref<4x128xi32, #tpu.memory_space<vmem>> -> memref<1x128xi32, #tpu.memory_space<vmem>>
      %dma_wait3A_389 = tpu.memref_squeeze %dma_wait3A_388 : memref<1x128xi32, #tpu.memory_space<vmem>> -> memref<128xi32, #tpu.memory_space<vmem>>
      %dma_wait3A_390 = arith.constant 0 : i32
      %dma_wait3A_391 = arith.constant 0 : i32
      %dma_wait3A_392 = tpu.memref_slice %arg3[%dma_wait3A_390, %dma_wait3A_391] : memref<2000000x64xf32, #tpu.memory_space<hbm>> -> memref<2000000x64xf32, #tpu.memory_space<hbm>>
      tpu.wait_indirect_dma semaphore(%arg16 : memref<!tpu.dma_semaphore, #tpu.memory_space<semaphore_mem>>) src(%dma_wait3A_392 : memref<2000000x64xf32, #tpu.memory_space<hbm>>) dst(%dma_wait3A_386 : memref<128x64xf32, #tpu.memory_space<vmem>>)
      %add3A_393 = arith.constant 4 : i32
      %add3A_394 = arith.addi %add3A_380, %add3A_393 : i32
      %lt3A_395 = arith.constant 200 : i32
      %lt3A_396 = arith.cmpi slt, %add3A_394, %lt3A_395 : i32
      %convert_element_type3A_397 = arith.extui %lt3A_396 : i1 to i32
      %cond3A_398 = arith.constant 0 : i32
      %cond3A_399 = arith.cmpi ne, %convert_element_type3A_397, %cond3A_398 : i32
      scf.if %cond3A_399 {
        %add3A_505 = arith.constant 4 : i32
        %add3A_506 = arith.addi %add3A_380, %add3A_505 : i32
        %dma_start3A_507 = arith.constant 2 : i32
        %dma_start3A_508 = arith.constant 0 : i32
        %dma_start3A_509 = tpu.memref_slice %arg6[%dma_start3A_507, %dma_start3A_508] : memref<4x128xi32, #tpu.memory_space<vmem>> -> memref<1x128xi32, #tpu.memory_space<vmem>>
        %dma_start3A_510 = tpu.memref_squeeze %dma_start3A_509 : memref<1x128xi32, #tpu.memory_space<vmem>> -> memref<128xi32, #tpu.memory_space<vmem>>
        %dma_start3A_511 = tpu.memref_slice %arg2[%add3A_506, %mul3A_2] : memref<200x4096xi32, #tpu.memory_space<hbm>> -> memref<1x128xi32, #tpu.memory_space<hbm>>
        %dma_start3A_512 = tpu.memref_squeeze %dma_start3A_511 : memref<1x128xi32, #tpu.memory_space<hbm>> -> memref<128xi32, #tpu.memory_space<hbm>>
        %dma_start3A_513 = arith.constant 0 : i32
        %dma_start3A_514 = tpu.memref_slice %arg6[%dma_start3A_507, %dma_start3A_513] : memref<4x128xi32, #tpu.memory_space<vmem>> -> memref<1x128xi32, #tpu.memory_space<vmem>>
        %dma_start3A_515 = tpu.memref_squeeze %dma_start3A_514 : memref<1x128xi32, #tpu.memory_space<vmem>> -> memref<128xi32, #tpu.memory_space<vmem>>
        %dma_start3A_516 = tpu.memref_slice %arg2[%add3A_506, %mul3A_2] : memref<200x4096xi32, #tpu.memory_space<hbm>> -> memref<1x128xi32, #tpu.memory_space<hbm>>
        %dma_start3A_517 = tpu.memref_squeeze %dma_start3A_516 : memref<1x128xi32, #tpu.memory_space<hbm>> -> memref<128xi32, #tpu.memory_space<hbm>>
        tpu.enqueue_dma source(%dma_start3A_517 : memref<128xi32, #tpu.memory_space<hbm>>) target(%dma_start3A_515 : memref<128xi32, #tpu.memory_space<vmem>>) target_semaphore(%arg12 : memref<!tpu.dma_semaphore, #tpu.memory_space<semaphore_mem>>)
      } else {
      }
      %add3A_400 = arith.constant 1 : i32
      %add3A_401 = arith.addi %add3A_380, %add3A_400 : i32
      %lt3A_402 = arith.constant 200 : i32
      %lt3A_403 = arith.cmpi slt, %add3A_401, %lt3A_402 : i32
      %convert_element_type3A_404 = arith.extui %lt3A_403 : i1 to i32
      %cond3A_405 = arith.constant 0 : i32
      %cond3A_406 = arith.cmpi ne, %convert_element_type3A_404, %cond3A_405 : i32
      scf.if %cond3A_406 {
        %add3A_505 = arith.constant 1 : i32
        %add3A_506 = arith.addi %add3A_380, %add3A_505 : i32
        %dma_wait3A_507 = arith.constant 3 : i32
        %dma_wait3A_508 = arith.constant 0 : i32
        %dma_wait3A_509 = tpu.memref_slice %arg6[%dma_wait3A_507, %dma_wait3A_508] : memref<4x128xi32, #tpu.memory_space<vmem>> -> memref<1x128xi32, #tpu.memory_space<vmem>>
        %dma_wait3A_510 = tpu.memref_squeeze %dma_wait3A_509 : memref<1x128xi32, #tpu.memory_space<vmem>> -> memref<128xi32, #tpu.memory_space<vmem>>
        %dma_wait3A_511 = tpu.memref_slice %arg2[%add3A_506, %mul3A_2] : memref<200x4096xi32, #tpu.memory_space<hbm>> -> memref<1x128xi32, #tpu.memory_space<hbm>>
        %dma_wait3A_512 = tpu.memref_squeeze %dma_wait3A_511 : memref<1x128xi32, #tpu.memory_space<hbm>> -> memref<128xi32, #tpu.memory_space<hbm>>
        %dma_wait3A_513 = arith.constant 0 : i32
        %dma_wait3A_514 = tpu.memref_slice %arg6[%dma_wait3A_507, %dma_wait3A_513] : memref<4x128xi32, #tpu.memory_space<vmem>> -> memref<1x128xi32, #tpu.memory_space<vmem>>
        %dma_wait3A_515 = tpu.memref_squeeze %dma_wait3A_514 : memref<1x128xi32, #tpu.memory_space<vmem>> -> memref<128xi32, #tpu.memory_space<vmem>>
        %dma_wait3A_516 = tpu.memref_slice %arg2[%add3A_506, %mul3A_2] : memref<200x4096xi32, #tpu.memory_space<hbm>> -> memref<1x128xi32, #tpu.memory_space<hbm>>
        %dma_wait3A_517 = tpu.memref_squeeze %dma_wait3A_516 : memref<1x128xi32, #tpu.memory_space<hbm>> -> memref<128xi32, #tpu.memory_space<hbm>>
        tpu.wait_dma2 semaphore(%arg13 : memref<!tpu.dma_semaphore, #tpu.memory_space<semaphore_mem>>) src(%dma_wait3A_517 : memref<128xi32, #tpu.memory_space<hbm>>) dst(%dma_wait3A_515 : memref<128xi32, #tpu.memory_space<vmem>>)
        %get3A_518 = arith.constant 3 : i32
        %get3A_519 = arith.index_cast %get3A_518 : i32 to index
        %get3A_520 = arith.constant 0 : index
        %get3A_521 = tpu.vector_load %arg6[%get3A_519, %get3A_520] {strides = array<i32>} : memref<4x128xi32, #tpu.memory_space<vmem>>, vector<1x16xi32>,
        %get3A_522 = vector.shape_cast %get3A_521 : vector<1x16xi32> to vector<16xi32>
        %mul3A_523 = arith.constant 2 : i32
        %mul3A_524 = vector.broadcast %mul3A_523 : i32 to vector<16xi32>
        %mul3A_525 = arith.muli %get3A_522, %mul3A_524 : vector<16xi32>
        %swap3A_526 = arith.constant 3 : i32
        %swap3A_527 = arith.index_cast %swap3A_526 : i32 to index
        %swap3A_528 = arith.constant 0 : index
        %swap3A_529 = tpu.vector_load %arg7[%swap3A_527, %swap3A_528] {strides = array<i32>} : memref<4x128xi32, #tpu.memory_space<vmem>>, vector<1x16xi32>,
        %swap3A_530 = vector.shape_cast %swap3A_529 : vector<1x16xi32> to vector<16xi32>
        %swap3A_531 = vector.shape_cast %mul3A_525 : vector<16xi32> to vector<1x16xi32>
        tpu.vector_store %arg7[%swap3A_527, %swap3A_528], %swap3A_531 {strides = array<i32>} : memref<4x128xi32, #tpu.memory_space<vmem>>, vector<1x16xi32>,
        %get3A_532 = arith.constant 3 : i32
        %get3A_533 = arith.index_cast %get3A_532 : i32 to index
        %get3A_534 = arith.constant 16 : index
        %get3A_535 = tpu.vector_load %arg6[%get3A_533, %get3A_534] {strides = array<i32>} : memref<4x128xi32, #tpu.memory_space<vmem>>, vector<1x16xi32>,
        %get3A_536 = vector.shape_cast %get3A_535 : vector<1x16xi32> to vector<16xi32>
        %mul3A_537 = arith.constant 2 : i32
        %mul3A_538 = vector.broadcast %mul3A_537 : i32 to vector<16xi32>
        %mul3A_539 = arith.muli %get3A_536, %mul3A_538 : vector<16xi32>
        %swap3A_540 = arith.constant 3 : i32
        %swap3A_541 = arith.index_cast %swap3A_540 : i32 to index
        %swap3A_542 = arith.constant 16 : index
        %swap3A_543 = tpu.vector_load %arg7[%swap3A_541, %swap3A_542] {strides = array<i32>} : memref<4x128xi32, #tpu.memory_space<vmem>>, vector<1x16xi32>,
        %swap3A_544 = vector.shape_cast %swap3A_543 : vector<1x16xi32> to vector<16xi32>
        %swap3A_545 = vector.shape_cast %mul3A_539 : vector<16xi32> to vector<1x16xi32>
        tpu.vector_store %arg7[%swap3A_541, %swap3A_542], %swap3A_545 {strides = array<i32>} : memref<4x128xi32, #tpu.memory_space<vmem>>, vector<1x16xi32>,
        %get3A_546 = arith.constant 3 : i32
        %get3A_547 = arith.index_cast %get3A_546 : i32 to index
        %get3A_548 = arith.constant 32 : index
        %get3A_549 = tpu.vector_load %arg6[%get3A_547, %get3A_548] {strides = array<i32>} : memref<4x128xi32, #tpu.memory_space<vmem>>, vector<1x16xi32>,
        %get3A_550 = vector.shape_cast %get3A_549 : vector<1x16xi32> to vector<16xi32>
        %mul3A_551 = arith.constant 2 : i32
        %mul3A_552 = vector.broadcast %mul3A_551 : i32 to vector<16xi32>
        %mul3A_553 = arith.muli %get3A_550, %mul3A_552 : vector<16xi32>
        %swap3A_554 = arith.constant 3 : i32
        %swap3A_555 = arith.index_cast %swap3A_554 : i32 to index
        %swap3A_556 = arith.constant 32 : index
        %swap3A_557 = tpu.vector_load %arg7[%swap3A_555, %swap3A_556] {strides = array<i32>} : memref<4x128xi32, #tpu.memory_space<vmem>>, vector<1x16xi32>,
        %swap3A_558 = vector.shape_cast %swap3A_557 : vector<1x16xi32> to vector<16xi32>
        %swap3A_559 = vector.shape_cast %mul3A_553 : vector<16xi32> to vector<1x16xi32>
        tpu.vector_store %arg7[%swap3A_555, %swap3A_556], %swap3A_559 {strides = array<i32>} : memref<4x128xi32, #tpu.memory_space<vmem>>, vector<1x16xi32>,
        %get3A_560 = arith.constant 3 : i32
        %get3A_561 = arith.index_cast %get3A_560 : i32 to index
        %get3A_562 = arith.constant 48 : index
        %get3A_563 = tpu.vector_load %arg6[%get3A_561, %get3A_562] {strides = array<i32>} : memref<4x128xi32, #tpu.memory_space<vmem>>, vector<1x16xi32>,
        %get3A_564 = vector.shape_cast %get3A_563 : vector<1x16xi32> to vector<16xi32>
        %mul3A_565 = arith.constant 2 : i32
        %mul3A_566 = vector.broadcast %mul3A_565 : i32 to vector<16xi32>
        %mul3A_567 = arith.muli %get3A_564, %mul3A_566 : vector<16xi32>
        %swap3A_568 = arith.constant 3 : i32
        %swap3A_569 = arith.index_cast %swap3A_568 : i32 to index
        %swap3A_570 = arith.constant 48 : index
        %swap3A_571 = tpu.vector_load %arg7[%swap3A_569, %swap3A_570] {strides = array<i32>} : memref<4x128xi32, #tpu.memory_space<vmem>>, vector<1x16xi32>,
        %swap3A_572 = vector.shape_cast %swap3A_571 : vector<1x16xi32> to vector<16xi32>
        %swap3A_573 = vector.shape_cast %mul3A_567 : vector<16xi32> to vector<1x16xi32>
        tpu.vector_store %arg7[%swap3A_569, %swap3A_570], %swap3A_573 {strides = array<i32>} : memref<4x128xi32, #tpu.memory_space<vmem>>, vector<1x16xi32>,
        %get3A_574 = arith.constant 3 : i32
        %get3A_575 = arith.index_cast %get3A_574 : i32 to index
        %get3A_576 = arith.constant 64 : index
        %get3A_577 = tpu.vector_load %arg6[%get3A_575, %get3A_576] {strides = array<i32>} : memref<4x128xi32, #tpu.memory_space<vmem>>, vector<1x16xi32>,
        %get3A_578 = vector.shape_cast %get3A_577 : vector<1x16xi32> to vector<16xi32>
        %mul3A_579 = arith.constant 2 : i32
        %mul3A_580 = vector.broadcast %mul3A_579 : i32 to vector<16xi32>
        %mul3A_581 = arith.muli %get3A_578, %mul3A_580 : vector<16xi32>
        %swap3A_582 = arith.constant 3 : i32
        %swap3A_583 = arith.index_cast %swap3A_582 : i32 to index
        %swap3A_584 = arith.constant 64 : index
        %swap3A_585 = tpu.vector_load %arg7[%swap3A_583, %swap3A_584] {strides = array<i32>} : memref<4x128xi32, #tpu.memory_space<vmem>>, vector<1x16xi32>,
        %swap3A_586 = vector.shape_cast %swap3A_585 : vector<1x16xi32> to vector<16xi32>
        %swap3A_587 = vector.shape_cast %mul3A_581 : vector<16xi32> to vector<1x16xi32>
        tpu.vector_store %arg7[%swap3A_583, %swap3A_584], %swap3A_587 {strides = array<i32>} : memref<4x128xi32, #tpu.memory_space<vmem>>, vector<1x16xi32>,
        %get3A_588 = arith.constant 3 : i32
        %get3A_589 = arith.index_cast %get3A_588 : i32 to index
        %get3A_590 = arith.constant 80 : index
        %get3A_591 = tpu.vector_load %arg6[%get3A_589, %get3A_590] {strides = array<i32>} : memref<4x128xi32, #tpu.memory_space<vmem>>, vector<1x16xi32>,
        %get3A_592 = vector.shape_cast %get3A_591 : vector<1x16xi32> to vector<16xi32>
        %mul3A_593 = arith.constant 2 : i32
        %mul3A_594 = vector.broadcast %mul3A_593 : i32 to vector<16xi32>
        %mul3A_595 = arith.muli %get3A_592, %mul3A_594 : vector<16xi32>
        %swap3A_596 = arith.constant 3 : i32
        %swap3A_597 = arith.index_cast %swap3A_596 : i32 to index
        %swap3A_598 = arith.constant 80 : index
        %swap3A_599 = tpu.vector_load %arg7[%swap3A_597, %swap3A_598] {strides = array<i32>} : memref<4x128xi32, #tpu.memory_space<vmem>>, vector<1x16xi32>,
        %swap3A_600 = vector.shape_cast %swap3A_599 : vector<1x16xi32> to vector<16xi32>
        %swap3A_601 = vector.shape_cast %mul3A_595 : vector<16xi32> to vector<1x16xi32>
        tpu.vector_store %arg7[%swap3A_597, %swap3A_598], %swap3A_601 {strides = array<i32>} : memref<4x128xi32, #tpu.memory_space<vmem>>, vector<1x16xi32>,
        %get3A_602 = arith.constant 3 : i32
        %get3A_603 = arith.index_cast %get3A_602 : i32 to index
        %get3A_604 = arith.constant 96 : index
        %get3A_605 = tpu.vector_load %arg6[%get3A_603, %get3A_604] {strides = array<i32>} : memref<4x128xi32, #tpu.memory_space<vmem>>, vector<1x16xi32>,
        %get3A_606 = vector.shape_cast %get3A_605 : vector<1x16xi32> to vector<16xi32>
        %mul3A_607 = arith.constant 2 : i32
        %mul3A_608 = vector.broadcast %mul3A_607 : i32 to vector<16xi32>
        %mul3A_609 = arith.muli %get3A_606, %mul3A_608 : vector<16xi32>
        %swap3A_610 = arith.constant 3 : i32
        %swap3A_611 = arith.index_cast %swap3A_610 : i32 to index
        %swap3A_612 = arith.constant 96 : index
        %swap3A_613 = tpu.vector_load %arg7[%swap3A_611, %swap3A_612] {strides = array<i32>} : memref<4x128xi32, #tpu.memory_space<vmem>>, vector<1x16xi32>,
        %swap3A_614 = vector.shape_cast %swap3A_613 : vector<1x16xi32> to vector<16xi32>
        %swap3A_615 = vector.shape_cast %mul3A_609 : vector<16xi32> to vector<1x16xi32>
        tpu.vector_store %arg7[%swap3A_611, %swap3A_612], %swap3A_615 {strides = array<i32>} : memref<4x128xi32, #tpu.memory_space<vmem>>, vector<1x16xi32>,
        %get3A_616 = arith.constant 3 : i32
        %get3A_617 = arith.index_cast %get3A_616 : i32 to index
        %get3A_618 = arith.constant 112 : index
        %get3A_619 = tpu.vector_load %arg6[%get3A_617, %get3A_618] {strides = array<i32>} : memref<4x128xi32, #tpu.memory_space<vmem>>, vector<1x16xi32>,
        %get3A_620 = vector.shape_cast %get3A_619 : vector<1x16xi32> to vector<16xi32>
        %mul3A_621 = arith.constant 2 : i32
        %mul3A_622 = vector.broadcast %mul3A_621 : i32 to vector<16xi32>
        %mul3A_623 = arith.muli %get3A_620, %mul3A_622 : vector<16xi32>
        %swap3A_624 = arith.constant 3 : i32
        %swap3A_625 = arith.index_cast %swap3A_624 : i32 to index
        %swap3A_626 = arith.constant 112 : index
        %swap3A_627 = tpu.vector_load %arg7[%swap3A_625, %swap3A_626] {strides = array<i32>} : memref<4x128xi32, #tpu.memory_space<vmem>>, vector<1x16xi32>,
        %swap3A_628 = vector.shape_cast %swap3A_627 : vector<1x16xi32> to vector<16xi32>
        %swap3A_629 = vector.shape_cast %mul3A_623 : vector<16xi32> to vector<1x16xi32>
        tpu.vector_store %arg7[%swap3A_625, %swap3A_626], %swap3A_629 {strides = array<i32>} : memref<4x128xi32, #tpu.memory_space<vmem>>, vector<1x16xi32>,
        %sub3A = arith.constant 3 : i32
        %sub3A_630 = arith.subi %add3A_380, %sub3A : i32
        %ge3A = arith.constant 0 : i32
        %ge3A_631 = arith.cmpi sge, %sub3A_630, %ge3A : i32
        %convert_element_type3A_632 = arith.extui %ge3A_631 : i1 to i32
        %cond3A_633 = arith.constant 0 : i32
        %cond3A_634 = arith.cmpi ne, %convert_element_type3A_632, %cond3A_633 : i32
        scf.if %cond3A_634 {
          %sub3A_647 = arith.constant 3 : i32
          %sub3A_648 = arith.subi %add3A_380, %sub3A_647 : i32
          %dma_wait3A_649 = arith.constant 3 : i32
          %dma_wait3A_650 = arith.constant 0 : i32
          %dma_wait3A_651 = arith.constant 0 : i32
          %dma_wait3A_652 = tpu.memref_slice %arg8[%dma_wait3A_649, %dma_wait3A_650, %dma_wait3A_651] : memref<4x128x64xf32, #tpu.memory_space<vmem>> -> memref<1x128x64xf32, #tpu.memory_space<vmem>>
          %dma_wait3A_653 = tpu.memref_squeeze %dma_wait3A_652 : memref<1x128x64xf32, #tpu.memory_space<vmem>> -> memref<128x64xf32, #tpu.memory_space<vmem>>
          %dma_wait3A_654 = arith.constant 0 : i32
          %dma_wait3A_655 = tpu.memref_slice %arg5[%mul3A_2, %sub3A_648, %dma_wait3A_654] : memref<4096x200x128xf32, #tpu.memory_space<hbm>> -> memref<128x1x64xf32, #tpu.memory_space<hbm>>
          %dma_wait3A_656 = tpu.memref_squeeze %dma_wait3A_655 : memref<128x1x64xf32, #tpu.memory_space<hbm>> -> memref<128x64xf32, #tpu.memory_space<hbm>>
          %dma_wait3A_657 = arith.constant 0 : i32
          %dma_wait3A_658 = tpu.memref_slice %arg5[%mul3A_2, %sub3A_648, %dma_wait3A_657] : memref<4096x200x128xf32, #tpu.memory_space<hbm>> -> memref<128x1x64xf32, #tpu.memory_space<hbm>>
          %dma_wait3A_659 = tpu.memref_squeeze %dma_wait3A_658 : memref<128x1x64xf32, #tpu.memory_space<hbm>> -> memref<128x64xf32, #tpu.memory_space<hbm>>
          %dma_wait3A_660 = arith.constant 0 : i32
          %dma_wait3A_661 = arith.constant 0 : i32
          %dma_wait3A_662 = tpu.memref_slice %arg8[%dma_wait3A_649, %dma_wait3A_660, %dma_wait3A_661] : memref<4x128x64xf32, #tpu.memory_space<vmem>> -> memref<1x128x64xf32, #tpu.memory_space<vmem>>
          %dma_wait3A_663 = tpu.memref_squeeze %dma_wait3A_662 : memref<1x128x64xf32, #tpu.memory_space<vmem>> -> memref<128x64xf32, #tpu.memory_space<vmem>>
          tpu.wait_dma2 semaphore(%arg21 : memref<!tpu.dma_semaphore, #tpu.memory_space<semaphore_mem>>) src(%dma_wait3A_663 : memref<128x64xf32, #tpu.memory_space<vmem>>) dst(%dma_wait3A_659 : memref<128x64xf32, #tpu.memory_space<hbm>>)
        } else {
        }
        %dma_start3A_635 = arith.constant 3 : i32
        %dma_start3A_636 = arith.constant 3 : i32
        %dma_start3A_637 = arith.constant 0 : i32
        %dma_start3A_638 = arith.constant 0 : i32
        %dma_start3A_639 = tpu.memref_slice %arg8[%dma_start3A_636, %dma_start3A_637, %dma_start3A_638] : memref<4x128x64xf32, #tpu.memory_space<vmem>> -> memref<1x128x64xf32, #tpu.memory_space<vmem>>
        %dma_start3A_640 = tpu.memref_squeeze %dma_start3A_639 : memref<1x128x64xf32, #tpu.memory_space<vmem>> -> memref<128x64xf32, #tpu.memory_space<vmem>>
        %dma_start3A_641 = arith.constant 0 : i32
        %dma_start3A_642 = tpu.memref_slice %arg7[%dma_start3A_635, %dma_start3A_641] : memref<4x128xi32, #tpu.memory_space<vmem>> -> memref<1x128xi32, #tpu.memory_space<vmem>>
        %dma_start3A_643 = tpu.memref_squeeze %dma_start3A_642 : memref<1x128xi32, #tpu.memory_space<vmem>> -> memref<128xi32, #tpu.memory_space<vmem>>
        %dma_start3A_644 = arith.constant 0 : i32
        %dma_start3A_645 = arith.constant 0 : i32
        %dma_start3A_646 = tpu.memref_slice %arg3[%dma_start3A_644, %dma_start3A_645] : memref<2000000x64xf32, #tpu.memory_space<hbm>> -> memref<2000000x64xf32, #tpu.memory_space<hbm>>
        tpu.enqueue_indirect_dma source(%dma_start3A_646 : memref<2000000x64xf32, #tpu.memory_space<hbm>>) target(%dma_start3A_640 : memref<128x64xf32, #tpu.memory_space<vmem>>) offsets(%dma_start3A_643 : memref<128xi32, #tpu.memory_space<vmem>>) semaphore(%arg17 : memref<!tpu.dma_semaphore, #tpu.memory_space<semaphore_mem>>)
      } else {
      }
      %get3A_407 = arith.index_cast %add3A_380 : i32 to index
      %get3A_408 = arith.constant 0 : index
      %get3A_409 = tpu.vector_load %arg9[%get3A_407, %get3A_408] {strides = array<i32>} : memref<200x64xf32, #tpu.memory_space<vmem>>, vector<1x16xf32>,
      %get3A_410 = vector.shape_cast %get3A_409 : vector<1x16xf32> to vector<16xf32>
      %get3A_411 = arith.index_cast %add3A_380 : i32 to index
      %get3A_412 = arith.constant 16 : index
      %get3A_413 = tpu.vector_load %arg9[%get3A_411, %get3A_412] {strides = array<i32>} : memref<200x64xf32, #tpu.memory_space<vmem>>, vector<1x16xf32>,
      %get3A_414 = vector.shape_cast %get3A_413 : vector<1x16xf32> to vector<16xf32>
      %get3A_415 = arith.index_cast %add3A_380 : i32 to index
      %get3A_416 = arith.constant 32 : index
      %get3A_417 = tpu.vector_load %arg9[%get3A_415, %get3A_416] {strides = array<i32>} : memref<200x64xf32, #tpu.memory_space<vmem>>, vector<1x16xf32>,
      %get3A_418 = vector.shape_cast %get3A_417 : vector<1x16xf32> to vector<16xf32>
      %get3A_419 = arith.index_cast %add3A_380 : i32 to index
      %get3A_420 = arith.constant 48 : index
      %get3A_421 = tpu.vector_load %arg9[%get3A_419, %get3A_420] {strides = array<i32>} : memref<200x64xf32, #tpu.memory_space<vmem>>, vector<1x16xf32>,
      %get3A_422 = vector.shape_cast %get3A_421 : vector<1x16xf32> to vector<16xf32>
      %parallel_loop3A_423 = arith.constant 0 : i32
      %parallel_loop3A_424 = arith.constant 128 : i32
      %parallel_loop3A_425 = arith.constant 1 : i32
      scf.for %parallel_loop3A_505 = %parallel_loop3A_423 to %parallel_loop3A_424 step %parallel_loop3A_425  : i32 {
        %parallel_loop3A_506 = arith.constant 2 : i32
        %parallel_loop3A_507 = arith.index_cast %parallel_loop3A_506 : i32 to index
        %parallel_loop3A_508 = arith.index_cast %parallel_loop3A_505 : i32 to index
        %parallel_loop3A_509 = arith.constant 0 : index
        %parallel_loop3A_510 = tpu.vector_load %arg8[%parallel_loop3A_507, %parallel_loop3A_508, %parallel_loop3A_509] {strides = array<i32>} : memref<4x128x64xf32, #tpu.memory_space<vmem>>, vector<1x1x16xf32>,
        %parallel_loop3A_511 = vector.shape_cast %parallel_loop3A_510 : vector<1x1x16xf32> to vector<16xf32>
        %parallel_loop3A_512 = vector.shape_cast %get3A_410 : vector<16xf32> to vector<1x1x16xf32>
        tpu.vector_store %arg8[%parallel_loop3A_507, %parallel_loop3A_508, %parallel_loop3A_509], %parallel_loop3A_512 {add = true, strides = array<i32>} : memref<4x128x64xf32, #tpu.memory_space<vmem>>, vector<1x1x16xf32>,
        %parallel_loop3A_513 = arith.constant 2 : i32
        %parallel_loop3A_514 = arith.index_cast %parallel_loop3A_513 : i32 to index
        %parallel_loop3A_515 = arith.index_cast %parallel_loop3A_505 : i32 to index
        %parallel_loop3A_516 = arith.constant 16 : index
        %parallel_loop3A_517 = tpu.vector_load %arg8[%parallel_loop3A_514, %parallel_loop3A_515, %parallel_loop3A_516] {strides = array<i32>} : memref<4x128x64xf32, #tpu.memory_space<vmem>>, vector<1x1x16xf32>,
        %parallel_loop3A_518 = vector.shape_cast %parallel_loop3A_517 : vector<1x1x16xf32> to vector<16xf32>
        %parallel_loop3A_519 = vector.shape_cast %get3A_414 : vector<16xf32> to vector<1x1x16xf32>
        tpu.vector_store %arg8[%parallel_loop3A_514, %parallel_loop3A_515, %parallel_loop3A_516], %parallel_loop3A_519 {add = true, strides = array<i32>} : memref<4x128x64xf32, #tpu.memory_space<vmem>>, vector<1x1x16xf32>,
        %parallel_loop3A_520 = arith.constant 2 : i32
        %parallel_loop3A_521 = arith.index_cast %parallel_loop3A_520 : i32 to index
        %parallel_loop3A_522 = arith.index_cast %parallel_loop3A_505 : i32 to index
        %parallel_loop3A_523 = arith.constant 32 : index
        %parallel_loop3A_524 = tpu.vector_load %arg8[%parallel_loop3A_521, %parallel_loop3A_522, %parallel_loop3A_523] {strides = array<i32>} : memref<4x128x64xf32, #tpu.memory_space<vmem>>, vector<1x1x16xf32>,
        %parallel_loop3A_525 = vector.shape_cast %parallel_loop3A_524 : vector<1x1x16xf32> to vector<16xf32>
        %parallel_loop3A_526 = vector.shape_cast %get3A_418 : vector<16xf32> to vector<1x1x16xf32>
        tpu.vector_store %arg8[%parallel_loop3A_521, %parallel_loop3A_522, %parallel_loop3A_523], %parallel_loop3A_526 {add = true, strides = array<i32>} : memref<4x128x64xf32, #tpu.memory_space<vmem>>, vector<1x1x16xf32>,
        %parallel_loop3A_527 = arith.constant 2 : i32
        %parallel_loop3A_528 = arith.index_cast %parallel_loop3A_527 : i32 to index
        %parallel_loop3A_529 = arith.index_cast %parallel_loop3A_505 : i32 to index
        %parallel_loop3A_530 = arith.constant 48 : index
        %parallel_loop3A_531 = tpu.vector_load %arg8[%parallel_loop3A_528, %parallel_loop3A_529, %parallel_loop3A_530] {strides = array<i32>} : memref<4x128x64xf32, #tpu.memory_space<vmem>>, vector<1x1x16xf32>,
        %parallel_loop3A_532 = vector.shape_cast %parallel_loop3A_531 : vector<1x1x16xf32> to vector<16xf32>
        %parallel_loop3A_533 = vector.shape_cast %get3A_422 : vector<16xf32> to vector<1x1x16xf32>
        tpu.vector_store %arg8[%parallel_loop3A_528, %parallel_loop3A_529, %parallel_loop3A_530], %parallel_loop3A_533 {add = true, strides = array<i32>} : memref<4x128x64xf32, #tpu.memory_space<vmem>>, vector<1x1x16xf32>,
      } {sc.loop_unroll_factor = 8 : i64, sc.parallel_access}
      %dma_start3A_426 = arith.constant 2 : i32
      %dma_start3A_427 = arith.constant 0 : i32
      %dma_start3A_428 = arith.constant 0 : i32
      %dma_start3A_429 = tpu.memref_slice %arg8[%dma_start3A_426, %dma_start3A_427, %dma_start3A_428] : memref<4x128x64xf32, #tpu.memory_space<vmem>> -> memref<1x128x64xf32, #tpu.memory_space<vmem>>
      %dma_start3A_430 = tpu.memref_squeeze %dma_start3A_429 : memref<1x128x64xf32, #tpu.memory_space<vmem>> -> memref<128x64xf32, #tpu.memory_space<vmem>>
      %dma_start3A_431 = arith.constant 0 : i32
      %dma_start3A_432 = tpu.memref_slice %arg5[%mul3A_2, %add3A_380, %dma_start3A_431] : memref<4096x200x128xf32, #tpu.memory_space<hbm>> -> memref<128x1x64xf32, #tpu.memory_space<hbm>>
      %dma_start3A_433 = tpu.memref_squeeze %dma_start3A_432 : memref<128x1x64xf32, #tpu.memory_space<hbm>> -> memref<128x64xf32, #tpu.memory_space<hbm>>
      %dma_start3A_434 = arith.constant 0 : i32
      %dma_start3A_435 = tpu.memref_slice %arg5[%mul3A_2, %add3A_380, %dma_start3A_434] : memref<4096x200x128xf32, #tpu.memory_space<hbm>> -> memref<128x1x64xf32, #tpu.memory_space<hbm>>
      %dma_start3A_436 = tpu.memref_squeeze %dma_start3A_435 : memref<128x1x64xf32, #tpu.memory_space<hbm>> -> memref<128x64xf32, #tpu.memory_space<hbm>>
      %dma_start3A_437 = arith.constant 0 : i32
      %dma_start3A_438 = arith.constant 0 : i32
      %dma_start3A_439 = tpu.memref_slice %arg8[%dma_start3A_426, %dma_start3A_437, %dma_start3A_438] : memref<4x128x64xf32, #tpu.memory_space<vmem>> -> memref<1x128x64xf32, #tpu.memory_space<vmem>>
      %dma_start3A_440 = tpu.memref_squeeze %dma_start3A_439 : memref<1x128x64xf32, #tpu.memory_space<vmem>> -> memref<128x64xf32, #tpu.memory_space<vmem>>
      tpu.enqueue_dma source(%dma_start3A_440 : memref<128x64xf32, #tpu.memory_space<vmem>>) target(%dma_start3A_436 : memref<128x64xf32, #tpu.memory_space<hbm>>) target_semaphore(%arg20 : memref<!tpu.dma_semaphore, #tpu.memory_space<semaphore_mem>>)
      %mul3A_441 = arith.constant 4 : i32
      %mul3A_442 = arith.muli %scan3A_252, %mul3A_441 : i32
      %add3A_443 = arith.constant 3 : i32
      %add3A_444 = arith.addi %mul3A_442, %add3A_443 : i32
      %dma_wait3A_445 = arith.constant 3 : i32
      %dma_wait3A_446 = arith.constant 3 : i32
      %dma_wait3A_447 = arith.constant 0 : i32
      %dma_wait3A_448 = arith.constant 0 : i32
      %dma_wait3A_449 = tpu.memref_slice %arg8[%dma_wait3A_446, %dma_wait3A_447, %dma_wait3A_448] : memref<4x128x64xf32, #tpu.memory_space<vmem>> -> memref<1x128x64xf32, #tpu.memory_space<vmem>>
      %dma_wait3A_450 = tpu.memref_squeeze %dma_wait3A_449 : memref<1x128x64xf32, #tpu.memory_space<vmem>> -> memref<128x64xf32, #tpu.memory_space<vmem>>
      %dma_wait3A_451 = arith.constant 0 : i32
      %dma_wait3A_452 = tpu.memref_slice %arg7[%dma_wait3A_445, %dma_wait3A_451] : memref<4x128xi32, #tpu.memory_space<vmem>> -> memref<1x128xi32, #tpu.memory_space<vmem>>
      %dma_wait3A_453 = tpu.memref_squeeze %dma_wait3A_452 : memref<1x128xi32, #tpu.memory_space<vmem>> -> memref<128xi32, #tpu.memory_space<vmem>>
      %dma_wait3A_454 = arith.constant 0 : i32
      %dma_wait3A_455 = arith.constant 0 : i32
      %dma_wait3A_456 = tpu.memref_slice %arg3[%dma_wait3A_454, %dma_wait3A_455] : memref<2000000x64xf32, #tpu.memory_space<hbm>> -> memref<2000000x64xf32, #tpu.memory_space<hbm>>
      tpu.wait_indirect_dma semaphore(%arg17 : memref<!tpu.dma_semaphore, #tpu.memory_space<semaphore_mem>>) src(%dma_wait3A_456 : memref<2000000x64xf32, #tpu.memory_space<hbm>>) dst(%dma_wait3A_450 : memref<128x64xf32, #tpu.memory_space<vmem>>)
      %add3A_457 = arith.constant 4 : i32
      %add3A_458 = arith.addi %add3A_444, %add3A_457 : i32
      %lt3A_459 = arith.constant 200 : i32
      %lt3A_460 = arith.cmpi slt, %add3A_458, %lt3A_459 : i32
      %convert_element_type3A_461 = arith.extui %lt3A_460 : i1 to i32
      %cond3A_462 = arith.constant 0 : i32
      %cond3A_463 = arith.cmpi ne, %convert_element_type3A_461, %cond3A_462 : i32
      scf.if %cond3A_463 {
        %add3A_505 = arith.constant 4 : i32
        %add3A_506 = arith.addi %add3A_444, %add3A_505 : i32
        %dma_start3A_507 = arith.constant 3 : i32
        %dma_start3A_508 = arith.constant 0 : i32
        %dma_start3A_509 = tpu.memref_slice %arg6[%dma_start3A_507, %dma_start3A_508] : memref<4x128xi32, #tpu.memory_space<vmem>> -> memref<1x128xi32, #tpu.memory_space<vmem>>
        %dma_start3A_510 = tpu.memref_squeeze %dma_start3A_509 : memref<1x128xi32, #tpu.memory_space<vmem>> -> memref<128xi32, #tpu.memory_space<vmem>>
        %dma_start3A_511 = tpu.memref_slice %arg2[%add3A_506, %mul3A_2] : memref<200x4096xi32, #tpu.memory_space<hbm>> -> memref<1x128xi32, #tpu.memory_space<hbm>>
        %dma_start3A_512 = tpu.memref_squeeze %dma_start3A_511 : memref<1x128xi32, #tpu.memory_space<hbm>> -> memref<128xi32, #tpu.memory_space<hbm>>
        %dma_start3A_513 = arith.constant 0 : i32
        %dma_start3A_514 = tpu.memref_slice %arg6[%dma_start3A_507, %dma_start3A_513] : memref<4x128xi32, #tpu.memory_space<vmem>> -> memref<1x128xi32, #tpu.memory_space<vmem>>
        %dma_start3A_515 = tpu.memref_squeeze %dma_start3A_514 : memref<1x128xi32, #tpu.memory_space<vmem>> -> memref<128xi32, #tpu.memory_space<vmem>>
        %dma_start3A_516 = tpu.memref_slice %arg2[%add3A_506, %mul3A_2] : memref<200x4096xi32, #tpu.memory_space<hbm>> -> memref<1x128xi32, #tpu.memory_space<hbm>>
        %dma_start3A_517 = tpu.memref_squeeze %dma_start3A_516 : memref<1x128xi32, #tpu.memory_space<hbm>> -> memref<128xi32, #tpu.memory_space<hbm>>
        tpu.enqueue_dma source(%dma_start3A_517 : memref<128xi32, #tpu.memory_space<hbm>>) target(%dma_start3A_515 : memref<128xi32, #tpu.memory_space<vmem>>) target_semaphore(%arg13 : memref<!tpu.dma_semaphore, #tpu.memory_space<semaphore_mem>>)
      } else {
      }
      %add3A_464 = arith.constant 1 : i32
      %add3A_465 = arith.addi %add3A_444, %add3A_464 : i32
      %lt3A_466 = arith.constant 200 : i32
      %lt3A_467 = arith.cmpi slt, %add3A_465, %lt3A_466 : i32
      %convert_element_type3A_468 = arith.extui %lt3A_467 : i1 to i32
      %cond3A_469 = arith.constant 0 : i32
      %cond3A_470 = arith.cmpi ne, %convert_element_type3A_468, %cond3A_469 : i32
      scf.if %cond3A_470 {
        %add3A_505 = arith.constant 1 : i32
        %add3A_506 = arith.addi %add3A_444, %add3A_505 : i32
        %dma_wait3A_507 = arith.constant 0 : i32
        %dma_wait3A_508 = arith.constant 0 : i32
        %dma_wait3A_509 = tpu.memref_slice %arg6[%dma_wait3A_507, %dma_wait3A_508] : memref<4x128xi32, #tpu.memory_space<vmem>> -> memref<1x128xi32, #tpu.memory_space<vmem>>
        %dma_wait3A_510 = tpu.memref_squeeze %dma_wait3A_509 : memref<1x128xi32, #tpu.memory_space<vmem>> -> memref<128xi32, #tpu.memory_space<vmem>>
        %dma_wait3A_511 = tpu.memref_slice %arg2[%add3A_506, %mul3A_2] : memref<200x4096xi32, #tpu.memory_space<hbm>> -> memref<1x128xi32, #tpu.memory_space<hbm>>
        %dma_wait3A_512 = tpu.memref_squeeze %dma_wait3A_511 : memref<1x128xi32, #tpu.memory_space<hbm>> -> memref<128xi32, #tpu.memory_space<hbm>>
        %dma_wait3A_513 = arith.constant 0 : i32
        %dma_wait3A_514 = tpu.memref_slice %arg6[%dma_wait3A_507, %dma_wait3A_513] : memref<4x128xi32, #tpu.memory_space<vmem>> -> memref<1x128xi32, #tpu.memory_space<vmem>>
        %dma_wait3A_515 = tpu.memref_squeeze %dma_wait3A_514 : memref<1x128xi32, #tpu.memory_space<vmem>> -> memref<128xi32, #tpu.memory_space<vmem>>
        %dma_wait3A_516 = tpu.memref_slice %arg2[%add3A_506, %mul3A_2] : memref<200x4096xi32, #tpu.memory_space<hbm>> -> memref<1x128xi32, #tpu.memory_space<hbm>>
        %dma_wait3A_517 = tpu.memref_squeeze %dma_wait3A_516 : memref<1x128xi32, #tpu.memory_space<hbm>> -> memref<128xi32, #tpu.memory_space<hbm>>
        tpu.wait_dma2 semaphore(%arg10 : memref<!tpu.dma_semaphore, #tpu.memory_space<semaphore_mem>>) src(%dma_wait3A_517 : memref<128xi32, #tpu.memory_space<hbm>>) dst(%dma_wait3A_515 : memref<128xi32, #tpu.memory_space<vmem>>)
        %get3A_518 = arith.constant 0 : i32
        %get3A_519 = arith.index_cast %get3A_518 : i32 to index
        %get3A_520 = arith.constant 0 : index
        %get3A_521 = tpu.vector_load %arg6[%get3A_519, %get3A_520] {strides = array<i32>} : memref<4x128xi32, #tpu.memory_space<vmem>>, vector<1x16xi32>,
        %get3A_522 = vector.shape_cast %get3A_521 : vector<1x16xi32> to vector<16xi32>
        %mul3A_523 = arith.constant 2 : i32
        %mul3A_524 = vector.broadcast %mul3A_523 : i32 to vector<16xi32>
        %mul3A_525 = arith.muli %get3A_522, %mul3A_524 : vector<16xi32>
        %swap3A_526 = arith.constant 0 : i32
        %swap3A_527 = arith.index_cast %swap3A_526 : i32 to index
        %swap3A_528 = arith.constant 0 : index
        %swap3A_529 = tpu.vector_load %arg7[%swap3A_527, %swap3A_528] {strides = array<i32>} : memref<4x128xi32, #tpu.memory_space<vmem>>, vector<1x16xi32>,
        %swap3A_530 = vector.shape_cast %swap3A_529 : vector<1x16xi32> to vector<16xi32>
        %swap3A_531 = vector.shape_cast %mul3A_525 : vector<16xi32> to vector<1x16xi32>
        tpu.vector_store %arg7[%swap3A_527, %swap3A_528], %swap3A_531 {strides = array<i32>} : memref<4x128xi32, #tpu.memory_space<vmem>>, vector<1x16xi32>,
        %get3A_532 = arith.constant 0 : i32
        %get3A_533 = arith.index_cast %get3A_532 : i32 to index
        %get3A_534 = arith.constant 16 : index
        %get3A_535 = tpu.vector_load %arg6[%get3A_533, %get3A_534] {strides = array<i32>} : memref<4x128xi32, #tpu.memory_space<vmem>>, vector<1x16xi32>,
        %get3A_536 = vector.shape_cast %get3A_535 : vector<1x16xi32> to vector<16xi32>
        %mul3A_537 = arith.constant 2 : i32
        %mul3A_538 = vector.broadcast %mul3A_537 : i32 to vector<16xi32>
        %mul3A_539 = arith.muli %get3A_536, %mul3A_538 : vector<16xi32>
        %swap3A_540 = arith.constant 0 : i32
        %swap3A_541 = arith.index_cast %swap3A_540 : i32 to index
        %swap3A_542 = arith.constant 16 : index
        %swap3A_543 = tpu.vector_load %arg7[%swap3A_541, %swap3A_542] {strides = array<i32>} : memref<4x128xi32, #tpu.memory_space<vmem>>, vector<1x16xi32>,
        %swap3A_544 = vector.shape_cast %swap3A_543 : vector<1x16xi32> to vector<16xi32>
        %swap3A_545 = vector.shape_cast %mul3A_539 : vector<16xi32> to vector<1x16xi32>
        tpu.vector_store %arg7[%swap3A_541, %swap3A_542], %swap3A_545 {strides = array<i32>} : memref<4x128xi32, #tpu.memory_space<vmem>>, vector<1x16xi32>,
        %get3A_546 = arith.constant 0 : i32
        %get3A_547 = arith.index_cast %get3A_546 : i32 to index
        %get3A_548 = arith.constant 32 : index
        %get3A_549 = tpu.vector_load %arg6[%get3A_547, %get3A_548] {strides = array<i32>} : memref<4x128xi32, #tpu.memory_space<vmem>>, vector<1x16xi32>,
        %get3A_550 = vector.shape_cast %get3A_549 : vector<1x16xi32> to vector<16xi32>
        %mul3A_551 = arith.constant 2 : i32
        %mul3A_552 = vector.broadcast %mul3A_551 : i32 to vector<16xi32>
        %mul3A_553 = arith.muli %get3A_550, %mul3A_552 : vector<16xi32>
        %swap3A_554 = arith.constant 0 : i32
        %swap3A_555 = arith.index_cast %swap3A_554 : i32 to index
        %swap3A_556 = arith.constant 32 : index
        %swap3A_557 = tpu.vector_load %arg7[%swap3A_555, %swap3A_556] {strides = array<i32>} : memref<4x128xi32, #tpu.memory_space<vmem>>, vector<1x16xi32>,
        %swap3A_558 = vector.shape_cast %swap3A_557 : vector<1x16xi32> to vector<16xi32>
        %swap3A_559 = vector.shape_cast %mul3A_553 : vector<16xi32> to vector<1x16xi32>
        tpu.vector_store %arg7[%swap3A_555, %swap3A_556], %swap3A_559 {strides = array<i32>} : memref<4x128xi32, #tpu.memory_space<vmem>>, vector<1x16xi32>,
        %get3A_560 = arith.constant 0 : i32
        %get3A_561 = arith.index_cast %get3A_560 : i32 to index
        %get3A_562 = arith.constant 48 : index
        %get3A_563 = tpu.vector_load %arg6[%get3A_561, %get3A_562] {strides = array<i32>} : memref<4x128xi32, #tpu.memory_space<vmem>>, vector<1x16xi32>,
        %get3A_564 = vector.shape_cast %get3A_563 : vector<1x16xi32> to vector<16xi32>
        %mul3A_565 = arith.constant 2 : i32
        %mul3A_566 = vector.broadcast %mul3A_565 : i32 to vector<16xi32>
        %mul3A_567 = arith.muli %get3A_564, %mul3A_566 : vector<16xi32>
        %swap3A_568 = arith.constant 0 : i32
        %swap3A_569 = arith.index_cast %swap3A_568 : i32 to index
        %swap3A_570 = arith.constant 48 : index
        %swap3A_571 = tpu.vector_load %arg7[%swap3A_569, %swap3A_570] {strides = array<i32>} : memref<4x128xi32, #tpu.memory_space<vmem>>, vector<1x16xi32>,
        %swap3A_572 = vector.shape_cast %swap3A_571 : vector<1x16xi32> to vector<16xi32>
        %swap3A_573 = vector.shape_cast %mul3A_567 : vector<16xi32> to vector<1x16xi32>
        tpu.vector_store %arg7[%swap3A_569, %swap3A_570], %swap3A_573 {strides = array<i32>} : memref<4x128xi32, #tpu.memory_space<vmem>>, vector<1x16xi32>,
        %get3A_574 = arith.constant 0 : i32
        %get3A_575 = arith.index_cast %get3A_574 : i32 to index
        %get3A_576 = arith.constant 64 : index
        %get3A_577 = tpu.vector_load %arg6[%get3A_575, %get3A_576] {strides = array<i32>} : memref<4x128xi32, #tpu.memory_space<vmem>>, vector<1x16xi32>,
        %get3A_578 = vector.shape_cast %get3A_577 : vector<1x16xi32> to vector<16xi32>
        %mul3A_579 = arith.constant 2 : i32
        %mul3A_580 = vector.broadcast %mul3A_579 : i32 to vector<16xi32>
        %mul3A_581 = arith.muli %get3A_578, %mul3A_580 : vector<16xi32>
        %swap3A_582 = arith.constant 0 : i32
        %swap3A_583 = arith.index_cast %swap3A_582 : i32 to index
        %swap3A_584 = arith.constant 64 : index
        %swap3A_585 = tpu.vector_load %arg7[%swap3A_583, %swap3A_584] {strides = array<i32>} : memref<4x128xi32, #tpu.memory_space<vmem>>, vector<1x16xi32>,
        %swap3A_586 = vector.shape_cast %swap3A_585 : vector<1x16xi32> to vector<16xi32>
        %swap3A_587 = vector.shape_cast %mul3A_581 : vector<16xi32> to vector<1x16xi32>
        tpu.vector_store %arg7[%swap3A_583, %swap3A_584], %swap3A_587 {strides = array<i32>} : memref<4x128xi32, #tpu.memory_space<vmem>>, vector<1x16xi32>,
        %get3A_588 = arith.constant 0 : i32
        %get3A_589 = arith.index_cast %get3A_588 : i32 to index
        %get3A_590 = arith.constant 80 : index
        %get3A_591 = tpu.vector_load %arg6[%get3A_589, %get3A_590] {strides = array<i32>} : memref<4x128xi32, #tpu.memory_space<vmem>>, vector<1x16xi32>,
        %get3A_592 = vector.shape_cast %get3A_591 : vector<1x16xi32> to vector<16xi32>
        %mul3A_593 = arith.constant 2 : i32
        %mul3A_594 = vector.broadcast %mul3A_593 : i32 to vector<16xi32>
        %mul3A_595 = arith.muli %get3A_592, %mul3A_594 : vector<16xi32>
        %swap3A_596 = arith.constant 0 : i32
        %swap3A_597 = arith.index_cast %swap3A_596 : i32 to index
        %swap3A_598 = arith.constant 80 : index
        %swap3A_599 = tpu.vector_load %arg7[%swap3A_597, %swap3A_598] {strides = array<i32>} : memref<4x128xi32, #tpu.memory_space<vmem>>, vector<1x16xi32>,
        %swap3A_600 = vector.shape_cast %swap3A_599 : vector<1x16xi32> to vector<16xi32>
        %swap3A_601 = vector.shape_cast %mul3A_595 : vector<16xi32> to vector<1x16xi32>
        tpu.vector_store %arg7[%swap3A_597, %swap3A_598], %swap3A_601 {strides = array<i32>} : memref<4x128xi32, #tpu.memory_space<vmem>>, vector<1x16xi32>,
        %get3A_602 = arith.constant 0 : i32
        %get3A_603 = arith.index_cast %get3A_602 : i32 to index
        %get3A_604 = arith.constant 96 : index
        %get3A_605 = tpu.vector_load %arg6[%get3A_603, %get3A_604] {strides = array<i32>} : memref<4x128xi32, #tpu.memory_space<vmem>>, vector<1x16xi32>,
        %get3A_606 = vector.shape_cast %get3A_605 : vector<1x16xi32> to vector<16xi32>
        %mul3A_607 = arith.constant 2 : i32
        %mul3A_608 = vector.broadcast %mul3A_607 : i32 to vector<16xi32>
        %mul3A_609 = arith.muli %get3A_606, %mul3A_608 : vector<16xi32>
        %swap3A_610 = arith.constant 0 : i32
        %swap3A_611 = arith.index_cast %swap3A_610 : i32 to index
        %swap3A_612 = arith.constant 96 : index
        %swap3A_613 = tpu.vector_load %arg7[%swap3A_611, %swap3A_612] {strides = array<i32>} : memref<4x128xi32, #tpu.memory_space<vmem>>, vector<1x16xi32>,
        %swap3A_614 = vector.shape_cast %swap3A_613 : vector<1x16xi32> to vector<16xi32>
        %swap3A_615 = vector.shape_cast %mul3A_609 : vector<16xi32> to vector<1x16xi32>
        tpu.vector_store %arg7[%swap3A_611, %swap3A_612], %swap3A_615 {strides = array<i32>} : memref<4x128xi32, #tpu.memory_space<vmem>>, vector<1x16xi32>,
        %get3A_616 = arith.constant 0 : i32
        %get3A_617 = arith.index_cast %get3A_616 : i32 to index
        %get3A_618 = arith.constant 112 : index
        %get3A_619 = tpu.vector_load %arg6[%get3A_617, %get3A_618] {strides = array<i32>} : memref<4x128xi32, #tpu.memory_space<vmem>>, vector<1x16xi32>,
        %get3A_620 = vector.shape_cast %get3A_619 : vector<1x16xi32> to vector<16xi32>
        %mul3A_621 = arith.constant 2 : i32
        %mul3A_622 = vector.broadcast %mul3A_621 : i32 to vector<16xi32>
        %mul3A_623 = arith.muli %get3A_620, %mul3A_622 : vector<16xi32>
        %swap3A_624 = arith.constant 0 : i32
        %swap3A_625 = arith.index_cast %swap3A_624 : i32 to index
        %swap3A_626 = arith.constant 112 : index
        %swap3A_627 = tpu.vector_load %arg7[%swap3A_625, %swap3A_626] {strides = array<i32>} : memref<4x128xi32, #tpu.memory_space<vmem>>, vector<1x16xi32>,
        %swap3A_628 = vector.shape_cast %swap3A_627 : vector<1x16xi32> to vector<16xi32>
        %swap3A_629 = vector.shape_cast %mul3A_623 : vector<16xi32> to vector<1x16xi32>
        tpu.vector_store %arg7[%swap3A_625, %swap3A_626], %swap3A_629 {strides = array<i32>} : memref<4x128xi32, #tpu.memory_space<vmem>>, vector<1x16xi32>,
        %sub3A = arith.constant 3 : i32
        %sub3A_630 = arith.subi %add3A_444, %sub3A : i32
        %ge3A = arith.constant 0 : i32
        %ge3A_631 = arith.cmpi sge, %sub3A_630, %ge3A : i32
        %convert_element_type3A_632 = arith.extui %ge3A_631 : i1 to i32
        %cond3A_633 = arith.constant 0 : i32
        %cond3A_634 = arith.cmpi ne, %convert_element_type3A_632, %cond3A_633 : i32
        scf.if %cond3A_634 {
          %sub3A_647 = arith.constant 3 : i32
          %sub3A_648 = arith.subi %add3A_444, %sub3A_647 : i32
          %dma_wait3A_649 = arith.constant 0 : i32
          %dma_wait3A_650 = arith.constant 0 : i32
          %dma_wait3A_651 = arith.constant 0 : i32
          %dma_wait3A_652 = tpu.memref_slice %arg8[%dma_wait3A_649, %dma_wait3A_650, %dma_wait3A_651] : memref<4x128x64xf32, #tpu.memory_space<vmem>> -> memref<1x128x64xf32, #tpu.memory_space<vmem>>
          %dma_wait3A_653 = tpu.memref_squeeze %dma_wait3A_652 : memref<1x128x64xf32, #tpu.memory_space<vmem>> -> memref<128x64xf32, #tpu.memory_space<vmem>>
          %dma_wait3A_654 = arith.constant 0 : i32
          %dma_wait3A_655 = tpu.memref_slice %arg5[%mul3A_2, %sub3A_648, %dma_wait3A_654] : memref<4096x200x128xf32, #tpu.memory_space<hbm>> -> memref<128x1x64xf32, #tpu.memory_space<hbm>>
          %dma_wait3A_656 = tpu.memref_squeeze %dma_wait3A_655 : memref<128x1x64xf32, #tpu.memory_space<hbm>> -> memref<128x64xf32, #tpu.memory_space<hbm>>
          %dma_wait3A_657 = arith.constant 0 : i32
          %dma_wait3A_658 = tpu.memref_slice %arg5[%mul3A_2, %sub3A_648, %dma_wait3A_657] : memref<4096x200x128xf32, #tpu.memory_space<hbm>> -> memref<128x1x64xf32, #tpu.memory_space<hbm>>
          %dma_wait3A_659 = tpu.memref_squeeze %dma_wait3A_658 : memref<128x1x64xf32, #tpu.memory_space<hbm>> -> memref<128x64xf32, #tpu.memory_space<hbm>>
          %dma_wait3A_660 = arith.constant 0 : i32
          %dma_wait3A_661 = arith.constant 0 : i32
          %dma_wait3A_662 = tpu.memref_slice %arg8[%dma_wait3A_649, %dma_wait3A_660, %dma_wait3A_661] : memref<4x128x64xf32, #tpu.memory_space<vmem>> -> memref<1x128x64xf32, #tpu.memory_space<vmem>>
          %dma_wait3A_663 = tpu.memref_squeeze %dma_wait3A_662 : memref<1x128x64xf32, #tpu.memory_space<vmem>> -> memref<128x64xf32, #tpu.memory_space<vmem>>
          tpu.wait_dma2 semaphore(%arg18 : memref<!tpu.dma_semaphore, #tpu.memory_space<semaphore_mem>>) src(%dma_wait3A_663 : memref<128x64xf32, #tpu.memory_space<vmem>>) dst(%dma_wait3A_659 : memref<128x64xf32, #tpu.memory_space<hbm>>)
        } else {
        }
        %dma_start3A_635 = arith.constant 0 : i32
        %dma_start3A_636 = arith.constant 0 : i32
        %dma_start3A_637 = arith.constant 0 : i32
        %dma_start3A_638 = arith.constant 0 : i32
        %dma_start3A_639 = tpu.memref_slice %arg8[%dma_start3A_636, %dma_start3A_637, %dma_start3A_638] : memref<4x128x64xf32, #tpu.memory_space<vmem>> -> memref<1x128x64xf32, #tpu.memory_space<vmem>>
        %dma_start3A_640 = tpu.memref_squeeze %dma_start3A_639 : memref<1x128x64xf32, #tpu.memory_space<vmem>> -> memref<128x64xf32, #tpu.memory_space<vmem>>
        %dma_start3A_641 = arith.constant 0 : i32
        %dma_start3A_642 = tpu.memref_slice %arg7[%dma_start3A_635, %dma_start3A_641] : memref<4x128xi32, #tpu.memory_space<vmem>> -> memref<1x128xi32, #tpu.memory_space<vmem>>
        %dma_start3A_643 = tpu.memref_squeeze %dma_start3A_642 : memref<1x128xi32, #tpu.memory_space<vmem>> -> memref<128xi32, #tpu.memory_space<vmem>>
        %dma_start3A_644 = arith.constant 0 : i32
        %dma_start3A_645 = arith.constant 0 : i32
        %dma_start3A_646 = tpu.memref_slice %arg3[%dma_start3A_644, %dma_start3A_645] : memref<2000000x64xf32, #tpu.memory_space<hbm>> -> memref<2000000x64xf32, #tpu.memory_space<hbm>>
        tpu.enqueue_indirect_dma source(%dma_start3A_646 : memref<2000000x64xf32, #tpu.memory_space<hbm>>) target(%dma_start3A_640 : memref<128x64xf32, #tpu.memory_space<vmem>>) offsets(%dma_start3A_643 : memref<128xi32, #tpu.memory_space<vmem>>) semaphore(%arg14 : memref<!tpu.dma_semaphore, #tpu.memory_space<semaphore_mem>>)
      } else {
      }
      %get3A_471 = arith.index_cast %add3A_444 : i32 to index
      %get3A_472 = arith.constant 0 : index
      %get3A_473 = tpu.vector_load %arg9[%get3A_471, %get3A_472] {strides = array<i32>} : memref<200x64xf32, #tpu.memory_space<vmem>>, vector<1x16xf32>,
      %get3A_474 = vector.shape_cast %get3A_473 : vector<1x16xf32> to vector<16xf32>
      %get3A_475 = arith.index_cast %add3A_444 : i32 to index
      %get3A_476 = arith.constant 16 : index
      %get3A_477 = tpu.vector_load %arg9[%get3A_475, %get3A_476] {strides = array<i32>} : memref<200x64xf32, #tpu.memory_space<vmem>>, vector<1x16xf32>,
      %get3A_478 = vector.shape_cast %get3A_477 : vector<1x16xf32> to vector<16xf32>
      %get3A_479 = arith.index_cast %add3A_444 : i32 to index
      %get3A_480 = arith.constant 32 : index
      %get3A_481 = tpu.vector_load %arg9[%get3A_479, %get3A_480] {strides = array<i32>} : memref<200x64xf32, #tpu.memory_space<vmem>>, vector<1x16xf32>,
      %get3A_482 = vector.shape_cast %get3A_481 : vector<1x16xf32> to vector<16xf32>
      %get3A_483 = arith.index_cast %add3A_444 : i32 to index
      %get3A_484 = arith.constant 48 : index
      %get3A_485 = tpu.vector_load %arg9[%get3A_483, %get3A_484] {strides = array<i32>} : memref<200x64xf32, #tpu.memory_space<vmem>>, vector<1x16xf32>,
      %get3A_486 = vector.shape_cast %get3A_485 : vector<1x16xf32> to vector<16xf32>
      %parallel_loop3A_487 = arith.constant 0 : i32
      %parallel_loop3A_488 = arith.constant 128 : i32
      %parallel_loop3A_489 = arith.constant 1 : i32
      scf.for %parallel_loop3A_505 = %parallel_loop3A_487 to %parallel_loop3A_488 step %parallel_loop3A_489  : i32 {
        %parallel_loop3A_506 = arith.constant 3 : i32
        %parallel_loop3A_507 = arith.index_cast %parallel_loop3A_506 : i32 to index
        %parallel_loop3A_508 = arith.index_cast %parallel_loop3A_505 : i32 to index
        %parallel_loop3A_509 = arith.constant 0 : index
        %parallel_loop3A_510 = tpu.vector_load %arg8[%parallel_loop3A_507, %parallel_loop3A_508, %parallel_loop3A_509] {strides = array<i32>} : memref<4x128x64xf32, #tpu.memory_space<vmem>>, vector<1x1x16xf32>,
        %parallel_loop3A_511 = vector.shape_cast %parallel_loop3A_510 : vector<1x1x16xf32> to vector<16xf32>
        %parallel_loop3A_512 = vector.shape_cast %get3A_474 : vector<16xf32> to vector<1x1x16xf32>
        tpu.vector_store %arg8[%parallel_loop3A_507, %parallel_loop3A_508, %parallel_loop3A_509], %parallel_loop3A_512 {add = true, strides = array<i32>} : memref<4x128x64xf32, #tpu.memory_space<vmem>>, vector<1x1x16xf32>,
        %parallel_loop3A_513 = arith.constant 3 : i32
        %parallel_loop3A_514 = arith.index_cast %parallel_loop3A_513 : i32 to index
        %parallel_loop3A_515 = arith.index_cast %parallel_loop3A_505 : i32 to index
        %parallel_loop3A_516 = arith.constant 16 : index
        %parallel_loop3A_517 = tpu.vector_load %arg8[%parallel_loop3A_514, %parallel_loop3A_515, %parallel_loop3A_516] {strides = array<i32>} : memref<4x128x64xf32, #tpu.memory_space<vmem>>, vector<1x1x16xf32>,
        %parallel_loop3A_518 = vector.shape_cast %parallel_loop3A_517 : vector<1x1x16xf32> to vector<16xf32>
        %parallel_loop3A_519 = vector.shape_cast %get3A_478 : vector<16xf32> to vector<1x1x16xf32>
        tpu.vector_store %arg8[%parallel_loop3A_514, %parallel_loop3A_515, %parallel_loop3A_516], %parallel_loop3A_519 {add = true, strides = array<i32>} : memref<4x128x64xf32, #tpu.memory_space<vmem>>, vector<1x1x16xf32>,
        %parallel_loop3A_520 = arith.constant 3 : i32
        %parallel_loop3A_521 = arith.index_cast %parallel_loop3A_520 : i32 to index
        %parallel_loop3A_522 = arith.index_cast %parallel_loop3A_505 : i32 to index
        %parallel_loop3A_523 = arith.constant 32 : index
        %parallel_loop3A_524 = tpu.vector_load %arg8[%parallel_loop3A_521, %parallel_loop3A_522, %parallel_loop3A_523] {strides = array<i32>} : memref<4x128x64xf32, #tpu.memory_space<vmem>>, vector<1x1x16xf32>,
        %parallel_loop3A_525 = vector.shape_cast %parallel_loop3A_524 : vector<1x1x16xf32> to vector<16xf32>
        %parallel_loop3A_526 = vector.shape_cast %get3A_482 : vector<16xf32> to vector<1x1x16xf32>
        tpu.vector_store %arg8[%parallel_loop3A_521, %parallel_loop3A_522, %parallel_loop3A_523], %parallel_loop3A_526 {add = true, strides = array<i32>} : memref<4x128x64xf32, #tpu.memory_space<vmem>>, vector<1x1x16xf32>,
        %parallel_loop3A_527 = arith.constant 3 : i32
        %parallel_loop3A_528 = arith.index_cast %parallel_loop3A_527 : i32 to index
        %parallel_loop3A_529 = arith.index_cast %parallel_loop3A_505 : i32 to index
        %parallel_loop3A_530 = arith.constant 48 : index
        %parallel_loop3A_531 = tpu.vector_load %arg8[%parallel_loop3A_528, %parallel_loop3A_529, %parallel_loop3A_530] {strides = array<i32>} : memref<4x128x64xf32, #tpu.memory_space<vmem>>, vector<1x1x16xf32>,
        %parallel_loop3A_532 = vector.shape_cast %parallel_loop3A_531 : vector<1x1x16xf32> to vector<16xf32>
        %parallel_loop3A_533 = vector.shape_cast %get3A_486 : vector<16xf32> to vector<1x1x16xf32>
        tpu.vector_store %arg8[%parallel_loop3A_528, %parallel_loop3A_529, %parallel_loop3A_530], %parallel_loop3A_533 {add = true, strides = array<i32>} : memref<4x128x64xf32, #tpu.memory_space<vmem>>, vector<1x1x16xf32>,
      } {sc.loop_unroll_factor = 8 : i64, sc.parallel_access}
      %dma_start3A_490 = arith.constant 3 : i32
      %dma_start3A_491 = arith.constant 0 : i32
      %dma_start3A_492 = arith.constant 0 : i32
      %dma_start3A_493 = tpu.memref_slice %arg8[%dma_start3A_490, %dma_start3A_491, %dma_start3A_492] : memref<4x128x64xf32, #tpu.memory_space<vmem>> -> memref<1x128x64xf32, #tpu.memory_space<vmem>>
      %dma_start3A_494 = tpu.memref_squeeze %dma_start3A_493 : memref<1x128x64xf32, #tpu.memory_space<vmem>> -> memref<128x64xf32, #tpu.memory_space<vmem>>
      %dma_start3A_495 = arith.constant 0 : i32
      %dma_start3A_496 = tpu.memref_slice %arg5[%mul3A_2, %add3A_444, %dma_start3A_495] : memref<4096x200x128xf32, #tpu.memory_space<hbm>> -> memref<128x1x64xf32, #tpu.memory_space<hbm>>
      %dma_start3A_497 = tpu.memref_squeeze %dma_start3A_496 : memref<128x1x64xf32, #tpu.memory_space<hbm>> -> memref<128x64xf32, #tpu.memory_space<hbm>>
      %dma_start3A_498 = arith.constant 0 : i32
      %dma_start3A_499 = tpu.memref_slice %arg5[%mul3A_2, %add3A_444, %dma_start3A_498] : memref<4096x200x128xf32, #tpu.memory_space<hbm>> -> memref<128x1x64xf32, #tpu.memory_space<hbm>>
      %dma_start3A_500 = tpu.memref_squeeze %dma_start3A_499 : memref<128x1x64xf32, #tpu.memory_space<hbm>> -> memref<128x64xf32, #tpu.memory_space<hbm>>
      %dma_start3A_501 = arith.constant 0 : i32
      %dma_start3A_502 = arith.constant 0 : i32
      %dma_start3A_503 = tpu.memref_slice %arg8[%dma_start3A_490, %dma_start3A_501, %dma_start3A_502] : memref<4x128x64xf32, #tpu.memory_space<vmem>> -> memref<1x128x64xf32, #tpu.memory_space<vmem>>
      %dma_start3A_504 = tpu.memref_squeeze %dma_start3A_503 : memref<1x128x64xf32, #tpu.memory_space<vmem>> -> memref<128x64xf32, #tpu.memory_space<vmem>>
      tpu.enqueue_dma source(%dma_start3A_504 : memref<128x64xf32, #tpu.memory_space<vmem>>) target(%dma_start3A_500 : memref<128x64xf32, #tpu.memory_space<hbm>>) target_semaphore(%arg21 : memref<!tpu.dma_semaphore, #tpu.memory_space<semaphore_mem>>)
    }
    %scan3A_187 = arith.constant 50 : i32
    %dma_wait3A_188 = arith.constant 0 : i32
    %dma_wait3A_189 = arith.constant 196 : i32
    %dma_wait3A_190 = arith.constant 0 : i32
    %dma_wait3A_191 = arith.constant 0 : i32
    %dma_wait3A_192 = tpu.memref_slice %arg8[%dma_wait3A_188, %dma_wait3A_190, %dma_wait3A_191] : memref<4x128x64xf32, #tpu.memory_space<vmem>> -> memref<1x128x64xf32, #tpu.memory_space<vmem>>
    %dma_wait3A_193 = tpu.memref_squeeze %dma_wait3A_192 : memref<1x128x64xf32, #tpu.memory_space<vmem>> -> memref<128x64xf32, #tpu.memory_space<vmem>>
    %dma_wait3A_194 = arith.constant 0 : i32
    %dma_wait3A_195 = tpu.memref_slice %arg5[%mul3A_2, %dma_wait3A_189, %dma_wait3A_194] : memref<4096x200x128xf32, #tpu.memory_space<hbm>> -> memref<128x1x64xf32, #tpu.memory_space<hbm>>
    %dma_wait3A_196 = tpu.memref_squeeze %dma_wait3A_195 : memref<128x1x64xf32, #tpu.memory_space<hbm>> -> memref<128x64xf32, #tpu.memory_space<hbm>>
    %dma_wait3A_197 = arith.constant 0 : i32
    %dma_wait3A_198 = tpu.memref_slice %arg5[%mul3A_2, %dma_wait3A_189, %dma_wait3A_197] : memref<4096x200x128xf32, #tpu.memory_space<hbm>> -> memref<128x1x64xf32, #tpu.memory_space<hbm>>
    %dma_wait3A_199 = tpu.memref_squeeze %dma_wait3A_198 : memref<128x1x64xf32, #tpu.memory_space<hbm>> -> memref<128x64xf32, #tpu.memory_space<hbm>>
    %dma_wait3A_200 = arith.constant 0 : i32
    %dma_wait3A_201 = arith.constant 0 : i32
    %dma_wait3A_202 = tpu.memref_slice %arg8[%dma_wait3A_188, %dma_wait3A_200, %dma_wait3A_201] : memref<4x128x64xf32, #tpu.memory_space<vmem>> -> memref<1x128x64xf32, #tpu.memory_space<vmem>>
    %dma_wait3A_203 = tpu.memref_squeeze %dma_wait3A_202 : memref<1x128x64xf32, #tpu.memory_space<vmem>> -> memref<128x64xf32, #tpu.memory_space<vmem>>
    tpu.wait_dma2 semaphore(%arg18 : memref<!tpu.dma_semaphore, #tpu.memory_space<semaphore_mem>>) src(%dma_wait3A_203 : memref<128x64xf32, #tpu.memory_space<vmem>>) dst(%dma_wait3A_199 : memref<128x64xf32, #tpu.memory_space<hbm>>)
    %dma_wait3A_204 = arith.constant 1 : i32
    %dma_wait3A_205 = arith.constant 197 : i32
    %dma_wait3A_206 = arith.constant 0 : i32
    %dma_wait3A_207 = arith.constant 0 : i32
    %dma_wait3A_208 = tpu.memref_slice %arg8[%dma_wait3A_204, %dma_wait3A_206, %dma_wait3A_207] : memref<4x128x64xf32, #tpu.memory_space<vmem>> -> memref<1x128x64xf32, #tpu.memory_space<vmem>>
    %dma_wait3A_209 = tpu.memref_squeeze %dma_wait3A_208 : memref<1x128x64xf32, #tpu.memory_space<vmem>> -> memref<128x64xf32, #tpu.memory_space<vmem>>
    %dma_wait3A_210 = arith.constant 0 : i32
    %dma_wait3A_211 = tpu.memref_slice %arg5[%mul3A_2, %dma_wait3A_205, %dma_wait3A_210] : memref<4096x200x128xf32, #tpu.memory_space<hbm>> -> memref<128x1x64xf32, #tpu.memory_space<hbm>>
    %dma_wait3A_212 = tpu.memref_squeeze %dma_wait3A_211 : memref<128x1x64xf32, #tpu.memory_space<hbm>> -> memref<128x64xf32, #tpu.memory_space<hbm>>
    %dma_wait3A_213 = arith.constant 0 : i32
    %dma_wait3A_214 = tpu.memref_slice %arg5[%mul3A_2, %dma_wait3A_205, %dma_wait3A_213] : memref<4096x200x128xf32, #tpu.memory_space<hbm>> -> memref<128x1x64xf32, #tpu.memory_space<hbm>>
    %dma_wait3A_215 = tpu.memref_squeeze %dma_wait3A_214 : memref<128x1x64xf32, #tpu.memory_space<hbm>> -> memref<128x64xf32, #tpu.memory_space<hbm>>
    %dma_wait3A_216 = arith.constant 0 : i32
    %dma_wait3A_217 = arith.constant 0 : i32
    %dma_wait3A_218 = tpu.memref_slice %arg8[%dma_wait3A_204, %dma_wait3A_216, %dma_wait3A_217] : memref<4x128x64xf32, #tpu.memory_space<vmem>> -> memref<1x128x64xf32, #tpu.memory_space<vmem>>
    %dma_wait3A_219 = tpu.memref_squeeze %dma_wait3A_218 : memref<1x128x64xf32, #tpu.memory_space<vmem>> -> memref<128x64xf32, #tpu.memory_space<vmem>>
    tpu.wait_dma2 semaphore(%arg19 : memref<!tpu.dma_semaphore, #tpu.memory_space<semaphore_mem>>) src(%dma_wait3A_219 : memref<128x64xf32, #tpu.memory_space<vmem>>) dst(%dma_wait3A_215 : memref<128x64xf32, #tpu.memory_space<hbm>>)
    %dma_wait3A_220 = arith.constant 2 : i32
    %dma_wait3A_221 = arith.constant 198 : i32
    %dma_wait3A_222 = arith.constant 0 : i32
    %dma_wait3A_223 = arith.constant 0 : i32
    %dma_wait3A_224 = tpu.memref_slice %arg8[%dma_wait3A_220, %dma_wait3A_222, %dma_wait3A_223] : memref<4x128x64xf32, #tpu.memory_space<vmem>> -> memref<1x128x64xf32, #tpu.memory_space<vmem>>
    %dma_wait3A_225 = tpu.memref_squeeze %dma_wait3A_224 : memref<1x128x64xf32, #tpu.memory_space<vmem>> -> memref<128x64xf32, #tpu.memory_space<vmem>>
    %dma_wait3A_226 = arith.constant 0 : i32
    %dma_wait3A_227 = tpu.memref_slice %arg5[%mul3A_2, %dma_wait3A_221, %dma_wait3A_226] : memref<4096x200x128xf32, #tpu.memory_space<hbm>> -> memref<128x1x64xf32, #tpu.memory_space<hbm>>
    %dma_wait3A_228 = tpu.memref_squeeze %dma_wait3A_227 : memref<128x1x64xf32, #tpu.memory_space<hbm>> -> memref<128x64xf32, #tpu.memory_space<hbm>>
    %dma_wait3A_229 = arith.constant 0 : i32
    %dma_wait3A_230 = tpu.memref_slice %arg5[%mul3A_2, %dma_wait3A_221, %dma_wait3A_229] : memref<4096x200x128xf32, #tpu.memory_space<hbm>> -> memref<128x1x64xf32, #tpu.memory_space<hbm>>
    %dma_wait3A_231 = tpu.memref_squeeze %dma_wait3A_230 : memref<128x1x64xf32, #tpu.memory_space<hbm>> -> memref<128x64xf32, #tpu.memory_space<hbm>>
    %dma_wait3A_232 = arith.constant 0 : i32
    %dma_wait3A_233 = arith.constant 0 : i32
    %dma_wait3A_234 = tpu.memref_slice %arg8[%dma_wait3A_220, %dma_wait3A_232, %dma_wait3A_233] : memref<4x128x64xf32, #tpu.memory_space<vmem>> -> memref<1x128x64xf32, #tpu.memory_space<vmem>>
    %dma_wait3A_235 = tpu.memref_squeeze %dma_wait3A_234 : memref<1x128x64xf32, #tpu.memory_space<vmem>> -> memref<128x64xf32, #tpu.memory_space<vmem>>
    tpu.wait_dma2 semaphore(%arg20 : memref<!tpu.dma_semaphore, #tpu.memory_space<semaphore_mem>>) src(%dma_wait3A_235 : memref<128x64xf32, #tpu.memory_space<vmem>>) dst(%dma_wait3A_231 : memref<128x64xf32, #tpu.memory_space<hbm>>)
    %dma_wait3A_236 = arith.constant 3 : i32
    %dma_wait3A_237 = arith.constant 199 : i32
    %dma_wait3A_238 = arith.constant 0 : i32
    %dma_wait3A_239 = arith.constant 0 : i32
    %dma_wait3A_240 = tpu.memref_slice %arg8[%dma_wait3A_236, %dma_wait3A_238, %dma_wait3A_239] : memref<4x128x64xf32, #tpu.memory_space<vmem>> -> memref<1x128x64xf32, #tpu.memory_space<vmem>>
    %dma_wait3A_241 = tpu.memref_squeeze %dma_wait3A_240 : memref<1x128x64xf32, #tpu.memory_space<vmem>> -> memref<128x64xf32, #tpu.memory_space<vmem>>
    %dma_wait3A_242 = arith.constant 0 : i32
    %dma_wait3A_243 = tpu.memref_slice %arg5[%mul3A_2, %dma_wait3A_237, %dma_wait3A_242] : memref<4096x200x128xf32, #tpu.memory_space<hbm>> -> memref<128x1x64xf32, #tpu.memory_space<hbm>>
    %dma_wait3A_244 = tpu.memref_squeeze %dma_wait3A_243 : memref<128x1x64xf32, #tpu.memory_space<hbm>> -> memref<128x64xf32, #tpu.memory_space<hbm>>
    %dma_wait3A_245 = arith.constant 0 : i32
    %dma_wait3A_246 = tpu.memref_slice %arg5[%mul3A_2, %dma_wait3A_237, %dma_wait3A_245] : memref<4096x200x128xf32, #tpu.memory_space<hbm>> -> memref<128x1x64xf32, #tpu.memory_space<hbm>>
    %dma_wait3A_247 = tpu.memref_squeeze %dma_wait3A_246 : memref<128x1x64xf32, #tpu.memory_space<hbm>> -> memref<128x64xf32, #tpu.memory_space<hbm>>
    %dma_wait3A_248 = arith.constant 0 : i32
    %dma_wait3A_249 = arith.constant 0 : i32
    %dma_wait3A_250 = tpu.memref_slice %arg8[%dma_wait3A_236, %dma_wait3A_248, %dma_wait3A_249] : memref<4x128x64xf32, #tpu.memory_space<vmem>> -> memref<1x128x64xf32, #tpu.memory_space<vmem>>
    %dma_wait3A_251 = tpu.memref_squeeze %dma_wait3A_250 : memref<1x128x64xf32, #tpu.memory_space<vmem>> -> memref<128x64xf32, #tpu.memory_space<vmem>>
    tpu.wait_dma2 semaphore(%arg21 : memref<!tpu.dma_semaphore, #tpu.memory_space<semaphore_mem>>) src(%dma_wait3A_251 : memref<128x64xf32, #tpu.memory_space<vmem>>) dst(%dma_wait3A_247 : memref<128x64xf32, #tpu.memory_space<hbm>>)
    return
  }
}

</mosaic_0001>

<sc_bundles>
// kernel: kernel.3.cloned.1.call-start
scs
__scs_entry_jumppad:
0x0: {  	(pc) =	sbr.rel $0x88, $3  }
0x1: {  	(tag) =	ssettag $0x0;
	lr =	simm.s32 $0x1  }
0x2: {  	[smem:$0x3F9E] =	sst lr;
	_ =	strace $0xD0000000  }
0x3: {  	_ = 	snop  }
0x4: {  	_ = 	snop  }
0x5: {  	_ = 	snop  }
0x6: {  	_ = 	snop  }
0x7: {  	_ = 	snop  }
__scs_overlays_trampoline_lowered:
0x8: {  	[smem:$0x3FAD] =	sst s0  }
0x9: {  	[smem:$0x3FAE] =	sst s1  }
0xa: {  	[smem:$0x3FAF] =	sst s2  }
0xb: {  	[smem:$0x3FB0] =	sst s3  }
0xc: {  	[smem:$0x3FB1] =	sst s4  }
0xd: {  	[smem:$0x3FB2] =	sst s5  }
0xe: {  	[smem:$0x3FB3] =	sst s6  }
0xf: {  	[smem:$0x3FB4] =	sst s7  }
0x10: {  	[smem:$0x3FB5] =	sst s8  }
0x11: {  	[smem:$0x3FB6] =	sst s9;
	s0 =	simm.s32 @!p0 $0x0  }
0x12: {  	s1 =	sld [smem:$0x3F9C];
	s0 =	simm.s32 @p0 $0x1  }
0x13: {  	[smem:$0x3FB7] =	sst s0;
	s0 =	simm.s32 @!p1 $0x0  }
0x14: {  	s2 =	sld [smem:$0x3F9B];
	s0 =	simm.s32 @p1 $0x1  }
0x15: {  	[smem:$0x3FB8] =	sst s0;
	s0 =	simm.s32 @!p2 $0x0  }
0x16: {  	s3 =	sld [smem:$0x3FDB];
	s0 =	simm.s32 @p2 $0x1  }
0x17: {  	s4 =	simm.s32 $0x1BF5;
	[smem:$0x3FBA] =	sst s0  }
0x18: {  	s0 =	sld [smem:$0x3F9D];
	_ =	swait.ge [sflag:s4], $0x0  }
0x19: {  	s7 =	sld [smem:$0x3F9E]  }
0x1a: {  	s8 =	sadd.s32 $0xFFFFE003, lr  }
0x1b: {  	s9 =	sadd.s32 $0xFFFFFEF7, lr;
	s5 =	simm.s32 $0xFFFFFFFF;
	p2 =	slt.u32 s8, $0xFFFFF086  }
0x1c: {  	p1 =	slt.u32 s9, $0xF7A;
	s5 =	simm.s32 @!p2 $0x0  }
0x1d: {  	s5 =	simm.s32 @p1 $0x1;
	p0 =	seq.s32 s7, s2  }
0x1e: {  	s7 =	smul.u32 @!p0 $0xF7A, s2;
	p2 =	seq.s32 @!p0 s5, $0x0  }
0x1f: {  	s9 =	smul.u32 $0xF7A, s1;
	s8 =	simm.s32 @!p0 $0x1BF5;
	p2 =	por !p2, p0  }
0x20: {  	[sflag:s8] =	ssyncset.s32 @!p0 $0xFFFFF086;
	s6 =	sadd.s32 @!p0 s3, s7;
	s7 =	simm.s32 @!p0 $0x108  }
0x21: {  	s3 =	sadd.s32 s3, s9;
	s6 =	sadd.s32 @!p0 $0x88, s6;
	s7 =	simm.s32 @p2 $0x1082  }
0x22: {  	[simem:s7], [sflag:s8] =	dma.local @!p0 [hbm:s6], $0xF7A  }
0x23: {  	s9 =	sor.u32 $0xD0000000, s2;
	s6 =	simm.s32 $0x108;
	_ =	swait.ge @!p0 [sflag:s8], $0x0  }
0x24: {  	s3 =	sadd.s32 $0x88, s3;
	s6 =	simm.s32 @!p1 $0x1082;
	[sflag:s4] =	ssyncset.s32 $0xFFFFF086  }
0x25: {  	[simem:s6], [sflag:s4] =	dma.local [hbm:s3], $0xF7A  }
0x26: {  	[smem:$0x3F9E] =	sst s1;
	(tag) =	ssettag s2;
	_ =	strace s9  }
0x27: {  	s1 =	sld [smem:$0x3FAE]  }
0x28: {  	s2 =	sld [smem:$0x3FAF]  }
0x29: {  	s4 =	sld [smem:$0x3FB1]  }
0x2a: {  	p0 =	seq.s32 s5, $0x0;
	s5 =	sld [smem:$0x3FB2]  }
0x2b: {  	s6 =	sld [smem:$0x3FB3]  }
0x2c: {  	s7 =	sld [smem:$0x3FB4]  }
0x2d: {  	s3 =	simm.s32 $0x108;
	s8 =	sld [smem:$0x3FB5]  }
0x2e: {  	s3 =	simm.s32 @!p0 $0x1082;
	s9 =	sld [smem:$0x3FB6]  }
0x2f: {  	lr =	sadd.s32 s0, s3;
	s0 =	sld [smem:$0x3FAD]  }
0x30: {  	s3 =	sld [smem:$0x3FB0]  }
0x31: {  	[smem:$0x3FB9] =	sst s10  }
0x32: {  	s10 =	sld [smem:$0x3FB7];
	_ =	sdelay $0x3  }
0x33: {  	p0 =	seq.s32 s10, $0x1;
	s10 =	sld [smem:$0x3FB9];
	_ =	sdelay $0x3  }
0x34: {  	[smem:$0x3FB9] =	sst s10  }
0x35: {  	s10 =	sld [smem:$0x3FB8];
	_ =	sdelay $0x3  }
0x36: {  	p1 =	seq.s32 s10, $0x1;
	s10 =	sld [smem:$0x3FB9];
	_ =	sdelay $0x3  }
0x37: {  	[smem:$0x3FB9] =	sst s10  }
0x38: {  	s10 =	sld [smem:$0x3FBA]  }
0x39: {  	_ = 	snop;
	(pc) =	sbr.ind lr, $3  }
0x3a: {  	_ = 	snop  }
0x3b: {  	_ = 	snop  }
0x3c: {  	p2 =	seq.s32 s10, $0x1;
	s10 =	sld [smem:$0x3FB9]  }
0x3d: {  	_ =	shalt  }
0x3e: {  	_ =	shalt  }
0x3f: {  	_ =	shalt  }
0x40: {  	_ =	shalt  }
0x41: {  	_ =	shalt  }
0x42: {  	_ =	shalt  }
0x43: {  	_ =	shalt  }
0x44: {  	_ =	shalt  }
0x45: {  	_ =	shalt  }
0x46: {  	_ =	shalt  }
0x47: {  	_ =	shalt  }
0x48: {  	_ =	shalt  }
0x49: {  	_ =	shalt  }
0x4a: {  	_ =	shalt  }
0x4b: {  	_ =	shalt  }
0x4c: {  	_ =	shalt  }
0x4d: {  	_ =	shalt  }
0x4e: {  	_ =	shalt  }
0x4f: {  	_ =	shalt  }
0x50: {  	_ =	shalt  }
0x51: {  	_ =	shalt  }
0x52: {  	_ =	shalt  }
0x53: {  	_ =	shalt  }
0x54: {  	_ =	shalt  }
0x55: {  	_ =	shalt  }
0x56: {  	_ =	shalt  }
0x57: {  	_ =	shalt  }
0x58: {  	_ =	shalt  }
0x59: {  	_ =	shalt  }
0x5a: {  	_ =	shalt  }
0x5b: {  	_ =	shalt  }
0x5c: {  	_ =	shalt  }
0x5d: {  	_ =	shalt  }
0x5e: {  	_ =	shalt  }
0x5f: {  	_ =	shalt  }
0x60: {  	_ =	shalt  }
0x61: {  	_ =	shalt  }
0x62: {  	_ =	shalt  }
0x63: {  	_ =	shalt  }
0x64: {  	_ =	shalt  }
0x65: {  	_ =	shalt  }
0x66: {  	_ =	shalt  }
0x67: {  	_ =	shalt  }
0x68: {  	_ =	shalt  }
0x69: {  	_ =	shalt  }
0x6a: {  	_ =	shalt  }
0x6b: {  	_ =	shalt  }
0x6c: {  	_ =	shalt  }
0x6d: {  	_ =	shalt  }
0x6e: {  	_ =	shalt  }
0x6f: {  	_ =	shalt  }
0x70: {  	_ =	shalt  }
0x71: {  	_ =	shalt  }
0x72: {  	_ =	shalt  }
0x73: {  	_ =	shalt  }
0x74: {  	_ =	shalt  }
0x75: {  	_ =	shalt  }
0x76: {  	_ =	shalt  }
0x77: {  	_ =	shalt  }
0x78: {  	_ =	shalt  }
0x79: {  	_ =	shalt  }
0x7a: {  	_ =	shalt  }
0x7b: {  	_ =	shalt  }
0x7c: {  	_ =	shalt  }
0x7d: {  	_ =	shalt  }
0x7e: {  	_ =	shalt  }
0x7f: {  	_ =	shalt  }
0x80: {  	_ =	shalt  }
0x81: {  	_ =	shalt  }
0x82: {  	_ =	shalt  }
0x83: {  	_ =	shalt  }
0x84: {  	_ =	shalt  }
0x85: {  	_ =	shalt  }
0x86: {  	_ =	shalt  }
0x87: {  	_ =	shalt  }
.Lfunc_end0:
.L_simem_size_0:
called_computation.2_lowered:
.L_overlay_start_0:
0x88: {  	s2 =	sld [smem:$0x3FD9]  }
0x89: {  	s3 =	sld [smem:$0x3FFE];
	_ =	sdelay $0x1  }
0x8a: {  	s1 =	srdreg.scid  }
0x8b: {  	s0 =	sand.u32 $0x1, s1  }
0x8c: {  	s17 =	sshll.u32 s0, $0xA;
	s2 =	sadd.s32 s3, s2  }
0x8d: {  	s2 =	sadd.s32 s2, s17  }
0x8e: {  	[smem:$0x3FC5] =	sst s2  }
0x8f: {  	_ = 	snop  }
0x90: {  	s2 =	sld [smem:$0x3FD0];
	(tm) =	ssettm $0x1  }
0x91: {  	s18 =	sld [smem:$0x3FFB];
	_ =	sdelay $0x3  }
0x92: {  	_ =	strace s18  }
0x93: {  	s3 =	sld [smem:$0x3FFC];
	_ =	sdelay $0x3  }
0x94: {  	_ =	strace s3  }
0x95: {  	s3 =	sld [smem:$0x3FFD];
	_ =	sdelay $0x3  }
0x96: {  	_ =	strace s3  }
0x97: {  	_ =	strace $0x8FFFFFFF  }
0x98: {  	s19 =	sld [smem:$0x3FDB];
	_ =	sdelay $0x1  }
0x99: {  	s4 =	simm.s32 $_scs_section_size  }
0x9a: {  	s5 =	simm.s32 $_size__tile_overlayer_lowered;
	s6 =	simm.s32 $_tile_overlayer_lowered  }
0x9b: {  	s22 =	simm.s32 $0x1BFF;
	s21 =	sshll.u32 s6, $0x1;
	s3 =	sadd.s32 s4, s19  }
0x9c: {  	s7 =	simm.s32 $0x0;
	s20 =	sshll.u32 s5, $0x1;
	s5 =	sadd.s32 s21, s3  }
0x9d: {  	[timem:s7], [sflag:s22] =	dma.local [hbm:s5], s20  }
0x9e: {  	_ =	swait.ge [sflag:s22], s20  }
0x9f: {  	s4 =	ssub.s32 $0x0, s20;
	[sflag:s22] =	ssyncset.done $0x0  }
0xa0: {  	[sflag:s22] =	ssyncadd.s32 s4;
	_ =	sdelay $0x1  }
0xa1: {  	s23 =	simm.s32 $0x1B8B  }
0xa2: {  	_ =	swait.ge [sflag:s23], $0x1  }
0xa3: {  	[sflag:s23] =	ssyncset.done $0x0  }
0xa4: {  	s25 =	simm.s32 $0x1B8E;
	s24 =	sld [smem:$0x3FFE];
	[sflag:s23] =	ssyncadd.s32 $0xFFFFFFFF  }
0xa5: {  	s26 =	simm.s32 $execute0_lowered;
	[smem:$0x3FD2] =	sst s25  }
0xa6: {  	s5 =	sshll.u32 s26, $0x1;
	_ =	strace $0x80000049;
	[dreg:$0x1] =	wrdreg $0xFFFFFFFF  }
0xa7: {  	s28 =	simm.s32 $_size_execute0_lowered;
	s3 =	sadd.s32 s3, s5;
	[dreg:$0x0] =	wrdreg $0x0  }
0xa8: {  	s5 =	sshll.u32 s28, $0x1;
	[dreg:$0x2] =	wrdreg s3  }
0xa9: {  	[dreg:$0x3] =	wrdreg s5  }
0xaa: {  	[dreg:$0x4] =	wrdreg $0xC0  }
0xab: {  	_ =	task [dreg:s7], $0x5FFFF  }
0xac: {  	[dreg:$0x1] =	wrdreg $0xFFFFFFFF  }
0xad: {  	[dreg:$0x0] =	wrdreg $0x60  }
0xae: {  	[dreg:$0x2] =	wrdreg s2  }
0xaf: {  	[dreg:$0x3] =	wrdreg s24  }
0xb0: {  	[dreg:$0x4] =	wrdreg $0x9  }
0xb1: {  	_ =	task.clear_ibuf [dreg:s7], $0x5FFFF;
	_ =	strace $0x90000049  }
0xb2: {  	s29 =	simm.s32 $0x9;
	_ =	strace $0x8000004B  }
0xb3: {  	_ =	swait.ge [sflag:s29], $0x1  }
0xb4: {  	[sflag:s29] =	ssyncadd.s32 $0xFFFFFFFF  }
0xb5: {  	_ =	strace $0x9000004B  }
0xb6: {  	_ =	sfence  }
0xb7: {  	s30 =	sld [smem:$0x0];
	_ =	sdelay $0x2  }
0xb8: {  	s31 =	sshll.u32 s1, $0xD;
	s1 =	sshrl.u32 s1, $0x2  }
0xb9: {  	s3 =	sand.u32 $0x4000, s31;
	s1 =	sadd.s32 s1, s30  }
0xba: {  	s0 =	sor.u32 s3, s0;
	s1 =	sshll.u32 s1, $0x11  }
0xbb: {  	s0 =	sor.u32 s1, s0  }
0xbc: {  	s0 =	sadd.s32 $0x8F2B, s0  }
0xbd: {  	[sflag:s0] =	ssyncadd.remote.s32 $0x1  }
0xbe: {  	_ =	sfence.sel $0xFFFF  }
0xbf: {  	[dreg:$0x0] =	wrdreg $0xFFFFFFFF;
	(pc) =	sbr.abs _section_cstart, $3  }
0xc0: {  	[dreg:$0x1] =	wrdreg $0xFFFFFFFF  }
0xc1: {  	_ =	task.clear_ibuf [dreg:s7], $0x2FFFF;
	_ =	strace $0x9FFFFFFF  }
0xc2: {  	(tm) =	ssettm $0x7FFFFFFF  }
0xc3: {  	_ =	shalt  }
tec
execute0_lowered:
.L_overlay_start_1:
0x0: {  	(tag) =	ssettag $0x1  }
0x1: {  	s1 =	rddreg [dreg:$0x0]  }
0x2: {  	s0 =	rddreg [dreg:$0x1];
	s3 =	simm.s32 $0x0  }
0x3: {  	s2 =	srdreg.scid;
	s20 =	stileid.u32;
	s19 =	simm.s32 $0x80  }
0x4: {  	s28 =	simm.s32 $0x280;
	s29 =	simm.s32 $0x2400;
	s30 =	simm.s32 $0x40  }
0x5: {  	s31 =	simm.s32 $0x6400;
	s17 =	simm.s32 $0x300;
	s8 =	simm.s32 $0x8  }
0x6: {  	s9 =	simm.s32 $0x0;
	[smem:$0x7FF] =	sst s3;
	s2 =	sand.u32 $0x1, s2  }
0x7: {  	s3 =	sshll.u32 s20, $0x8;
	s4 =	sadd.s32 $0xF43C00, s0;
	s21 =	sadd.s32 $0xF43400, s0  }
0x8: {  	s6 =	sadd.s32 $0x1000, s0;
	s20 =	simm.s32 $0x4400;
	_ =	strace $0x8000004A  }
0x9: {  	s5 =	sshll.u32 s2, $0x7;
	s2 =	ssub.s32 $0x2, s2;
	[dreg:$0x3] =	wrdreg s21  }
0xa: {  	s21 =	simm.s32 $0x7;
	s3 =	sor.u32 s5, s3;
	s22 =	sshrl.u32 s2, $0x1  }
0xb: {  	s5 =	simm.s32 $0x380;
	s7 =	sshrl.u32 s3, $0x3;
	s23 =	ssub.s32 s2, s22  }
0xc: {  	s11 =	sor.u32 $0x4000, s3;
	s12 =	sor.u32 $0x5000, s3;
	s24 =	sadd.s32 s1, s7  }
0xd: {  	s13 =	sor.u32 $0x6000, s3;
	s0 =	smax.u32 s23, $0x1;
	[dreg:$0x4] =	wrdreg s24  }
0xe: {  	s14 =	sor.u32 $0x7000, s3;
	s25 =	sadd.s32 $0x200, s24;
	[dreg:$0x8] =	wrdreg s0  }
0xf: {  	s15 =	smul.u32 $0x6400, s3;
	s26 =	sadd.s32 $0x400, s24;
	[dreg:$0x5] =	wrdreg s25  }
0x10: {  	s23 =	simm.s32 $0x4;
	s2 =	sadd.s32 $0x600, s24;
	[dreg:$0x6] =	wrdreg s26  }
0x11: {  	s24 =	simm.s32 $0x400;
	s0 =	simm.s32 $0x6;
	[dreg:$0x7] =	wrdreg s2  }
0x12: {  	s25 =	simm.s32 $0x5;
	s26 =	simm.s32 $0x2;
	s2 =	simm.s32 $0x3  }
.LBB2_1:
0x13: {  	[dreg:$0x9] =	wrdreg s9;
	s3 =	simm.s32 $0x0  }
0x14: {  	s7 =	rddreg [dreg:$0x3];
	s22 =	simm.s32 $0x8400;
	s9 =	simm.s32 $0xD  }
0x15: {  	[tilespmem:s22], [sflag:$0xD] =	stream.linear.gather [hbm4b:s7+s3], $0x3200, $0x38;
	[tilespmem:$0xB600] =	vst v63  }
0x16: {  	_ =	swait.ge [sflag:s9], $0x3200  }
0x17: {  	[sflag:s9] =	ssyncset.done $0x0  }
0x18: {  	s10 =	rddreg [dreg:$0x4];
	[sflag:s9] =	ssyncadd.s32 $0xFFFFCE00  }
0x19: {  	[tilespmem:s3], [sflag:$0x1] =	stream.linear.gather [hbm4b:s10+s3], $0x80, $0x38;
	[tilespmem:$0xB600] =	vst v63  }
0x1a: {  	s16 =	rddreg [dreg:$0x5]  }
0x1b: {  	[tilespmem:s19], [sflag:$0x2] =	stream.linear.gather [hbm4b:s16+s3], $0x80, $0x38;
	[tilespmem:$0xB600] =	vst v63  }
0x1c: {  	s22 =	simm.s32 $0x100;
	s18 =	rddreg [dreg:$0x6]  }
0x1d: {  	[tilespmem:s22], [sflag:$0x3] =	stream.linear.gather [hbm4b:s18+s3], $0x80, $0x38;
	[tilespmem:$0xB600] =	vst v63  }
0x1e: {  	s10 =	rddreg [dreg:$0x7];
	s16 =	simm.s32 $0x180;
	s18 =	simm.s32 $0x1  }
0x1f: {  	[tilespmem:s16], [sflag:$0x4] =	stream.linear.gather [hbm4b:s10+s3], $0x80, $0x38;
	[tilespmem:$0xB600] =	vst v63  }
0x20: {  	_ =	swait.ge [sflag:s18], $0x80  }
0x21: {  	[sflag:s18] =	ssyncset.done $0x0  }
0x22: {  	[sflag:s18] =	ssyncadd.s32 $0xFFFFFF80  }
0x23: {  	v0 =	vld [tilespmem:$0x0]  }
0x24: {  	v1 =	vld [tilespmem:$0x10]  }
0x25: {  	v2 =	vld [tilespmem:$0x20]  }
0x26: {  	v3 =	vld [tilespmem:$0x30]  }
0x27: {  	v4 =	vld [tilespmem:$0x40]  }
0x28: {  	v5 =	vld [tilespmem:$0x50];
	v0 =	vshll.u32 v0, $0x1  }
0x29: {  	v56 =	vld [tilespmem:$0x60];
	v55 =	vshll.u32 v1, $0x1;
	[tilespmem:$0x200] =	vst v0  }
0x2a: {  	v58 =	vld [tilespmem:$0x70];
	v57 =	vshll.u32 v2, $0x1;
	[tilespmem:$0x210] =	vst v55  }
0x2b: {  	v59 =	vshll.u32 v3, $0x1;
	[tilespmem:$0x220] =	vst v57  }
0x2c: {  	v60 =	vshll.u32 v4, $0x1;
	[tilespmem:$0x230] =	vst v59  }
0x2d: {  	v61 =	vshll.u32 v5, $0x1;
	[tilespmem:$0x240] =	vst v60  }
0x2e: {  	v62 =	vshll.u32 v56, $0x1;
	[tilespmem:$0x250] =	vst v61  }
0x2f: {  	v63 =	vshll.u32 v58, $0x1;
	[tilespmem:$0x260] =	vst v62  }
0x30: {  	s22 =	simm.s32 $0x200;
	[tilespmem:$0x270] =	vst v63  }
0x31: {  	[tilespmem:s24], [sflag:$0x5] =	stream.indirect.gather [hbm4b:s4+s19], $0x40, s22, s19, $0xb8;
	[tilespmem:$0xB600] =	vst v63  }
0x32: {  	s22 =	simm.s32 $0x0  }
.LBB2_2:
0x33: {  	p0 =	seq.s32 s22, $0x31  }
0x34: {  	s9 =	sshll.u32 @!p0 s22, $0xE  }
0x35: {  	_ =	swait.ge [sflag:s25], $0x2000;
	s3 =	sadd.s32 @!p0 s11, s9  }
0x36: {  	[sflag:s25] =	ssyncset.done $0x0;
	s3 =	sshrl.u32 @!p0 s3, $0x3  }
0x37: {  	s7 =	simm.s32 @!p0 $0x0;
	[sflag:s25] =	ssyncadd.s32 $0xFFFFE000;
	s3 =	sadd.s32 @!p0 s1, s3  }
0x38: {  	[tilespmem:s7], [sflag:$0x1] =	stream.linear.gather @!p0 [hbm4b:s3+s7], $0x80, $0x38;
	[tilespmem:$0xB600] =	vst v63  }
0x39: {  	_ =	swait.ge [sflag:s26], $0x80  }
0x3a: {  	[sflag:s26] =	ssyncset.done $0x0  }
0x3b: {  	[sflag:s26] =	ssyncadd.s32 $0xFFFFFF80  }
0x3c: {  	v0 =	vld [tilespmem:$0x80]  }
0x3d: {  	v1 =	vld [tilespmem:$0x90]  }
0x3e: {  	v2 =	vld [tilespmem:$0xA0]  }
0x3f: {  	v3 =	vld [tilespmem:$0xB0]  }
0x40: {  	v4 =	vld [tilespmem:$0xC0]  }
0x41: {  	v5 =	vld [tilespmem:$0xD0];
	v0 =	vshll.u32 v0, $0x1  }
0x42: {  	[tilespmem:$0x280] =	vst v0;
	v0 =	vshll.u32 v1, $0x1;
	v1 =	vld [tilespmem:$0xE0]  }
0x43: {  	[tilespmem:$0x290] =	vst v0;
	v0 =	vshll.u32 v2, $0x1;
	v2 =	vld [tilespmem:$0xF0]  }
0x44: {  	[tilespmem:$0x2A0] =	vst v0;
	v0 =	vshll.u32 v3, $0x1  }
0x45: {  	[tilespmem:$0x2B0] =	vst v0;
	v0 =	vshll.u32 v4, $0x1  }
0x46: {  	[tilespmem:$0x2C0] =	vst v0;
	v0 =	vshll.u32 v5, $0x1  }
0x47: {  	[tilespmem:$0x2D0] =	vst v0;
	v0 =	vshll.u32 v1, $0x1  }
0x48: {  	p1 =	seq.s32 s22, $0x0;
	[tilespmem:$0x2E0] =	vst v0;
	v0 =	vshll.u32 v2, $0x1  }
0x49: {  	s3 =	simm.s32 @!p1 $0xA;
	[tilespmem:$0x2F0] =	vst v0  }
0x4a: {  	_ =	swait.ge @!p1 [sflag:s3], $0x2000  }
0x4b: {  	s18 =	sshll.u32 s22, $0x8;
	[sflag:s3] =	ssyncset.done @!p1 $0x0  }
0x4c: {  	[sflag:s3] =	ssyncadd.s32 @!p1 $0xFFFFE000;
	s3 =	sand.u32 $0x3FFFFF00, s18  }
0x4d: {  	[tilespmem:s29], [sflag:$0x6] =	stream.indirect.gather [hbm4b:s4+s19], $0x40, s28, s19, $0xb8;
	[tilespmem:$0xB600] =	vst v63  }
0x4e: {  	v1 =	vld [tilespmem:s3+$0x8400]  }
0x4f: {  	v2 =	vld [tilespmem:s3+$0x8430]  }
0x50: {  	v3 =	vld [tilespmem:s3+$0x8420]  }
0x51: {  	v0 =	vld [tilespmem:s3+$0x8410]  }
0x52: {  	s7 =	simm.s32 $0x400  }
0x53: {  	[tilespmem:s7+$0x0] =	vst.add.f32.msk $0xffff, v1  }
0x54: {  	[tilespmem:s7+$0x1F0] =	vst.add.f32.msk $0xffff, v2  }
0x55: {  	[tilespmem:s7+$0x1E0] =	vst.add.f32.msk $0xffff, v3  }
0x56: {  	[tilespmem:s7+$0x1D0] =	vst.add.f32.msk $0xffff, v0  }
0x57: {  	[tilespmem:s7+$0x1C0] =	vst.add.f32.msk $0xffff, v1  }
0x58: {  	[tilespmem:s7+$0x1B0] =	vst.add.f32.msk $0xffff, v2  }
0x59: {  	[tilespmem:s7+$0x1A0] =	vst.add.f32.msk $0xffff, v3  }
0x5a: {  	[tilespmem:s7+$0x190] =	vst.add.f32.msk $0xffff, v0  }
0x5b: {  	[tilespmem:s7+$0x180] =	vst.add.f32.msk $0xffff, v1  }
0x5c: {  	[tilespmem:s7+$0x170] =	vst.add.f32.msk $0xffff, v2  }
0x5d: {  	[tilespmem:s7+$0x160] =	vst.add.f32.msk $0xffff, v3  }
0x5e: {  	[tilespmem:s7+$0x150] =	vst.add.f32.msk $0xffff, v0  }
0x5f: {  	[tilespmem:s7+$0x140] =	vst.add.f32.msk $0xffff, v1  }
0x60: {  	[tilespmem:s7+$0x130] =	vst.add.f32.msk $0xffff, v2  }
0x61: {  	[tilespmem:s7+$0x120] =	vst.add.f32.msk $0xffff, v3  }
0x62: {  	[tilespmem:s7+$0x110] =	vst.add.f32.msk $0xffff, v0  }
0x63: {  	[tilespmem:s7+$0x100] =	vst.add.f32.msk $0xffff, v1  }
0x64: {  	[tilespmem:s7+$0xF0] =	vst.add.f32.msk $0xffff, v2  }
0x65: {  	[tilespmem:s7+$0xE0] =	vst.add.f32.msk $0xffff, v3  }
0x66: {  	[tilespmem:s7+$0xD0] =	vst.add.f32.msk $0xffff, v0  }
0x67: {  	[tilespmem:s7+$0xC0] =	vst.add.f32.msk $0xffff, v1  }
0x68: {  	[tilespmem:s7+$0xB0] =	vst.add.f32.msk $0xffff, v2  }
0x69: {  	[tilespmem:s7+$0xA0] =	vst.add.f32.msk $0xffff, v3  }
0x6a: {  	[tilespmem:s7+$0x90] =	vst.add.f32.msk $0xffff, v0  }
0x6b: {  	[tilespmem:s7+$0x80] =	vst.add.f32.msk $0xffff, v1  }
0x6c: {  	[tilespmem:s7+$0x70] =	vst.add.f32.msk $0xffff, v2  }
0x6d: {  	[tilespmem:s7+$0x60] =	vst.add.f32.msk $0xffff, v3  }
0x6e: {  	[tilespmem:s7+$0x50] =	vst.add.f32.msk $0xffff, v0  }
0x6f: {  	[tilespmem:s7+$0x40] =	vst.add.f32.msk $0xffff, v1  }
0x70: {  	s10 =	sshll.u32 s22, $0x2;
	[tilespmem:s7+$0x30] =	vst.add.f32.msk $0xffff, v2  }
0x71: {  	s16 =	sor.u32 $0x1, s10;
	s3 =	simm.s32 $0x0;
	[tilespmem:s7+$0x20] =	vst.add.f32.msk $0xffff, v3  }
.LBB2_3:
0x72: {  	s3 =	sadd.s32 $0x8, s3;
	[tilespmem:s7+$0x10] =	vst.add.f32.msk $0xffff, v0;
	s7 =	sadd.s32 $0x200, s7  }
0x73: {  	[tilespmem:s7+$0x0] =	vst.add.f32.msk $0xffff, v1;
	p2 =	slt.u32 s3, $0x78  }
0x74: {  	[tilespmem:s7+$0x1F0] =	vst.add.f32.msk $0xffff, v2  }
0x75: {  	[tilespmem:s7+$0x1E0] =	vst.add.f32.msk $0xffff, v3  }
0x76: {  	[tilespmem:s7+$0x1D0] =	vst.add.f32.msk $0xffff, v0  }
0x77: {  	[tilespmem:s7+$0x1C0] =	vst.add.f32.msk $0xffff, v1  }
0x78: {  	[tilespmem:s7+$0x1B0] =	vst.add.f32.msk $0xffff, v2  }
0x79: {  	[tilespmem:s7+$0x1A0] =	vst.add.f32.msk $0xffff, v3  }
0x7a: {  	[tilespmem:s7+$0x190] =	vst.add.f32.msk $0xffff, v0  }
0x7b: {  	[tilespmem:s7+$0x180] =	vst.add.f32.msk $0xffff, v1  }
0x7c: {  	[tilespmem:s7+$0x170] =	vst.add.f32.msk $0xffff, v2  }
0x7d: {  	[tilespmem:s7+$0x160] =	vst.add.f32.msk $0xffff, v3  }
0x7e: {  	[tilespmem:s7+$0x150] =	vst.add.f32.msk $0xffff, v0  }
0x7f: {  	[tilespmem:s7+$0x140] =	vst.add.f32.msk $0xffff, v1  }
0x80: {  	[tilespmem:s7+$0x130] =	vst.add.f32.msk $0xffff, v2  }
0x81: {  	[tilespmem:s7+$0x120] =	vst.add.f32.msk $0xffff, v3  }
0x82: {  	[tilespmem:s7+$0x110] =	vst.add.f32.msk $0xffff, v0  }
0x83: {  	[tilespmem:s7+$0x100] =	vst.add.f32.msk $0xffff, v1  }
0x84: {  	[tilespmem:s7+$0xF0] =	vst.add.f32.msk $0xffff, v2  }
0x85: {  	[tilespmem:s7+$0xE0] =	vst.add.f32.msk $0xffff, v3  }
0x86: {  	[tilespmem:s7+$0xD0] =	vst.add.f32.msk $0xffff, v0  }
0x87: {  	[tilespmem:s7+$0xC0] =	vst.add.f32.msk $0xffff, v1  }
0x88: {  	[tilespmem:s7+$0xB0] =	vst.add.f32.msk $0xffff, v2  }
0x89: {  	[tilespmem:s7+$0xA0] =	vst.add.f32.msk $0xffff, v3  }
0x8a: {  	[tilespmem:s7+$0x90] =	vst.add.f32.msk $0xffff, v0  }
0x8b: {  	[tilespmem:s7+$0x80] =	vst.add.f32.msk $0xffff, v1  }
0x8c: {  	[tilespmem:s7+$0x70] =	vst.add.f32.msk $0xffff, v2  }
.Ltmp0:
0x8d: {  	[tilespmem:s7+$0x60] =	vst.add.f32.msk $0xffff, v3;
	(pc) =	sbr.rel @p2 .LBB2_3-.Ltmp0, $4  }
0x8e: {  	[tilespmem:s7+$0x50] =	vst.add.f32.msk $0xffff, v0  }
0x8f: {  	[tilespmem:s7+$0x40] =	vst.add.f32.msk $0xffff, v1  }
0x90: {  	[tilespmem:s7+$0x30] =	vst.add.f32.msk $0xffff, v2  }
0x91: {  	[tilespmem:s7+$0x20] =	vst.add.f32.msk $0xffff, v3  }
0x92: {  	s3 =	sshll.u32 s22, $0x9  }
0x93: {  	s3 =	sadd.s32 s15, s3  }
0x94: {  	s3 =	sshrl.u32 s3, $0x3  }
0x95: {  	[tilespmem:s7+$0x10] =	vst.add.f32.msk $0xffff, v0;
	s3 =	sadd.s32 s6, s3  }
0x96: {  	[hbm4b:s3+s30] =	stream.strided.scatter [tilespmem:s24], [sflag:$0x9], $0x2000, s31, s30, $0x38;
	[tilespmem:$0xB600] =	vst v63  }
0x97: {  	s3 =	sadd.s32 @!p0 s12, s9;
	_ =	swait.ge [sflag:s0], $0x2000  }
0x98: {  	s7 =	simm.s32 @!p0 $0x0;
	s3 =	sshrl.u32 @!p0 s3, $0x3;
	[sflag:s0] =	ssyncset.done $0x0  }
0x99: {  	s18 =	simm.s32 @!p0 $0x80;
	s3 =	sadd.s32 @!p0 s1, s3;
	[sflag:s0] =	ssyncadd.s32 $0xFFFFE000  }
0x9a: {  	[tilespmem:s18], [sflag:$0x2] =	stream.linear.gather @!p0 [hbm4b:s3+s7], $0x80, $0x38;
	[tilespmem:$0xB600] =	vst v63  }
0x9b: {  	_ =	swait.ge [sflag:s2], $0x80  }
0x9c: {  	[sflag:s2] =	ssyncset.done $0x0  }
0x9d: {  	[sflag:s2] =	ssyncadd.s32 $0xFFFFFF80  }
0x9e: {  	v0 =	vld [tilespmem:$0x100]  }
0x9f: {  	v1 =	vld [tilespmem:$0x110]  }
0xa0: {  	v2 =	vld [tilespmem:$0x120]  }
0xa1: {  	v3 =	vld [tilespmem:$0x130]  }
0xa2: {  	v4 =	vld [tilespmem:$0x140]  }
0xa3: {  	v5 =	vld [tilespmem:$0x150];
	v0 =	vshll.u32 v0, $0x1  }
0xa4: {  	[tilespmem:$0x300] =	vst v0;
	v0 =	vshll.u32 v1, $0x1;
	v1 =	vld [tilespmem:$0x160]  }
0xa5: {  	[tilespmem:$0x310] =	vst v0;
	v0 =	vshll.u32 v2, $0x1;
	v2 =	vld [tilespmem:$0x170]  }
0xa6: {  	[tilespmem:$0x320] =	vst v0;
	v0 =	vshll.u32 v3, $0x1  }
0xa7: {  	[tilespmem:$0x330] =	vst v0;
	v0 =	vshll.u32 v4, $0x1  }
0xa8: {  	[tilespmem:$0x340] =	vst v0;
	v0 =	vshll.u32 v5, $0x1  }
0xa9: {  	[tilespmem:$0x350] =	vst v0;
	v0 =	vshll.u32 v1, $0x1  }
0xaa: {  	[tilespmem:$0x360] =	vst v0;
	v0 =	vshll.u32 v2, $0x1  }
0xab: {  	s3 =	simm.s32 @!p1 $0xB;
	[tilespmem:$0x370] =	vst v0  }
0xac: {  	_ =	swait.ge @!p1 [sflag:s3], $0x2000  }
0xad: {  	s18 =	sshll.u32 s16, $0x6;
	[sflag:s3] =	ssyncset.done @!p1 $0x0  }
0xae: {  	[sflag:s3] =	ssyncadd.s32 @!p1 $0xFFFFE000;
	s3 =	sand.u32 $0x3FFFFFC0, s18  }
0xaf: {  	[tilespmem:s20], [sflag:$0x7] =	stream.indirect.gather [hbm4b:s4+s19], $0x40, s17, s19, $0xb8;
	[tilespmem:$0xB600] =	vst v63  }
0xb0: {  	v1 =	vld [tilespmem:s3+$0x8400]  }
0xb1: {  	v2 =	vld [tilespmem:s3+$0x8430]  }
0xb2: {  	v3 =	vld [tilespmem:s3+$0x8420]  }
0xb3: {  	v0 =	vld [tilespmem:s3+$0x8410]  }
0xb4: {  	s3 =	simm.s32 $0x2400  }
0xb5: {  	[tilespmem:s3+$0x0] =	vst.add.f32.msk $0xffff, v1  }
0xb6: {  	[tilespmem:s3+$0x1F0] =	vst.add.f32.msk $0xffff, v2  }
0xb7: {  	[tilespmem:s3+$0x1E0] =	vst.add.f32.msk $0xffff, v3  }
0xb8: {  	[tilespmem:s3+$0x1D0] =	vst.add.f32.msk $0xffff, v0  }
0xb9: {  	[tilespmem:s3+$0x1C0] =	vst.add.f32.msk $0xffff, v1  }
0xba: {  	[tilespmem:s3+$0x1B0] =	vst.add.f32.msk $0xffff, v2  }
0xbb: {  	[tilespmem:s3+$0x1A0] =	vst.add.f32.msk $0xffff, v3  }
0xbc: {  	[tilespmem:s3+$0x190] =	vst.add.f32.msk $0xffff, v0  }
0xbd: {  	[tilespmem:s3+$0x180] =	vst.add.f32.msk $0xffff, v1  }
0xbe: {  	[tilespmem:s3+$0x170] =	vst.add.f32.msk $0xffff, v2  }
0xbf: {  	[tilespmem:s3+$0x160] =	vst.add.f32.msk $0xffff, v3  }
0xc0: {  	[tilespmem:s3+$0x150] =	vst.add.f32.msk $0xffff, v0  }
0xc1: {  	[tilespmem:s3+$0x140] =	vst.add.f32.msk $0xffff, v1  }
0xc2: {  	[tilespmem:s3+$0x130] =	vst.add.f32.msk $0xffff, v2  }
0xc3: {  	[tilespmem:s3+$0x120] =	vst.add.f32.msk $0xffff, v3  }
0xc4: {  	[tilespmem:s3+$0x110] =	vst.add.f32.msk $0xffff, v0  }
0xc5: {  	[tilespmem:s3+$0x100] =	vst.add.f32.msk $0xffff, v1  }
0xc6: {  	[tilespmem:s3+$0xF0] =	vst.add.f32.msk $0xffff, v2  }
0xc7: {  	[tilespmem:s3+$0xE0] =	vst.add.f32.msk $0xffff, v3  }
0xc8: {  	[tilespmem:s3+$0xD0] =	vst.add.f32.msk $0xffff, v0  }
0xc9: {  	[tilespmem:s3+$0xC0] =	vst.add.f32.msk $0xffff, v1  }
0xca: {  	[tilespmem:s3+$0xB0] =	vst.add.f32.msk $0xffff, v2  }
0xcb: {  	[tilespmem:s3+$0xA0] =	vst.add.f32.msk $0xffff, v3  }
0xcc: {  	[tilespmem:s3+$0x90] =	vst.add.f32.msk $0xffff, v0  }
0xcd: {  	[tilespmem:s3+$0x80] =	vst.add.f32.msk $0xffff, v1  }
0xce: {  	[tilespmem:s3+$0x70] =	vst.add.f32.msk $0xffff, v2  }
0xcf: {  	[tilespmem:s3+$0x60] =	vst.add.f32.msk $0xffff, v3  }
0xd0: {  	[tilespmem:s3+$0x50] =	vst.add.f32.msk $0xffff, v0  }
0xd1: {  	[tilespmem:s3+$0x40] =	vst.add.f32.msk $0xffff, v1  }
0xd2: {  	[tilespmem:s3+$0x30] =	vst.add.f32.msk $0xffff, v2  }
0xd3: {  	s7 =	sor.u32 $0x2, s10;
	s18 =	simm.s32 $0x0;
	[tilespmem:s3+$0x20] =	vst.add.f32.msk $0xffff, v3  }
.LBB2_5:
0xd4: {  	s18 =	sadd.s32 $0x8, s18;
	[tilespmem:s3+$0x10] =	vst.add.f32.msk $0xffff, v0;
	s3 =	sadd.s32 $0x200, s3  }
0xd5: {  	[tilespmem:s3+$0x0] =	vst.add.f32.msk $0xffff, v1;
	p2 =	slt.u32 s18, $0x78  }
0xd6: {  	[tilespmem:s3+$0x1F0] =	vst.add.f32.msk $0xffff, v2  }
0xd7: {  	[tilespmem:s3+$0x1E0] =	vst.add.f32.msk $0xffff, v3  }
0xd8: {  	[tilespmem:s3+$0x1D0] =	vst.add.f32.msk $0xffff, v0  }
0xd9: {  	[tilespmem:s3+$0x1C0] =	vst.add.f32.msk $0xffff, v1  }
0xda: {  	[tilespmem:s3+$0x1B0] =	vst.add.f32.msk $0xffff, v2  }
0xdb: {  	[tilespmem:s3+$0x1A0] =	vst.add.f32.msk $0xffff, v3  }
0xdc: {  	[tilespmem:s3+$0x190] =	vst.add.f32.msk $0xffff, v0  }
0xdd: {  	[tilespmem:s3+$0x180] =	vst.add.f32.msk $0xffff, v1  }
0xde: {  	[tilespmem:s3+$0x170] =	vst.add.f32.msk $0xffff, v2  }
0xdf: {  	[tilespmem:s3+$0x160] =	vst.add.f32.msk $0xffff, v3  }
0xe0: {  	[tilespmem:s3+$0x150] =	vst.add.f32.msk $0xffff, v0  }
0xe1: {  	[tilespmem:s3+$0x140] =	vst.add.f32.msk $0xffff, v1  }
0xe2: {  	[tilespmem:s3+$0x130] =	vst.add.f32.msk $0xffff, v2  }
0xe3: {  	[tilespmem:s3+$0x120] =	vst.add.f32.msk $0xffff, v3  }
0xe4: {  	[tilespmem:s3+$0x110] =	vst.add.f32.msk $0xffff, v0  }
0xe5: {  	[tilespmem:s3+$0x100] =	vst.add.f32.msk $0xffff, v1  }
0xe6: {  	[tilespmem:s3+$0xF0] =	vst.add.f32.msk $0xffff, v2  }
0xe7: {  	[tilespmem:s3+$0xE0] =	vst.add.f32.msk $0xffff, v3  }
0xe8: {  	[tilespmem:s3+$0xD0] =	vst.add.f32.msk $0xffff, v0  }
0xe9: {  	[tilespmem:s3+$0xC0] =	vst.add.f32.msk $0xffff, v1  }
0xea: {  	[tilespmem:s3+$0xB0] =	vst.add.f32.msk $0xffff, v2  }
0xeb: {  	[tilespmem:s3+$0xA0] =	vst.add.f32.msk $0xffff, v3  }
0xec: {  	[tilespmem:s3+$0x90] =	vst.add.f32.msk $0xffff, v0  }
0xed: {  	[tilespmem:s3+$0x80] =	vst.add.f32.msk $0xffff, v1  }
0xee: {  	[tilespmem:s3+$0x70] =	vst.add.f32.msk $0xffff, v2  }
.Ltmp1:
0xef: {  	[tilespmem:s3+$0x60] =	vst.add.f32.msk $0xffff, v3;
	(pc) =	sbr.rel @p2 .LBB2_5-.Ltmp1, $4  }
0xf0: {  	[tilespmem:s3+$0x50] =	vst.add.f32.msk $0xffff, v0  }
0xf1: {  	[tilespmem:s3+$0x40] =	vst.add.f32.msk $0xffff, v1  }
0xf2: {  	[tilespmem:s3+$0x30] =	vst.add.f32.msk $0xffff, v2  }
0xf3: {  	[tilespmem:s3+$0x20] =	vst.add.f32.msk $0xffff, v3  }
0xf4: {  	s16 =	sshll.u32 s16, $0x7  }
0xf5: {  	s16 =	sadd.s32 s15, s16  }
0xf6: {  	s16 =	sshrl.u32 s16, $0x3  }
0xf7: {  	[tilespmem:s3+$0x10] =	vst.add.f32.msk $0xffff, v0;
	s16 =	sadd.s32 s6, s16  }
0xf8: {  	[hbm4b:s16+s30] =	stream.strided.scatter [tilespmem:s29], [sflag:$0xA], $0x2000, s31, s30, $0x38;
	[tilespmem:$0xB600] =	vst v63  }
0xf9: {  	s3 =	sadd.s32 @!p0 s13, s9;
	_ =	swait.ge [sflag:s21], $0x2000  }
0xfa: {  	s18 =	simm.s32 @!p0 $0x100;
	s3 =	sshrl.u32 @!p0 s3, $0x3;
	[sflag:s21] =	ssyncset.done $0x0  }
0xfb: {  	s3 =	sadd.s32 @!p0 s1, s3;
	s16 =	simm.s32 @!p0 $0x0;
	[sflag:s21] =	ssyncadd.s32 $0xFFFFE000  }
0xfc: {  	[tilespmem:s18], [sflag:$0x3] =	stream.linear.gather @!p0 [hbm4b:s3+s16], $0x80, $0x38;
	[tilespmem:$0xB600] =	vst v63  }
0xfd: {  	_ =	swait.ge [sflag:s23], $0x80  }
0xfe: {  	[sflag:s23] =	ssyncset.done $0x0  }
0xff: {  	[sflag:s23] =	ssyncadd.s32 $0xFFFFFF80  }
0x100: {  	v0 =	vld [tilespmem:$0x180]  }
0x101: {  	v1 =	vld [tilespmem:$0x190]  }
0x102: {  	v2 =	vld [tilespmem:$0x1A0]  }
0x103: {  	v3 =	vld [tilespmem:$0x1B0]  }
0x104: {  	v4 =	vld [tilespmem:$0x1C0]  }
0x105: {  	v5 =	vld [tilespmem:$0x1D0];
	v0 =	vshll.u32 v0, $0x1  }
0x106: {  	[tilespmem:$0x380] =	vst v0;
	v0 =	vshll.u32 v1, $0x1;
	v1 =	vld [tilespmem:$0x1E0]  }
0x107: {  	[tilespmem:$0x390] =	vst v0;
	v0 =	vshll.u32 v2, $0x1;
	v2 =	vld [tilespmem:$0x1F0]  }
0x108: {  	[tilespmem:$0x3A0] =	vst v0;
	v0 =	vshll.u32 v3, $0x1  }
0x109: {  	[tilespmem:$0x3B0] =	vst v0;
	v0 =	vshll.u32 v4, $0x1  }
0x10a: {  	[tilespmem:$0x3C0] =	vst v0;
	v0 =	vshll.u32 v5, $0x1  }
0x10b: {  	[tilespmem:$0x3D0] =	vst v0;
	v0 =	vshll.u32 v1, $0x1  }
0x10c: {  	[tilespmem:$0x3E0] =	vst v0;
	v0 =	vshll.u32 v2, $0x1  }
0x10d: {  	s3 =	simm.s32 @!p1 $0xC;
	[tilespmem:$0x3F0] =	vst v0  }
0x10e: {  	_ =	swait.ge @!p1 [sflag:s3], $0x2000  }
0x10f: {  	s18 =	sshll.u32 s7, $0x6;
	[sflag:s3] =	ssyncset.done @!p1 $0x0  }
0x110: {  	[sflag:s3] =	ssyncadd.s32 @!p1 $0xFFFFE000;
	s3 =	sand.u32 $0x3FFFFFC0, s18  }
0x111: {  	[tilespmem:s31], [sflag:$0x8] =	stream.indirect.gather [hbm4b:s4+s19], $0x40, s5, s19, $0xb8;
	[tilespmem:$0xB600] =	vst v63  }
0x112: {  	v1 =	vld [tilespmem:s3+$0x8400]  }
0x113: {  	v2 =	vld [tilespmem:s3+$0x8430]  }
0x114: {  	v3 =	vld [tilespmem:s3+$0x8420]  }
0x115: {  	v0 =	vld [tilespmem:s3+$0x8410]  }
0x116: {  	s3 =	simm.s32 $0x4400  }
0x117: {  	[tilespmem:s3+$0x0] =	vst.add.f32.msk $0xffff, v1  }
0x118: {  	[tilespmem:s3+$0x1F0] =	vst.add.f32.msk $0xffff, v2  }
0x119: {  	[tilespmem:s3+$0x1E0] =	vst.add.f32.msk $0xffff, v3  }
0x11a: {  	[tilespmem:s3+$0x1D0] =	vst.add.f32.msk $0xffff, v0  }
0x11b: {  	[tilespmem:s3+$0x1C0] =	vst.add.f32.msk $0xffff, v1  }
0x11c: {  	[tilespmem:s3+$0x1B0] =	vst.add.f32.msk $0xffff, v2  }
0x11d: {  	[tilespmem:s3+$0x1A0] =	vst.add.f32.msk $0xffff, v3  }
0x11e: {  	[tilespmem:s3+$0x190] =	vst.add.f32.msk $0xffff, v0  }
0x11f: {  	[tilespmem:s3+$0x180] =	vst.add.f32.msk $0xffff, v1  }
0x120: {  	[tilespmem:s3+$0x170] =	vst.add.f32.msk $0xffff, v2  }
0x121: {  	[tilespmem:s3+$0x160] =	vst.add.f32.msk $0xffff, v3  }
0x122: {  	[tilespmem:s3+$0x150] =	vst.add.f32.msk $0xffff, v0  }
0x123: {  	[tilespmem:s3+$0x140] =	vst.add.f32.msk $0xffff, v1  }
0x124: {  	[tilespmem:s3+$0x130] =	vst.add.f32.msk $0xffff, v2  }
0x125: {  	[tilespmem:s3+$0x120] =	vst.add.f32.msk $0xffff, v3  }
0x126: {  	[tilespmem:s3+$0x110] =	vst.add.f32.msk $0xffff, v0  }
0x127: {  	[tilespmem:s3+$0x100] =	vst.add.f32.msk $0xffff, v1  }
0x128: {  	[tilespmem:s3+$0xF0] =	vst.add.f32.msk $0xffff, v2  }
0x129: {  	[tilespmem:s3+$0xE0] =	vst.add.f32.msk $0xffff, v3  }
0x12a: {  	[tilespmem:s3+$0xD0] =	vst.add.f32.msk $0xffff, v0  }
0x12b: {  	[tilespmem:s3+$0xC0] =	vst.add.f32.msk $0xffff, v1  }
0x12c: {  	[tilespmem:s3+$0xB0] =	vst.add.f32.msk $0xffff, v2  }
0x12d: {  	[tilespmem:s3+$0xA0] =	vst.add.f32.msk $0xffff, v3  }
0x12e: {  	[tilespmem:s3+$0x90] =	vst.add.f32.msk $0xffff, v0  }
0x12f: {  	[tilespmem:s3+$0x80] =	vst.add.f32.msk $0xffff, v1  }
0x130: {  	[tilespmem:s3+$0x70] =	vst.add.f32.msk $0xffff, v2  }
0x131: {  	[tilespmem:s3+$0x60] =	vst.add.f32.msk $0xffff, v3  }
0x132: {  	[tilespmem:s3+$0x50] =	vst.add.f32.msk $0xffff, v0  }
0x133: {  	[tilespmem:s3+$0x40] =	vst.add.f32.msk $0xffff, v1  }
0x134: {  	[tilespmem:s3+$0x30] =	vst.add.f32.msk $0xffff, v2  }
0x135: {  	s10 =	sor.u32 $0x3, s10;
	s16 =	simm.s32 $0x0;
	[tilespmem:s3+$0x20] =	vst.add.f32.msk $0xffff, v3  }
.LBB2_7:
0x136: {  	s16 =	sadd.s32 $0x8, s16;
	[tilespmem:s3+$0x10] =	vst.add.f32.msk $0xffff, v0;
	s3 =	sadd.s32 $0x200, s3  }
0x137: {  	[tilespmem:s3+$0x0] =	vst.add.f32.msk $0xffff, v1;
	p1 =	slt.u32 s16, $0x78  }
0x138: {  	[tilespmem:s3+$0x1F0] =	vst.add.f32.msk $0xffff, v2  }
0x139: {  	[tilespmem:s3+$0x1E0] =	vst.add.f32.msk $0xffff, v3  }
0x13a: {  	[tilespmem:s3+$0x1D0] =	vst.add.f32.msk $0xffff, v0  }
0x13b: {  	[tilespmem:s3+$0x1C0] =	vst.add.f32.msk $0xffff, v1  }
0x13c: {  	[tilespmem:s3+$0x1B0] =	vst.add.f32.msk $0xffff, v2  }
0x13d: {  	[tilespmem:s3+$0x1A0] =	vst.add.f32.msk $0xffff, v3  }
0x13e: {  	[tilespmem:s3+$0x190] =	vst.add.f32.msk $0xffff, v0  }
0x13f: {  	[tilespmem:s3+$0x180] =	vst.add.f32.msk $0xffff, v1  }
0x140: {  	[tilespmem:s3+$0x170] =	vst.add.f32.msk $0xffff, v2  }
0x141: {  	[tilespmem:s3+$0x160] =	vst.add.f32.msk $0xffff, v3  }
0x142: {  	[tilespmem:s3+$0x150] =	vst.add.f32.msk $0xffff, v0  }
0x143: {  	[tilespmem:s3+$0x140] =	vst.add.f32.msk $0xffff, v1  }
0x144: {  	[tilespmem:s3+$0x130] =	vst.add.f32.msk $0xffff, v2  }
0x145: {  	[tilespmem:s3+$0x120] =	vst.add.f32.msk $0xffff, v3  }
0x146: {  	[tilespmem:s3+$0x110] =	vst.add.f32.msk $0xffff, v0  }
0x147: {  	[tilespmem:s3+$0x100] =	vst.add.f32.msk $0xffff, v1  }
0x148: {  	[tilespmem:s3+$0xF0] =	vst.add.f32.msk $0xffff, v2  }
0x149: {  	[tilespmem:s3+$0xE0] =	vst.add.f32.msk $0xffff, v3  }
0x14a: {  	[tilespmem:s3+$0xD0] =	vst.add.f32.msk $0xffff, v0  }
0x14b: {  	[tilespmem:s3+$0xC0] =	vst.add.f32.msk $0xffff, v1  }
0x14c: {  	[tilespmem:s3+$0xB0] =	vst.add.f32.msk $0xffff, v2  }
0x14d: {  	[tilespmem:s3+$0xA0] =	vst.add.f32.msk $0xffff, v3  }
0x14e: {  	[tilespmem:s3+$0x90] =	vst.add.f32.msk $0xffff, v0  }
0x14f: {  	[tilespmem:s3+$0x80] =	vst.add.f32.msk $0xffff, v1  }
0x150: {  	[tilespmem:s3+$0x70] =	vst.add.f32.msk $0xffff, v2  }
.Ltmp2:
0x151: {  	[tilespmem:s3+$0x60] =	vst.add.f32.msk $0xffff, v3;
	(pc) =	sbr.rel @p1 .LBB2_7-.Ltmp2, $4  }
0x152: {  	[tilespmem:s3+$0x50] =	vst.add.f32.msk $0xffff, v0  }
0x153: {  	[tilespmem:s3+$0x40] =	vst.add.f32.msk $0xffff, v1  }
0x154: {  	[tilespmem:s3+$0x30] =	vst.add.f32.msk $0xffff, v2  }
0x155: {  	[tilespmem:s3+$0x20] =	vst.add.f32.msk $0xffff, v3  }
0x156: {  	s7 =	sshll.u32 s7, $0x7  }
0x157: {  	s7 =	sadd.s32 s15, s7  }
0x158: {  	s7 =	sshrl.u32 s7, $0x3  }
0x159: {  	[tilespmem:s3+$0x10] =	vst.add.f32.msk $0xffff, v0;
	s16 =	sadd.s32 s6, s7  }
0x15a: {  	[hbm4b:s16+s30] =	stream.strided.scatter [tilespmem:s20], [sflag:$0xB], $0x2000, s31, s30, $0x38;
	[tilespmem:$0xB600] =	vst v63  }
0x15b: {  	s3 =	sadd.s32 @!p0 s14, s9;
	_ =	swait.ge [sflag:s8], $0x2000  }
0x15c: {  	s9 =	simm.s32 @!p0 $0x180;
	s3 =	sshrl.u32 @!p0 s3, $0x3;
	[sflag:s8] =	ssyncset.done $0x0  }
0x15d: {  	s3 =	sadd.s32 @!p0 s1, s3;
	s7 =	simm.s32 @!p0 $0x0;
	[sflag:s8] =	ssyncadd.s32 $0xFFFFE000  }
0x15e: {  	[tilespmem:s9], [sflag:$0x4] =	stream.linear.gather @!p0 [hbm4b:s3+s7], $0x80, $0x38;
	[tilespmem:$0xB600] =	vst v63  }
0x15f: {  	s3 =	simm.s32 @!p0 $0x1  }
0x160: {  	_ =	swait.ge @!p0 [sflag:s3], $0x80  }
0x161: {  	[sflag:s3] =	ssyncset.done @!p0 $0x0  }
0x162: {  	[sflag:s3] =	ssyncadd.s32 @!p0 $0xFFFFFF80  }
0x163: {  	v0 =	vld @!p0 [tilespmem:$0x0]  }
0x164: {  	v1 =	vld @!p0 [tilespmem:$0x10]  }
0x165: {  	v2 =	vld @!p0 [tilespmem:$0x20]  }
0x166: {  	v3 =	vld @!p0 [tilespmem:$0x30]  }
0x167: {  	v4 =	vld @!p0 [tilespmem:$0x40]  }
0x168: {  	v5 =	vld @!p0 [tilespmem:$0x50];
	v0 =	vshll.u32 @!p0 v0, $0x1  }
0x169: {  	[tilespmem:$0x200] =	vst @!p0 v0;
	v0 =	vshll.u32 @!p0 v1, $0x1;
	v1 =	vld @!p0 [tilespmem:$0x60]  }
0x16a: {  	[tilespmem:$0x210] =	vst @!p0 v0;
	v0 =	vshll.u32 @!p0 v2, $0x1;
	v2 =	vld @!p0 [tilespmem:$0x70]  }
0x16b: {  	[tilespmem:$0x220] =	vst @!p0 v0;
	v0 =	vshll.u32 @!p0 v3, $0x1  }
0x16c: {  	[tilespmem:$0x230] =	vst @!p0 v0;
	v0 =	vshll.u32 @!p0 v4, $0x1  }
0x16d: {  	[tilespmem:$0x240] =	vst @!p0 v0;
	v0 =	vshll.u32 @!p0 v5, $0x1  }
0x16e: {  	[tilespmem:$0x250] =	vst @!p0 v0;
	v0 =	vshll.u32 @!p0 v1, $0x1  }
0x16f: {  	[tilespmem:$0x260] =	vst @!p0 v0;
	v0 =	vshll.u32 @!p0 v2, $0x1  }
0x170: {  	s3 =	simm.s32 @!p0 $0x9;
	[tilespmem:$0x270] =	vst @!p0 v0  }
0x171: {  	_ =	swait.ge @!p0 [sflag:s3], $0x2000  }
0x172: {  	s18 =	sshll.u32 s10, $0x6;
	s7 =	simm.s32 @!p0 $0x200;
	[sflag:s3] =	ssyncset.done @!p0 $0x0  }
0x173: {  	s9 =	simm.s32 @!p0 $0x400;
	[sflag:s3] =	ssyncadd.s32 @!p0 $0xFFFFE000;
	s3 =	simm.s32 @!p0 $0x80  }
0x174: {  	[tilespmem:s9], [sflag:$0x5] =	stream.indirect.gather @!p0 [hbm4b:s4+s3], $0x40, s7, s3, $0xb8;
	[tilespmem:$0xB600] =	vst v63  }
0x175: {  	s3 =	sand.u32 $0x3FFFFFC0, s18  }
0x176: {  	v1 =	vld [tilespmem:s3+$0x8400]  }
0x177: {  	v2 =	vld [tilespmem:s3+$0x8430]  }
0x178: {  	v3 =	vld [tilespmem:s3+$0x8420]  }
0x179: {  	v0 =	vld [tilespmem:s3+$0x8410]  }
0x17a: {  	s3 =	simm.s32 $0x6400  }
0x17b: {  	[tilespmem:s3+$0x0] =	vst.add.f32.msk $0xffff, v1  }
0x17c: {  	[tilespmem:s3+$0x1F0] =	vst.add.f32.msk $0xffff, v2  }
0x17d: {  	[tilespmem:s3+$0x1E0] =	vst.add.f32.msk $0xffff, v3  }
0x17e: {  	[tilespmem:s3+$0x1D0] =	vst.add.f32.msk $0xffff, v0  }
0x17f: {  	[tilespmem:s3+$0x1C0] =	vst.add.f32.msk $0xffff, v1  }
0x180: {  	[tilespmem:s3+$0x1B0] =	vst.add.f32.msk $0xffff, v2  }
0x181: {  	[tilespmem:s3+$0x1A0] =	vst.add.f32.msk $0xffff, v3  }
0x182: {  	[tilespmem:s3+$0x190] =	vst.add.f32.msk $0xffff, v0  }
0x183: {  	[tilespmem:s3+$0x180] =	vst.add.f32.msk $0xffff, v1  }
0x184: {  	[tilespmem:s3+$0x170] =	vst.add.f32.msk $0xffff, v2  }
0x185: {  	[tilespmem:s3+$0x160] =	vst.add.f32.msk $0xffff, v3  }
0x186: {  	[tilespmem:s3+$0x150] =	vst.add.f32.msk $0xffff, v0  }
0x187: {  	[tilespmem:s3+$0x140] =	vst.add.f32.msk $0xffff, v1  }
0x188: {  	[tilespmem:s3+$0x130] =	vst.add.f32.msk $0xffff, v2  }
0x189: {  	[tilespmem:s3+$0x120] =	vst.add.f32.msk $0xffff, v3  }
0x18a: {  	[tilespmem:s3+$0x110] =	vst.add.f32.msk $0xffff, v0  }
0x18b: {  	[tilespmem:s3+$0x100] =	vst.add.f32.msk $0xffff, v1  }
0x18c: {  	[tilespmem:s3+$0xF0] =	vst.add.f32.msk $0xffff, v2  }
0x18d: {  	[tilespmem:s3+$0xE0] =	vst.add.f32.msk $0xffff, v3  }
0x18e: {  	[tilespmem:s3+$0xD0] =	vst.add.f32.msk $0xffff, v0  }
0x18f: {  	[tilespmem:s3+$0xC0] =	vst.add.f32.msk $0xffff, v1  }
0x190: {  	[tilespmem:s3+$0xB0] =	vst.add.f32.msk $0xffff, v2  }
0x191: {  	[tilespmem:s3+$0xA0] =	vst.add.f32.msk $0xffff, v3  }
0x192: {  	[tilespmem:s3+$0x90] =	vst.add.f32.msk $0xffff, v0  }
0x193: {  	[tilespmem:s3+$0x80] =	vst.add.f32.msk $0xffff, v1  }
0x194: {  	[tilespmem:s3+$0x70] =	vst.add.f32.msk $0xffff, v2  }
0x195: {  	[tilespmem:s3+$0x60] =	vst.add.f32.msk $0xffff, v3  }
0x196: {  	[tilespmem:s3+$0x50] =	vst.add.f32.msk $0xffff, v0  }
0x197: {  	[tilespmem:s3+$0x40] =	vst.add.f32.msk $0xffff, v1  }
0x198: {  	[tilespmem:s3+$0x30] =	vst.add.f32.msk $0xffff, v2  }
0x199: {  	s7 =	simm.s32 $0x0;
	[tilespmem:s3+$0x20] =	vst.add.f32.msk $0xffff, v3  }
.LBB2_9:
0x19a: {  	s7 =	sadd.s32 $0x8, s7;
	[tilespmem:s3+$0x10] =	vst.add.f32.msk $0xffff, v0;
	s3 =	sadd.s32 $0x200, s3  }
0x19b: {  	[tilespmem:s3+$0x0] =	vst.add.f32.msk $0xffff, v1;
	p0 =	slt.u32 s7, $0x78  }
0x19c: {  	[tilespmem:s3+$0x1F0] =	vst.add.f32.msk $0xffff, v2  }
0x19d: {  	[tilespmem:s3+$0x1E0] =	vst.add.f32.msk $0xffff, v3  }
0x19e: {  	[tilespmem:s3+$0x1D0] =	vst.add.f32.msk $0xffff, v0  }
0x19f: {  	[tilespmem:s3+$0x1C0] =	vst.add.f32.msk $0xffff, v1  }
0x1a0: {  	[tilespmem:s3+$0x1B0] =	vst.add.f32.msk $0xffff, v2  }
0x1a1: {  	[tilespmem:s3+$0x1A0] =	vst.add.f32.msk $0xffff, v3  }
0x1a2: {  	[tilespmem:s3+$0x190] =	vst.add.f32.msk $0xffff, v0  }
0x1a3: {  	[tilespmem:s3+$0x180] =	vst.add.f32.msk $0xffff, v1  }
0x1a4: {  	[tilespmem:s3+$0x170] =	vst.add.f32.msk $0xffff, v2  }
0x1a5: {  	[tilespmem:s3+$0x160] =	vst.add.f32.msk $0xffff, v3  }
0x1a6: {  	[tilespmem:s3+$0x150] =	vst.add.f32.msk $0xffff, v0  }
0x1a7: {  	[tilespmem:s3+$0x140] =	vst.add.f32.msk $0xffff, v1  }
0x1a8: {  	[tilespmem:s3+$0x130] =	vst.add.f32.msk $0xffff, v2  }
0x1a9: {  	[tilespmem:s3+$0x120] =	vst.add.f32.msk $0xffff, v3  }
0x1aa: {  	[tilespmem:s3+$0x110] =	vst.add.f32.msk $0xffff, v0  }
0x1ab: {  	[tilespmem:s3+$0x100] =	vst.add.f32.msk $0xffff, v1  }
0x1ac: {  	[tilespmem:s3+$0xF0] =	vst.add.f32.msk $0xffff, v2  }
0x1ad: {  	[tilespmem:s3+$0xE0] =	vst.add.f32.msk $0xffff, v3  }
0x1ae: {  	[tilespmem:s3+$0xD0] =	vst.add.f32.msk $0xffff, v0  }
0x1af: {  	[tilespmem:s3+$0xC0] =	vst.add.f32.msk $0xffff, v1  }
0x1b0: {  	[tilespmem:s3+$0xB0] =	vst.add.f32.msk $0xffff, v2  }
0x1b1: {  	[tilespmem:s3+$0xA0] =	vst.add.f32.msk $0xffff, v3  }
0x1b2: {  	[tilespmem:s3+$0x90] =	vst.add.f32.msk $0xffff, v0  }
0x1b3: {  	[tilespmem:s3+$0x80] =	vst.add.f32.msk $0xffff, v1  }
0x1b4: {  	[tilespmem:s3+$0x70] =	vst.add.f32.msk $0xffff, v2  }
.Ltmp3:
0x1b5: {  	[tilespmem:s3+$0x60] =	vst.add.f32.msk $0xffff, v3;
	(pc) =	sbr.rel @p0 .LBB2_9-.Ltmp3, $4  }
0x1b6: {  	[tilespmem:s3+$0x50] =	vst.add.f32.msk $0xffff, v0  }
0x1b7: {  	[tilespmem:s3+$0x40] =	vst.add.f32.msk $0xffff, v1  }
0x1b8: {  	[tilespmem:s3+$0x30] =	vst.add.f32.msk $0xffff, v2  }
0x1b9: {  	[tilespmem:s3+$0x20] =	vst.add.f32.msk $0xffff, v3  }
0x1ba: {  	s22 =	sadd.s32 $0x1, s22  }
0x1bb: {  	p0 =	sne.s32 s22, $0x32  }
.Ltmp4:
0x1bc: {  	s7 =	sshll.u32 s10, $0x7;
	(pc) =	sbr.rel @p0 .LBB2_2-.Ltmp4, $4  }
0x1bd: {  	s7 =	sadd.s32 s15, s7  }
0x1be: {  	s7 =	sshrl.u32 s7, $0x3  }
0x1bf: {  	[tilespmem:s3+$0x10] =	vst.add.f32.msk $0xffff, v0;
	s18 =	sadd.s32 s6, s7  }
0x1c0: {  	[hbm4b:s18+s30] =	stream.strided.scatter [tilespmem:s31], [sflag:$0xC], $0x2000, s31, s30, $0x38;
	[tilespmem:$0xB600] =	vst v63  }
0x1c1: {  	s3 =	simm.s32 $0x9  }
0x1c2: {  	_ =	swait.ge [sflag:s3], $0x2000  }
0x1c3: {  	[sflag:s3] =	ssyncset.done $0x0  }
0x1c4: {  	s16 =	simm.s32 $0xA;
	[sflag:s3] =	ssyncadd.s32 $0xFFFFE000  }
0x1c5: {  	_ =	swait.ge [sflag:s16], $0x2000  }
0x1c6: {  	[sflag:s16] =	ssyncset.done $0x0  }
0x1c7: {  	s18 =	simm.s32 $0xB;
	[sflag:s16] =	ssyncadd.s32 $0xFFFFE000  }
0x1c8: {  	_ =	swait.ge [sflag:s18], $0x2000  }
0x1c9: {  	[sflag:s18] =	ssyncset.done $0x0  }
0x1ca: {  	s7 =	simm.s32 $0xC;
	[sflag:s18] =	ssyncadd.s32 $0xFFFFE000  }
0x1cb: {  	_ =	swait.ge [sflag:s7], $0x2000  }
0x1cc: {  	s9 =	rddreg [dreg:$0x9]  }
0x1cd: {  	s22 =	rddreg [dreg:$0x8];
	s9 =	sadd.s32 $0x1, s9  }
0x1ce: {  	p0 =	sne.s32 s9, s22  }
.Ltmp5:
0x1cf: {  	_ = 	snop;
	(pc) =	sbr.rel @p0 .LBB2_1-.Ltmp5, $3  }
0x1d0: {  	_ =	sdelay $0x1  }
0x1d1: {  	[sflag:s7] =	ssyncset.done $0x0  }
0x1d2: {  	[sflag:s7] =	ssyncadd.s32 $0xFFFFE000  }
0x1d3: {  	_ =	sfence.sel $0x180000  }
0x1d4: {  	[bflag:$0x0] =	sbarrier.arrive $0xFFFF  }
0x1d5: {  	_ =	strace $0x9000004A  }
0x1d6: {  	s0 =	stileid.u32;
	[bflag:$0x2] =	sbarrier.arrive $0xFFFF  }
0x1d7: {  	p0 =	sne.s32 s0, $0x0;
	s0 =	rddreg [dreg:$0x2]  }
0x1d8: {  	s0 =	sadd.s32 @!p0 $0x100000, s0  }
0x1d9: {  	[sflag:s0] =	ssyncadd.tile.s32 @!p0 $0x1;
	_ =	shalt  }
.Lfunc_end2:
_tile_overlayer_lowered:
.L_overlay_start_2:
0x1da: {  	(tag) =	ssettag $0x2  }
0x1db: {  	s0 =	rddreg [dreg:$0x0];
	s2 =	stileid.u32  }
0x1dc: {  	s1 =	rddreg [dreg:$0x1];
	p0 =	sne.s32 s2, $0x0  }
0x1dd: {  	s3 =	rddreg [dreg:$0x2];
	[bflag:$0x3] =	sbarrier.arrive $0xFFFF;
	s2 =	simm.s32 @!p0 $0x1C0D  }
0x1de: {  	[timem:s3], [sflag:s2] =	dma.local @!p0 [hbm:s0], s1  }
0x1df: {  	s0 =	simm.s32 @!p0 $0xD  }
0x1e0: {  	_ =	swait.ge @!p0 [sflag:s0], s1  }
0x1e1: {  	s1 =	ssub.s32 @!p0 $0x0, s1;
	[sflag:s0] =	ssyncset.done @!p0 $0x0  }
0x1e2: {  	[sflag:s0] =	ssyncadd.s32 @!p0 s1  }
0x1e3: {  	[bflag:$0x3] =	sbarrier.arrive $0xFFFF  }
0x1e4: {  	_ =	shalt  }

// kernel: sparse-core-data-format-call.1.cloned.1.call-start
scs
called_computation.1_lowered:
.L_overlay_start_0:
0x0: {  	s2 =	sld [smem:$0x3FD9]  }
0x1: {  	s3 =	sld [smem:$0x3FFE];
	_ =	sdelay $0x1  }
0x2: {  	s1 =	srdreg.scid  }
0x3: {  	s0 =	sand.u32 $0x1, s1  }
0x4: {  	s18 =	sshll.u32 s0, $0xA;
	s2 =	sadd.s32 s3, s2  }
0x5: {  	s2 =	sadd.s32 s2, s18  }
0x6: {  	[smem:$0x3FC5] =	sst s2  }
0x7: {  	_ = 	snop  }
0x8: {  	s2 =	sld [smem:$0x3FC8];
	(tm) =	ssettm $0x1  }
0x9: {  	s19 =	sld [smem:$0x3FFB];
	_ =	sdelay $0x3  }
0xa: {  	_ =	strace s19  }
0xb: {  	s3 =	sld [smem:$0x3FFC];
	_ =	sdelay $0x3  }
0xc: {  	_ =	strace s3  }
0xd: {  	s3 =	sld [smem:$0x3FFD];
	_ =	sdelay $0x3  }
0xe: {  	_ =	strace s3  }
0xf: {  	_ =	strace $0x8FFFFFFF  }
0x10: {  	s20 =	sld [smem:$0x3FDB];
	_ =	sdelay $0x1  }
0x11: {  	s4 =	simm.s32 $_scs_section_size  }
0x12: {  	s5 =	simm.s32 $_size__tile_overlayer_lowered;
	s6 =	simm.s32 $_tile_overlayer_lowered  }
0x13: {  	s23 =	simm.s32 $0x1BFF;
	s22 =	sshll.u32 s6, $0x1;
	s3 =	sadd.s32 s4, s20  }
0x14: {  	s7 =	simm.s32 $0x0;
	s21 =	sshll.u32 s5, $0x1;
	s5 =	sadd.s32 s22, s3  }
0x15: {  	[timem:s7], [sflag:s23] =	dma.local [hbm:s5], s21  }
0x16: {  	_ =	swait.ge [sflag:s23], s21  }
0x17: {  	s4 =	ssub.s32 $0x0, s21;
	[sflag:s23] =	ssyncset.done $0x0  }
0x18: {  	[sflag:s23] =	ssyncadd.s32 s4;
	_ =	sdelay $0x1  }
0x19: {  	s24 =	simm.s32 $0x1B8B  }
0x1a: {  	_ =	swait.ge [sflag:s24], $0x1  }
0x1b: {  	[sflag:s24] =	ssyncset.done $0x0  }
0x1c: {  	s26 =	simm.s32 $0x1B8E;
	s25 =	sld [smem:$0x3FFE];
	[sflag:s24] =	ssyncadd.s32 $0xFFFFFFFF  }
0x1d: {  	s27 =	simm.s32 $execute0_lowered;
	[smem:$0x3FD2] =	sst s26  }
0x1e: {  	s5 =	sshll.u32 s27, $0x1;
	_ =	strace $0x80000046;
	[dreg:$0x1] =	wrdreg $0xFFFFFFFF  }
0x1f: {  	s28 =	simm.s32 $_size_execute0_lowered;
	s3 =	sadd.s32 s3, s5;
	[dreg:$0x0] =	wrdreg $0x0  }
0x20: {  	s5 =	sshll.u32 s28, $0x1;
	[dreg:$0x2] =	wrdreg s3  }
0x21: {  	[dreg:$0x3] =	wrdreg s5  }
0x22: {  	[dreg:$0x4] =	wrdreg $0xC0  }
0x23: {  	_ =	task [dreg:s7], $0x5FFFF  }
0x24: {  	[dreg:$0x1] =	wrdreg $0xFFFFFFFF  }
0x25: {  	[dreg:$0x0] =	wrdreg $0x60  }
0x26: {  	[dreg:$0x2] =	wrdreg s2  }
0x27: {  	[dreg:$0x3] =	wrdreg s25  }
0x28: {  	[dreg:$0x4] =	wrdreg $0x9  }
0x29: {  	_ =	task.clear_ibuf [dreg:s7], $0x5FFFF;
	_ =	strace $0x90000046  }
0x2a: {  	s29 =	simm.s32 $0x9;
	_ =	strace $0x80000048  }
0x2b: {  	_ =	swait.ge [sflag:s29], $0x1  }
0x2c: {  	[sflag:s29] =	ssyncadd.s32 $0xFFFFFFFF  }
0x2d: {  	_ =	strace $0x90000048  }
0x2e: {  	_ =	sfence  }
0x2f: {  	s30 =	sld [smem:$0x0];
	_ =	sdelay $0x2  }
0x30: {  	s31 =	sshll.u32 s1, $0xD;
	s1 =	sshrl.u32 s1, $0x2  }
0x31: {  	s3 =	sand.u32 $0x4000, s31;
	s1 =	sadd.s32 s1, s30  }
0x32: {  	s0 =	sor.u32 s3, s0;
	s1 =	sshll.u32 s1, $0x11  }
0x33: {  	s0 =	sor.u32 s1, s0  }
0x34: {  	s0 =	sadd.s32 $0x8F2B, s0  }
0x35: {  	[sflag:s0] =	ssyncadd.remote.s32 $0x1  }
0x36: {  	_ =	sfence.sel $0xFFFF  }
0x37: {  	[dreg:$0x0] =	wrdreg $0xFFFFFFFF;
	(pc) =	sbr.abs _section_cstart, $3  }
0x38: {  	[dreg:$0x1] =	wrdreg $0xFFFFFFFF  }
0x39: {  	_ =	task.clear_ibuf [dreg:s7], $0x2FFFF;
	_ =	strace $0x9FFFFFFF  }
0x3a: {  	(tm) =	ssettm $0x7FFFFFFF  }
0x3b: {  	_ =	shalt  }
tec
execute0_lowered:
.L_overlay_start_1:
0x0: {  	(tag) =	ssettag $0x1  }
0x1: {  	s0 =	srdreg.scid;
	s2 =	rddreg [dreg:$0x0]  }
0x2: {  	s5 =	rddreg [dreg:$0x1];
	s1 =	stileid.u32  }
0x3: {  	s4 =	simm.s32 $0x1;
	s6 =	simm.s32 $0x2;
	s15 =	simm.s32 $0x0  }
0x4: {  	p0 =	por $0x0, $0x0;
	s8 =	simm.s32 $0x80;
	s0 =	sshll.u32 s0, $0x4  }
0x5: {  	s14 =	simm.s32 $0x0;
	s9 =	simm.s32 $0x0;
	s3 =	sand.u32 $0x10, s0  }
.Ltmp0:
0x6: {  	s10 =	simm.s32 $0x0;
	s3 =	sor.u32 s1, s3;
	(pc) =	sbr.rel .LBB1_1-.Ltmp0, $4  }
0x7: {  	s0 =	rddreg [dreg:$0x2];
	_ =	strace $0x80000047;
	s3 =	sshll.u32 s3, $0x7  }
0x8: {  	s12 =	simm.s32 $0x0;
	[sflag:s4] =	ssyncpa.u1 $0x0;
	s7 =	ssub.s32 $0xF4200, s3  }
0x9: {  	s13 =	simm.s32 $0x0;
	[sflag:s6] =	ssyncpa.u1 $0x0;
	s6 =	sshrl.u32 s7, $0xC  }
0xa: {  	s5 =	sadd.s32 $0x1000, s5;
	s11 =	smov.u32 s3;
	s7 =	sadd.s32 $0x2, s6  }
.LBB1_5:
0xb: {  	p1 =	slt.u32 s13, $0x2  }
0xc: {  	s17 =	smov.u32 s15;
	p2 =	sgt.s32 @!p1 s15, $0xF41C0;
	s16 =	sshra.s32 @!p1 s15, $0x1F  }
0xd: {  	p3 =	sgt.s32 @!p1 s14, $0x40;
	s18 =	sshra.s32 @!p1 s14, $0x1F;
	p2 =	por !p2, p1  }
0xe: {  	s15 =	sand.u32 @!p1 s16, s15;
	p3 =	por !p3, p1;
	s16 =	smov.u32 s14  }
0xf: {  	s14 =	sand.u32 @!p1 s18, s14;
	s17 =	simm.s32 @p2 $0xF41C0;
	s16 =	simm.s32 @p3 $0x40  }
0x10: {  	s15 =	ssub.s32 @!p1 s17, s15;
	s14 =	ssub.s32 @!p1 s16, s14  }
0x11: {  	s18 =	smov.u32 s12;
	s16 =	sadd.s32 @!p1 $0xFFF0BE40, s15;
	s17 =	sadd.s32 @!p1 $0xFFFFFFC0, s14  }
0x12: {  	s15 =	ssub.s32 @!p1 $0xF4240, s15;
	p2 =	sgt.s32 @!p1 s16, $0x7F;
	p3 =	sgt.s32 @!p1 s17, $0x3F  }
0x13: {  	s14 =	ssub.s32 @!p1 $0x80, s14;
	p2 =	por !p2, p1;
	p3 =	por !p3, p1  }
0x14: {  	s16 =	sadd.s32 $0x1000, s11;
	s15 =	simm.s32 @!p2 $0x0;
	s14 =	simm.s32 @!p3 $0x0  }
0x15: {  	p2 =	sgt.s32 s16, $0xF423F;
	s14 =	smul.u32 @!p1 s14, s15;
	s15 =	sadd.s32 $0x40, s12  }
0x16: {  	s18 =	smov.u32 @p2 s15  }
0x17: {  	s16 =	smov.u32 @p2 s3;
	p2 =	sgt.s32 s18, $0x3F  }
0x18: {  	s18 =	simm.s32 @p2 $0x0;
	p2 =	sne.s32 s13, s7  }
.Ltmp1:
0x19: {  	p0 =	por !p0, !p0;
	s17 =	simm.s32 @!p1 $0x2;
	(pc) =	sbr.rel @!p2 .LBB1_6-.Ltmp1, $4  }
0x1a: {  	s15 =	smov.u32 s9;
	s9 =	smov.u32 s11;
	s14 =	sand.u32 @!p1 $0x3FFFFFFF, s14  }
0x1b: {  	s11 =	smov.u32 s16;
	_ =	swait.ge @!p1 [sflag:s17], s14;
	s19 =	ssub.s32 @!p1 $0x0, s14  }
0x1c: {  	s14 =	smov.u32 s10;
	s13 =	sadd.s32 $0x1, s13;
	[sflag:s17] =	ssyncset.done @!p1 $0x0  }
0x1d: {  	s10 =	smov.u32 s12;
	s12 =	smov.u32 s18;
	[sflag:s17] =	ssyncadd.s32 @!p1 s19  }
.LBB1_1:
0x1e: {  	p1 =	sgt.u32 s13, s6  }
0x1f: {  	s16 =	sshrl.u32 @!p1 s12, $0x3  }
0x20: {  	s17 =	sshll.u32 @!p1 s11, $0x3;
	s16 =	smul.u32 @!p1 $0x7A1400, s16  }
0x21: {  	s18 =	sshll.u32 @!p1 s12, $0x7;
	s17 =	sand.u32 @!p1 $0xFFFFFC00, s17  }
0x22: {  	s16 =	sadd.s32 @!p1 s16, s17;
	s17 =	sand.u32 @!p1 $0x380, s18  }
0x23: {  	s18 =	sand.u32 @!p1 $0x7F, s11;
	s16 =	sor.u32 @!p1 s17, s16  }
0x24: {  	s17 =	sor.u32 @!p1 s18, s16  }
0x25: {  	s18 =	smulhi.u32 @!p1 $0x218D6287, s17;
	_ =	sdelay $0x1  }
0x26: {  	s16 =	smulhi.u32 @!p1 $0x218D6287, s16;
	s18 =	sshrl.u32 @!p1 s18, $0x11  }
0x27: {  	s18 =	smul.u32 @!p1 $0xF4280, s18  }
0x28: {  	s19 =	sxor.u32 @!p1 $0xFFFFFFFF, s13;
	s16 =	sshrl.u32 @!p1 s16, $0x11  }
0x29: {  	s19 =	sshll.u32 @!p1 s19, $0xD;
	s16 =	sand.u32 @!p1 $0x3F, s16;
	s17 =	ssub.s32 @!p1 s17, s18  }
0x2a: {  	s16 =	smul.u32 @!p1 $0x1E850, s16;
	s18 =	sshrl.u32 @!p1 s17, $0x3;
	s17 =	sand.u32 @!p1 $0x7, s17  }
0x2b: {  	s19 =	sand.u32 @!p1 $0x2000, s19;
	s18 =	sadd.s32 @!p1 s2, s18;
	s17 =	sshll.u32 @!p1 s17, $0x12  }
0x2c: {  	s16 =	sadd.s32 @!p1 s16, s18;
	s17 =	sor.u32 @!p1 $0x400, s17;
	s18 =	simm.s32 @!p1 $0x7A1400  }
0x2d: {  	[tilespmem:s19], [sflag:$0x1] =	stream.strided.gather @!p1 [hbm4b:s16+s17], $0x2000, s18, s17, $0x38;
	[tilespmem:$0x8100] =	vst v63  }
0x2e: {  	p1 =	seq.s32 s13, $0x0  }
0x2f: {  	p2 =	sge.u32 @!p1 s13, s7  }
0x30: {  	p1 =	por p1, p2  }
.Ltmp2:
0x31: {  	_ = 	snop;
	(pc) =	sbr.rel @p1 .LBB1_5-.Ltmp2, $1  }
0x32: {  	_ =	sdelay $0x3  }
0x33: {  	s16 =	simm.s32 $0x1  }
0x34: {  	_ =	swait.ge [sflag:s4], $0x2000;
	s16 =	simm.s32 @!p0 $0x0  }
0x35: {  	[sflag:s4] =	ssyncset.done $0x0;
	s17 =	sshll.u32 s16, $0xD  }
0x36: {  	[sflag:s4] =	ssyncadd.s32 $0xFFFFE000;
	s17 =	sor.u32 $0x40, s17  }
0x37: {  	s16 =	smul.u32 $0x8200, s16;
	v0 =	vld [tilespmem:s17+$0x30]  }
0x38: {  	v1 =	vld [tilespmem:s17+$0xFFFFFFD0]  }
0x39: {  	s16 =	sshrl.u32 s16, $0x2;
	v5 =	vld [tilespmem:s17+$0xFFFFFFE0]  }
0x3a: {  	v6 =	vld [tilespmem:s17+$0xFFFFFFF0];
	s19 =	sor.u32 $0x4000, s16  }
0x3b: {  	s31 =	sand.u32 $0x1, s13;
	v4 =	vld [tilespmem:s17+$0x0];
	s18 =	sadd.s32 $0x0, s19  }
0x3c: {  	v3 =	vld [tilespmem:s17+$0x10];
	s16 =	smul.u32 $0x8200, s31;
	[tilespmem:s18+$0x1C70 ss:$0x41] =	vst.msk $0xffff, v0  }
0x3d: {  	v2 =	vld [tilespmem:s17+$0x20];
	[tilespmem:s18+$0x410 ss:$0x41] =	vst.msk $0xffff, v1  }
0x3e: {  	s16 =	sshrl.u32 s16, $0x2;
	v1 =	vld [tilespmem:s17+$0xFFFFFFC0];
	[tilespmem:s18+$0x820 ss:$0x41] =	vst.msk $0xffff, v5;
	s17 =	sadd.s32 $0x80, s17  }
0x3f: {  	s20 =	simm.s32 $0x4;
	s21 =	simm.s32 $0x8;
	s16 =	sor.u32 $0x4000, s16;
	[tilespmem:s18+$0xC30 ss:$0x41] =	vst.msk $0xffff, v6;
	v0 =	vld [tilespmem:s17+$0x30]  }
.LBB1_3:
0x40: {  	p1 =	sne.s32 s21, $0xFC;
	v5 =	vld [tilespmem:s17+$0xFFFFFFD0];
	[tilespmem:s18+$0x1040 ss:$0x41] =	vst.msk $0xffff, v4  }
0x41: {  	v6 =	vld [tilespmem:s17+$0xFFFFFFE0];
	[tilespmem:s18+$0x1450 ss:$0x41] =	vst.msk $0xffff, v3  }
0x42: {  	s22 =	sshra.s32 s20, $0x2;
	s20 =	smov.u32 s21;
	v7 =	vld [tilespmem:s17+$0xFFFFFFF0];
	[tilespmem:s18+$0x1860 ss:$0x41] =	vst.msk $0xffff, v2  }
.Ltmp3:
0x43: {  	v4 =	vld [tilespmem:s17+$0x0];
	[tilespmem:s18+$0x0 ss:$0x41] =	vst.msk $0xffff, v1;
	s18 =	sadd.s32 s22, s19;
	(pc) =	sbr.rel @p1 .LBB1_3-.Ltmp3, $4  }
0x44: {  	v3 =	vld [tilespmem:s17+$0x10];
	[tilespmem:s18+$0x1C70 ss:$0x41] =	vst.msk $0xffff, v0  }
0x45: {  	[tilespmem:s18+$0x410 ss:$0x41] =	vst.msk $0xffff, v5;
	v2 =	vld [tilespmem:s17+$0x20]  }
0x46: {  	v1 =	vld [tilespmem:s17+$0xFFFFFFC0];
	[tilespmem:s18+$0x820 ss:$0x41] =	vst.msk $0xffff, v6;
	s17 =	sadd.s32 $0x80, s17  }
0x47: {  	s21 =	sadd.s32 $0x4, s21;
	v0 =	vld [tilespmem:s17+$0x30];
	[tilespmem:s18+$0xC30 ss:$0x41] =	vst.msk $0xffff, v7  }
0x48: {  	s21 =	sshll.u32 s9, $0x7;
	s22 =	sshll.u32 s10, $0x3;
	s20 =	sshra.s32 s20, $0x2  }
0x49: {  	p1 =	sgt.s32 s9, $0xF41C0;
	s30 =	sshra.s32 s9, $0x1F;
	s25 =	sshra.s32 s10, $0x1F  }
0x4a: {  	v5 =	vld [tilespmem:s17+$0xFFFFFFD0];
	s28 =	sshrl.u32 s10, $0x3;
	s23 =	sand.u32 $0xFFFFFC00, s21;
	s22 =	sand.u32 $0xFFFFFC00, s22  }
0x4b: {  	[tilespmem:s18+$0x1040 ss:$0x41] =	vst.msk $0xffff, v4;
	v58 =	vld [tilespmem:s17+$0xFFFFFFE0];
	s21 =	sand.u32 $0x380, s21;
	s19 =	sadd.s32 s20, s19;
	s22 =	sadd.s32 s22, s23  }
0x4c: {  	v59 =	vld [tilespmem:s17+$0xFFFFFFF0];
	[tilespmem:s18+$0x1450 ss:$0x41] =	vst.msk $0xffff, v3;
	s29 =	sor.u32 s21, s22;
	s21 =	smov.u32 s9;
	s22 =	sand.u32 s30, s9  }
0x4d: {  	v60 =	vld [tilespmem:s17+$0x0];
	[tilespmem:s18+$0x1860 ss:$0x41] =	vst.msk $0xffff, v2;
	s30 =	sand.u32 $0x7, s10;
	s20 =	sshrl.u32 s29, $0x7;
	s21 =	simm.s32 @!p1 $0xF41C0  }
0x4e: {  	v61 =	vld [tilespmem:s17+$0x10];
	[tilespmem:s18+$0x0 ss:$0x41] =	vst.msk $0xffff, v1;
	p1 =	sgt.s32 s10, $0x40;
	s24 =	ssub.s32 s21, s22;
	s21 =	smov.u32 s10  }
0x4f: {  	v62 =	vld [tilespmem:s17+$0x20];
	[tilespmem:s19+$0x1C70 ss:$0x41] =	vst.msk $0xffff, v0;
	s31 =	smulhi.u32 $0x218DEF5, s20;
	s22 =	sand.u32 s25, s10;
	s21 =	simm.s32 @!p1 $0x40  }
0x50: {  	v63 =	vld [tilespmem:s17+$0xFFFFFFC0];
	[tilespmem:s19+$0x410 ss:$0x41] =	vst.msk $0xffff, v5;
	s26 =	sadd.s32 $0xFFF0BE40, s24;
	s17 =	ssub.s32 $0xF4240, s24;
	s21 =	ssub.s32 s21, s22  }
0x51: {  	[tilespmem:s19+$0x820 ss:$0x41] =	vst.msk $0xffff, v58;
	s23 =	sshrl.u32 s31, $0xD;
	p1 =	sgt.s32 s26, $0x7F;
	s27 =	sadd.s32 $0xFFFFFFC0, s21  }
0x52: {  	[tilespmem:s19+$0xC30 ss:$0x41] =	vst.msk $0xffff, v59;
	s23 =	smul.u32 $0xF4240, s23;
	s18 =	ssub.s32 $0x80, s21;
	p2 =	sgt.s32 s27, $0x3F  }
.Ltmp4:
0x53: {  	[tilespmem:s19+$0x1040 ss:$0x41] =	vst.msk $0xffff, v60;
	s17 =	simm.s32 @p1 $0x0;
	s18 =	simm.s32 @p2 $0x0;
	(pc) =	sbr.rel .LBB1_5-.Ltmp4, $4  }
0x54: {  	s29 =	sand.u32 $0xF, s28;
	[tilespmem:s19+$0x1450 ss:$0x41] =	vst.msk $0xffff, v61;
	s20 =	ssub.s32 s20, s23;
	s17 =	smul.u32 s18, s17  }
0x55: {  	[tilespmem:s19+$0x1860 ss:$0x41] =	vst.msk $0xffff, v62;
	s21 =	sshll.u32 s30, $0x12;
	s20 =	sshll.u32 s20, $0x4;
	s18 =	sadd.s32 s5, s29  }
0x56: {  	[tilespmem:s19+$0x0 ss:$0x41] =	vst.msk $0xffff, v63;
	s31 =	sor.u32 $0x40, s21;
	s18 =	sadd.s32 s20, s18;
	s17 =	sand.u32 $0x3FFFFFFF, s17  }
0x57: {  	[hbm4b:s18+s31] =	stream.strided.scatter [tilespmem:s16], [sflag:$0x2], s17, s8, s31, $0x18;
	[tilespmem:$0x8100] =	vst v63  }
.LBB1_6:
0x58: {  	_ =	sfence.sel $0x180000  }
0x59: {  	s2 =	simm.s32 $0x1;
	[bflag:$0x0] =	sbarrier.arrive $0xFFFF  }
0x5a: {  	s31 =	simm.s32 $0x2;
	[sflag:s2] =	ssyncpa.u1 $0x1  }
0x5b: {  	[sflag:s31] =	ssyncpa.u1 $0x1  }
0x5c: {  	p0 =	sne.s32 s1, $0x0;
	_ =	strace $0x90000047  }
0x5d: {  	s0 =	sadd.s32 @!p0 $0x100000, s0;
	[bflag:$0x2] =	sbarrier.arrive $0xFFFF  }
0x5e: {  	[sflag:s0] =	ssyncadd.tile.s32 @!p0 $0x1;
	_ =	shalt  }
.Lfunc_end1:
_tile_overlayer_lowered:
.L_overlay_start_2:
0x5f: {  	(tag) =	ssettag $0x2  }
0x60: {  	s0 =	rddreg [dreg:$0x0];
	s2 =	stileid.u32  }
0x61: {  	s1 =	rddreg [dreg:$0x1];
	p0 =	sne.s32 s2, $0x0  }
0x62: {  	s3 =	rddreg [dreg:$0x2];
	[bflag:$0x3] =	sbarrier.arrive $0xFFFF;
	s2 =	simm.s32 @!p0 $0x1C01  }
0x63: {  	[timem:s3], [sflag:s2] =	dma.local @!p0 [hbm:s0], s1  }
0x64: {  	s0 =	simm.s32 @!p0 $0x1  }
0x65: {  	_ =	swait.ge @!p0 [sflag:s0], s1  }
0x66: {  	s1 =	ssub.s32 @!p0 $0x0, s1;
	[sflag:s0] =	ssyncset.done @!p0 $0x0  }
0x67: {  	[sflag:s0] =	ssyncadd.s32 @!p0 s1  }
0x68: {  	[bflag:$0x3] =	sbarrier.arrive $0xFFFF  }
0x69: {  	_ =	shalt  }

// kernel: sparse-core-data-format-call.cloned.1.call-start
scs
called_computation_lowered:
.L_overlay_start_0:
0x0: {  	s2 =	sld [smem:$0x3FD9]  }
0x1: {  	s3 =	sld [smem:$0x3FFE];
	_ =	sdelay $0x1  }
0x2: {  	s1 =	srdreg.scid  }
0x3: {  	s0 =	sand.u32 $0x1, s1  }
0x4: {  	s18 =	sshll.u32 s0, $0xA;
	s2 =	sadd.s32 s3, s2  }
0x5: {  	s2 =	sadd.s32 s2, s18  }
0x6: {  	[smem:$0x3FC5] =	sst s2  }
0x7: {  	_ = 	snop  }
0x8: {  	s2 =	sld [smem:$0x3FD0];
	(tm) =	ssettm $0x1  }
0x9: {  	s19 =	sld [smem:$0x3FFB];
	_ =	sdelay $0x3  }
0xa: {  	_ =	strace s19  }
0xb: {  	s3 =	sld [smem:$0x3FFC];
	_ =	sdelay $0x3  }
0xc: {  	_ =	strace s3  }
0xd: {  	s3 =	sld [smem:$0x3FFD];
	_ =	sdelay $0x3  }
0xe: {  	_ =	strace s3  }
0xf: {  	_ =	strace $0x8FFFFFFF  }
0x10: {  	s20 =	sld [smem:$0x3FDB];
	_ =	sdelay $0x1  }
0x11: {  	s4 =	simm.s32 $_scs_section_size  }
0x12: {  	s5 =	simm.s32 $_size__tile_overlayer_lowered;
	s6 =	simm.s32 $_tile_overlayer_lowered  }
0x13: {  	s23 =	simm.s32 $0x1BFF;
	s22 =	sshll.u32 s6, $0x1;
	s3 =	sadd.s32 s4, s20  }
0x14: {  	s7 =	simm.s32 $0x0;
	s21 =	sshll.u32 s5, $0x1;
	s5 =	sadd.s32 s22, s3  }
0x15: {  	[timem:s7], [sflag:s23] =	dma.local [hbm:s5], s21  }
0x16: {  	_ =	swait.ge [sflag:s23], s21  }
0x17: {  	s4 =	ssub.s32 $0x0, s21;
	[sflag:s23] =	ssyncset.done $0x0  }
0x18: {  	[sflag:s23] =	ssyncadd.s32 s4;
	_ =	sdelay $0x1  }
0x19: {  	s24 =	simm.s32 $0x1B8B  }
0x1a: {  	_ =	swait.ge [sflag:s24], $0x1  }
0x1b: {  	[sflag:s24] =	ssyncset.done $0x0  }
0x1c: {  	s26 =	simm.s32 $0x1B8E;
	s25 =	sld [smem:$0x3FFE];
	[sflag:s24] =	ssyncadd.s32 $0xFFFFFFFF  }
0x1d: {  	s27 =	simm.s32 $execute0_lowered;
	[smem:$0x3FD2] =	sst s26  }
0x1e: {  	s5 =	sshll.u32 s27, $0x1;
	_ =	strace $0x8000004C;
	[dreg:$0x1] =	wrdreg $0xFFFFFFFF  }
0x1f: {  	s28 =	simm.s32 $_size_execute0_lowered;
	s3 =	sadd.s32 s3, s5;
	[dreg:$0x0] =	wrdreg $0x0  }
0x20: {  	s5 =	sshll.u32 s28, $0x1;
	[dreg:$0x2] =	wrdreg s3  }
0x21: {  	[dreg:$0x3] =	wrdreg s5  }
0x22: {  	[dreg:$0x4] =	wrdreg $0xC0  }
0x23: {  	_ =	task [dreg:s7], $0x5FFFF  }
0x24: {  	[dreg:$0x1] =	wrdreg $0xFFFFFFFF  }
0x25: {  	[dreg:$0x0] =	wrdreg $0x60  }
0x26: {  	[dreg:$0x2] =	wrdreg s25  }
0x27: {  	[dreg:$0x3] =	wrdreg s2  }
0x28: {  	[dreg:$0x4] =	wrdreg $0x9  }
0x29: {  	_ =	task.clear_ibuf [dreg:s7], $0x5FFFF;
	_ =	strace $0x9000004C  }
0x2a: {  	s29 =	simm.s32 $0x9;
	_ =	strace $0x8000004E  }
0x2b: {  	_ =	swait.ge [sflag:s29], $0x1  }
0x2c: {  	[sflag:s29] =	ssyncadd.s32 $0xFFFFFFFF  }
0x2d: {  	_ =	strace $0x9000004E  }
0x2e: {  	_ =	sfence  }
0x2f: {  	s30 =	sld [smem:$0x0];
	_ =	sdelay $0x2  }
0x30: {  	s31 =	sshll.u32 s1, $0xD;
	s1 =	sshrl.u32 s1, $0x2  }
0x31: {  	s3 =	sand.u32 $0x4000, s31;
	s1 =	sadd.s32 s1, s30  }
0x32: {  	s0 =	sor.u32 s3, s0;
	s1 =	sshll.u32 s1, $0x11  }
0x33: {  	s0 =	sor.u32 s1, s0  }
0x34: {  	s0 =	sadd.s32 $0x8F2B, s0  }
0x35: {  	[sflag:s0] =	ssyncadd.remote.s32 $0x1  }
0x36: {  	_ =	sfence.sel $0xFFFF  }
0x37: {  	[dreg:$0x0] =	wrdreg $0xFFFFFFFF;
	(pc) =	sbr.abs _section_cstart, $3  }
0x38: {  	[dreg:$0x1] =	wrdreg $0xFFFFFFFF  }
0x39: {  	_ =	task.clear_ibuf [dreg:s7], $0x2FFFF;
	_ =	strace $0x9FFFFFFF  }
0x3a: {  	(tm) =	ssettm $0x7FFFFFFF  }
0x3b: {  	_ =	shalt  }
tec
execute0_lowered:
.L_overlay_start_1:
0x0: {  	(tag) =	ssettag $0x1  }
0x1: {  	s0 =	srdreg.scid  }
0x2: {  	s1 =	sshll.u32 s0, $0x4  }
0x3: {  	s0 =	stileid.u32;
	s1 =	sand.u32 $0x10, s1  }
0x4: {  	s1 =	sor.u32 s0, s1  }
0x5: {  	s6 =	rddreg [dreg:$0x0];
	s4 =	simm.s32 $0x1;
	s2 =	sshll.u32 s1, $0x7  }
0x6: {  	s7 =	simm.s32 $0x2;
	s12 =	simm.s32 $0x0;
	s1 =	ssub.s32 $0x1000, s2  }
0x7: {  	s8 =	simm.s32 $0x8000;
	s13 =	simm.s32 $0x0;
	s3 =	sand.u32 $0xF80, s1  }
0x8: {  	s9 =	simm.s32 $0x0;
	s5 =	sshrl.u32 s1, $0xC;
	p0 =	sne.s32 s3, $0x0  }
.Ltmp0:
0x9: {  	s1 =	rddreg [dreg:$0x2];
	s4 =	simm.s32 @!p0 $0x0;
	(pc) =	sbr.rel .LBB1_1-.Ltmp0, $4  }
0xa: {  	s11 =	simm.s32 $0x0;
	s3 =	rddreg [dreg:$0x1];
	s5 =	sadd.s32 s4, s5  }
0xb: {  	_ =	strace $0x8000004D;
	s4 =	simm.s32 $0x1;
	s5 =	smul.u32 $0xC8, s5  }
0xc: {  	s6 =	sadd.s32 $0x1000, s6;
	s10 =	smov.u32 s2;
	[sflag:s4] =	ssyncpa.u1 $0x0  }
0xd: {  	p0 =	por $0x0, $0x0;
	[sflag:s7] =	ssyncpa.u1 $0x0;
	s7 =	sor.u32 $0x1, s5  }
.LBB1_4:
0xe: {  	s16 =	sshll.u32 s13, $0x3;
	s17 =	sand.u32 $0x78, s13  }
0xf: {  	s30 =	sand.u32 $0x7E00, s13;
	s12 =	sshll.u32 s12, $0xF;
	s16 =	sand.u32 $0xC00, s16  }
0x10: {  	[tilespmem:s15+$0x810 ss:$0x81] =	vst.msk $0xffff, v2;
	s31 =	sand.u32 $0x7, s13;
	s16 =	sor.u32 s17, s16;
	s17 =	sadd.s32 s3, s30  }
0x11: {  	[tilespmem:s15+$0x1020 ss:$0x81] =	vst.msk $0xffff, v0;
	s13 =	sshll.u32 s31, $0x12;
	s12 =	sadd.s32 s12, s17;
	s16 =	sshrl.u32 s16, $0x3  }
0x12: {  	[tilespmem:s15+$0x0 ss:$0x81] =	vst.msk $0xffff, v1;
	s13 =	sor.u32 $0x400, s13;
	s12 =	sadd.s32 s16, s12  }
0x13: {  	[hbm4b:s12+s13] =	stream.strided.scatter [tilespmem:s14], [sflag:$0x2], $0x2000, s8, s13, $0x20;
	[tilespmem:$0x8080] =	vst v63  }
.LBB1_5:
0x14: {  	s14 =	sadd.s32 $0x1, s9  }
0x15: {  	s12 =	sadd.s32 $0x1000, s10;
	s16 =	smov.u32 s10;
	p2 =	sgt.s32 s14, $0xC7  }
0x16: {  	s16 =	smov.u32 @p2 s12  }
0x17: {  	s14 =	simm.s32 @p2 $0x0;
	p2 =	sgt.s32 s16, $0xFFF  }
0x18: {  	s16 =	smov.u32 @p2 s2;
	p2 =	sne.s32 s11, s7  }
.Ltmp1:
0x19: {  	p1 =	slt.u32 s11, $0x2;
	(pc) =	sbr.rel @!p2 .LBB1_6-.Ltmp1, $4  }
0x1a: {  	s15 =	simm.s32 @!p1 $0x2  }
0x1b: {  	s13 =	smov.u32 s10;
	p0 =	por !p0, !p0;
	_ =	swait.ge @!p1 [sflag:s15], $0x2000  }
0x1c: {  	s12 =	smov.u32 s9;
	[sflag:s15] =	ssyncset.done @!p1 $0x0;
	s9 =	smov.u32 s14  }
0x1d: {  	s11 =	sadd.s32 $0x1, s11;
	[sflag:s15] =	ssyncadd.s32 @!p1 $0xFFFFE000;
	s10 =	smov.u32 s16  }
.LBB1_1:
0x1e: {  	p1 =	sge.u32 s11, s5  }
0x1f: {  	s14 =	sand.u32 @!p1 $0x1FFFFFF, s9  }
0x20: {  	s15 =	smulhi.u32 @!p1 $0x147AE15, s14;
	_ =	sdelay $0x1  }
0x21: {  	s15 =	smul.u32 @!p1 $0xC8, s15  }
0x22: {  	s16 =	sxor.u32 @!p1 $0xFFFFFFFF, s11;
	s17 =	smul.u32 @!p1 $0xC80, s10  }
0x23: {  	s31 =	sadd.s32 $0xFFFFFFFF, s11;
	s16 =	sshll.u32 @!p1 s16, $0xD;
	s14 =	ssub.s32 @!p1 s14, s15  }
0x24: {  	s15 =	sand.u32 @!p1 $0x2000, s16;
	s16 =	sadd.s32 @!p1 s6, s17;
	s14 =	sshll.u32 @!p1 s14, $0x4  }
0x25: {  	s17 =	simm.s32 @!p1 $0x6400;
	s14 =	sadd.s32 @!p1 s14, s16;
	s16 =	simm.s32 @!p1 $0x40  }
0x26: {  	[tilespmem:s15], [sflag:$0x1] =	stream.strided.gather @!p1 [hbm4b:s14+s16], $0x2000, s17, s16, $0x38;
	[tilespmem:$0x8080] =	vst v63  }
0x27: {  	p1 =	sge.u32 s31, s5  }
.Ltmp2:
0x28: {  	_ = 	snop;
	(pc) =	sbr.rel @p1 .LBB1_5-.Ltmp2, $1  }
0x29: {  	_ =	sdelay $0x3  }
0x2a: {  	s14 =	simm.s32 $0x1  }
0x2b: {  	_ =	swait.ge [sflag:s4], $0x2000;
	s14 =	simm.s32 @!p0 $0x0  }
0x2c: {  	[sflag:s4] =	ssyncset.done $0x0;
	s15 =	sshll.u32 s14, $0xD  }
0x2d: {  	[sflag:s4] =	ssyncadd.s32 $0xFFFFE000;
	s18 =	sor.u32 $0x20, s15  }
0x2e: {  	s14 =	smul.u32 $0x8100, s14;
	v3 =	vld [tilespmem:s18+$0x10]  }
0x2f: {  	s30 =	sand.u32 $0x1, s11;
	v2 =	vld [tilespmem:s18+$0xFFFFFFF0]  }
0x30: {  	s15 =	smul.u32 $0x8100, s30;
	s14 =	sshrl.u32 s14, $0x2;
	v0 =	vld [tilespmem:s18+$0x0]  }
0x31: {  	v1 =	vld [tilespmem:s18+$0xFFFFFFE0];
	s16 =	sor.u32 $0x4000, s14  }
0x32: {  	s31 =	sshrl.u32 s15, $0x2;
	s15 =	sadd.s32 $0x0, s16  }
0x33: {  	s17 =	simm.s32 $0x4;
	s18 =	sadd.s32 $0x40, s18;
	s14 =	sor.u32 $0x4000, s31;
	[tilespmem:s15+$0x1830 ss:$0x81] =	vst.msk $0xffff, v3  }
.LBB1_3:
0x34: {  	v3 =	vld [tilespmem:s18+$0x10];
	p1 =	sne.s32 s17, $0x1FC;
	[tilespmem:s15+$0x810 ss:$0x81] =	vst.msk $0xffff, v2;
	s19 =	smov.u32 s17;
	s17 =	sadd.s32 $0x4, s17  }
.Ltmp3:
0x35: {  	v2 =	vld [tilespmem:s18+$0xFFFFFFF0];
	[tilespmem:s15+$0x1020 ss:$0x81] =	vst.msk $0xffff, v0;
	(pc) =	sbr.rel @p1 .LBB1_3-.Ltmp3, $4  }
0x36: {  	v0 =	vld [tilespmem:s18+$0x0];
	[tilespmem:s15+$0x0 ss:$0x81] =	vst.msk $0xffff, v1  }
0x37: {  	s15 =	sshra.s32 s19, $0x2;
	v1 =	vld [tilespmem:s18+$0xFFFFFFE0]  }
0x38: {  	s15 =	sadd.s32 s15, s16  }
0x39: {  	s18 =	sadd.s32 $0x40, s18;
	[tilespmem:s15+$0x1830 ss:$0x81] =	vst.msk $0xffff, v3  }
.Ltmp4:
0x3a: {  	_ = 	snop;
	(pc) =	sbr.rel .LBB1_4-.Ltmp4, $1  }
0x3b: {  	_ =	sdelay $0x3  }
.LBB1_6:
0x3c: {  	_ =	sfence.sel $0x180000  }
0x3d: {  	s2 =	simm.s32 $0x1;
	[bflag:$0x0] =	sbarrier.arrive $0xFFFF  }
0x3e: {  	s31 =	simm.s32 $0x2;
	[sflag:s2] =	ssyncpa.u1 $0x1  }
0x3f: {  	[sflag:s31] =	ssyncpa.u1 $0x1  }
0x40: {  	p0 =	sne.s32 s0, $0x0;
	_ =	strace $0x9000004D  }
0x41: {  	s0 =	sadd.s32 @!p0 $0x100000, s1;
	[bflag:$0x2] =	sbarrier.arrive $0xFFFF  }
0x42: {  	[sflag:s0] =	ssyncadd.tile.s32 @!p0 $0x1;
	_ =	shalt  }
.Lfunc_end1:
_tile_overlayer_lowered:
.L_overlay_start_2:
0x43: {  	(tag) =	ssettag $0x2  }
0x44: {  	s0 =	rddreg [dreg:$0x0];
	s2 =	stileid.u32  }
0x45: {  	s1 =	rddreg [dreg:$0x1];
	p0 =	sne.s32 s2, $0x0  }
0x46: {  	s3 =	rddreg [dreg:$0x2];
	[bflag:$0x3] =	sbarrier.arrive $0xFFFF;
	s2 =	simm.s32 @!p0 $0x1C01  }
0x47: {  	[timem:s3], [sflag:s2] =	dma.local @!p0 [hbm:s0], s1  }
0x48: {  	s0 =	simm.s32 @!p0 $0x1  }
0x49: {  	_ =	swait.ge @!p0 [sflag:s0], s1  }
0x4a: {  	s1 =	ssub.s32 @!p0 $0x0, s1;
	[sflag:s0] =	ssyncset.done @!p0 $0x0  }
0x4b: {  	[sflag:s0] =	ssyncadd.s32 @!p0 s1  }
0x4c: {  	[bflag:$0x3] =	sbarrier.arrive $0xFFFF  }
0x4d: {  	_ =	shalt  }

</sc_bundles>
